<compile_context>
chip_gen: v7x
topology: tpu7x:2x2x1
jax: 0.10.2.dev20260603
libtpu: 0.0.44.dev20260713+nightly
codegen_flags: <defaults>
</compile_context>

<pallas_src>
import jax
import jax.numpy as jnp
from jax import lax
from jax.experimental import pallas as pl
from jax.experimental.pallas import tpu as pltpu
from jax.experimental.pallas import tpu_sc as plsc

N = 10000
E = 320000
D = 128
NC = 2
NS = 16
NTILE = NC * NS
L = 16
BLK = 128
BPT = 80
B0 = 128
B1 = 32
HB = 16
EP = NTILE * BPT * BLK
NACC = N + 8
RPT = 624
RREM = N - NS * RPT
NP = N + L

_mesh = plsc.VectorSubcoreMesh(core_axis_name="c", subcore_axis_name="s",
                               num_cores=NC, num_subcores=NS)
_params = pltpu.CompilerParams(needs_layout_passes=False)


def _sc_agg_body(x_hbm, src_hbm, dst_hbm, out_hbm,
                 sidx, didx, rows0, rows1, acc, sem0, sem1):
    c = lax.axis_index("c")
    s = lax.axis_index("s")
    b0 = jnp.where(c == 0, s * B0, NS * B0 + s * B1)
    nch = jnp.where(c == 0, B0 // HB, B1 // HB)

    z = jnp.zeros((L,), jnp.float32)

    def zero_row(i, carry):
        for j in range(D // L):
            rows0[i, pl.ds(j * L, L)] = z
        return carry

    lax.fori_loop(0, BLK, zero_row, 0)

    r0 = s * RPT
    csz = [BLK] * (RPT // BLK) + [RPT % BLK]
    for k, sz in enumerate(csz):
        pltpu.sync_copy(rows0.at[pl.ds(0, sz)], acc.at[pl.ds(r0 + k * BLK, sz)])

    @pl.when(s == NS - 1)
    def _zero_tail():
        pltpu.sync_copy(rows0.at[pl.ds(0, RREM)], acc.at[pl.ds(NS * RPT, RREM)])

    plsc.subcore_barrier()

    def gather(b, buf, sem):
        pltpu.async_copy(x_hbm.at[sidx.at[b]], buf, sem)

    def wait_gather(buf, sem):
        pltpu.make_async_copy(x_hbm.at[pl.ds(0, BLK)], buf, sem).wait()

    def half_body(h, carry):
        pltpu.sync_copy(src_hbm.at[pl.ds(b0 + h * HB, HB)], sidx)
        pltpu.sync_copy(dst_hbm.at[pl.ds(b0 + h * HB, HB)], didx)
        gather(0, rows0, sem0)

        def pair(p, c2):
            b = 2 * p
            gather(b + 1, rows1, sem1)
            wait_gather(rows0, sem0)
            pltpu.sync_copy(rows0, acc.at[didx.at[b]], add=True)

            @pl.when(p < HB // 2 - 1)
            def _next():
                gather(b + 2, rows0, sem0)

            wait_gather(rows1, sem1)
            pltpu.sync_copy(rows1, acc.at[didx.at[b + 1]], add=True)
            return c2

        lax.fori_loop(0, HB // 2, pair, 0)
        return carry

    lax.fori_loop(0, nch, half_body, 0)
    plsc.subcore_barrier()

    for k, sz in enumerate(csz):
        pltpu.sync_copy(acc.at[pl.ds(r0 + k * BLK, sz)],
                        out_hbm.at[c, pl.ds(r0 + k * BLK, sz)])

    @pl.when(s == NS - 1)
    def _write_tail():
        pltpu.sync_copy(acc.at[pl.ds(NS * RPT, RREM)],
                        out_hbm.at[c, pl.ds(NS * RPT, RREM)])


_sc_agg = pl.kernel(
    _sc_agg_body,
    out_type=jax.ShapeDtypeStruct((NC, N, D), jnp.float32),
    mesh=_mesh,
    scratch_types=[
        pltpu.VMEM((HB, BLK), jnp.int32),
        pltpu.VMEM((HB, BLK), jnp.int32),
        pltpu.VMEM((BLK, D), jnp.float32),
        pltpu.VMEM((BLK, D), jnp.float32),
        pltpu.VMEM_SHARED((NACC, D), jnp.float32),
        pltpu.SemaphoreType.DMA,
        pltpu.SemaphoreType.DMA,
    ],
    compiler_params=_params,
)


def _sc_deg_body(dst_hbm, deg_hbm, didx, dloc):
    c = lax.axis_index("c")
    s = lax.axis_index("s")
    w = s * NC + c
    b0 = w * BPT

    z = jnp.zeros((L,), jnp.float32)
    ones16 = jnp.ones((L,), jnp.float32)

    def zero_deg(i, carry):
        dloc[pl.ds(i * L, L)] = z
        return carry

    lax.fori_loop(0, NP // L, zero_deg, 0)

    def half_body(h, carry):
        pltpu.sync_copy(dst_hbm.at[pl.ds(b0 + h * HB, HB)], didx)

        def blk_body(b, c2):
            for k in range(BLK // L):
                dvec = didx[b, pl.ds(k * L, L)]
                plsc.addupdate_scatter(dloc, [dvec], ones16)
            return c2

        lax.fori_loop(0, HB, blk_body, 0)
        return carry

    lax.fori_loop(0, BPT // HB, half_body, 0)
    pltpu.sync_copy(dloc, deg_hbm.at[pl.ds(w * NP, NP)])


_sc_deg = pl.kernel(
    _sc_deg_body,
    out_type=jax.ShapeDtypeStruct((NTILE * NP,), jnp.float32),
    mesh=_mesh,
    scratch_types=[
        pltpu.VMEM((HB, BLK), jnp.int32),
        pltpu.VMEM((NP,), jnp.float32),
    ],
    compiler_params=_params,
)


def _tc1_body(agg_ref, dmat_ref, x_ref, wl_ref, wr_ref, b_ref, o_ref, dcol_ref):
    a = agg_ref[0] + agg_ref[1]
    ones_nt = jnp.ones((NTILE, 1), jnp.float32)
    dcol = lax.dot_general(dmat_ref[...], ones_nt, (((0,), (0,)), ((), ())),
                           preferred_element_type=jnp.float32)
    deg = jnp.maximum(dcol, 1.0)
    dcol_ref[...] = deg
    m = a / deg
    o_ref[...] = jax.nn.relu(
        jnp.dot(m, wl_ref[...], preferred_element_type=jnp.float32)
        + b_ref[...]
        + jnp.dot(x_ref[...], wr_ref[...], preferred_element_type=jnp.float32))


def _tc2_body(agg_ref, dg_ref, x_ref, wl_ref, wr_ref, b_ref, o_ref):
    a = agg_ref[0] + agg_ref[1]
    m = a / dg_ref[...]
    o_ref[...] = jax.nn.relu(
        jnp.dot(m, wl_ref[...], preferred_element_type=jnp.float32)
        + b_ref[...]
        + jnp.dot(x_ref[...], wr_ref[...], preferred_element_type=jnp.float32))


_tc1 = pl.pallas_call(
    _tc1_body,
    out_shape=[jax.ShapeDtypeStruct((N, D), jnp.float32),
               jax.ShapeDtypeStruct((N, 1), jnp.float32)],
)

_tc2 = pl.pallas_call(
    _tc2_body,
    out_shape=jax.ShapeDtypeStruct((N, D), jnp.float32),
)


def kernel(x, edge_index, W1l, W1r, b1, W2l, W2r, b2):
    ei = edge_index.astype(jnp.int32)
    src = jnp.concatenate([ei[0], jnp.zeros((EP - E,), jnp.int32)]).reshape(-1, BLK)
    dst = jnp.concatenate([ei[1], jnp.full((EP - E,), N, jnp.int32)]).reshape(-1, BLK)

    degflat = _sc_deg(dst)
    degmat = degflat.reshape(NTILE, NP)[:, :N]
    agg1 = _sc_agg(x, src, dst)
    x1, degcol = _tc1(agg1, degmat, x, W1l, W1r, b1.reshape(1, D))
    agg2 = _sc_agg(x1, src, dst)
    x2 = _tc2(agg2, degcol, x1, W2l, W2r, b2.reshape(1, D))
    return jnp.stack([x1, x2], axis=2)

# --- scband reference (transcript-rebuilt; emitter-appended) ---
"""Pipeline reference for scband-sageencoder-19851338842495 (READ-ONLY COPY).

The authoritative reference and input builder live on the scoring server;
editing this copy changes nothing except your own understanding.
"""

import jax, jax.numpy as jnp
import numpy as np

N_NODES = 10000
N_EDGES = 320000
D_IN = 128
D_HID = 128


def setup_inputs(seed: int = 0) -> dict:
    key = jax.random.key(seed)
    ks = jax.random.split(key, 9)
    x = jax.random.normal(ks[0], (N_NODES, D_IN), dtype=jnp.float32)
    edge_index = jax.random.randint(ks[1], (2, N_EDGES), 0, N_NODES, dtype=jnp.int64)
    s1 = 1.0 / np.sqrt(D_IN)
    s2 = 1.0 / np.sqrt(D_HID)
    W1l = jax.random.uniform(ks[2], (D_IN, D_HID), jnp.float32, -s1, s1)
    W1r = jax.random.uniform(ks[3], (D_IN, D_HID), jnp.float32, -s1, s1)
    b1 = jax.random.uniform(ks[4], (D_HID,), jnp.float32, -s1, s1)
    W2l = jax.random.uniform(ks[5], (D_HID, D_HID), jnp.float32, -s2, s2)
    W2r = jax.random.uniform(ks[6], (D_HID, D_HID), jnp.float32, -s2, s2)
    b2 = jax.random.uniform(ks[7], (D_HID,), jnp.float32, -s2, s2)
    return {"x": x, "edge_index": edge_index, "W1l": W1l, "W1r": W1r, "b1": b1,
            "W2l": W2l, "W2r": W2r, "b2": b2}


def _sage_conv(x, edge_index, Wl, Wr, b):
    # PyG SAGEConv with mean aggregation:
    # out = lin_l(mean_{j in N(i)} x_j) + lin_r(x_i)
    src = edge_index[0]
    dst = edge_index[1]
    msgs = jnp.take(x, src, axis=0)                      # gather  [E, d]
    agg = jax.ops.segment_sum(msgs, dst, num_segments=N_NODES)  # scatter-add [N, d]
    cnt = jax.ops.segment_sum(jnp.ones((msgs.shape[0], 1), dtype=x.dtype), dst,
                              num_segments=N_NODES)
    agg = agg / jnp.maximum(cnt, 1.0)                    # mean (0 for isolated nodes)
    return agg @ Wl + b + x @ Wr


def reference(x, edge_index, W1l, W1r, b1, W2l, W2r, b2):
    x1 = jax.nn.relu(_sage_conv(x, edge_index, W1l, W1r, b1))
    x2 = jax.nn.relu(_sage_conv(x1, edge_index, W2l, W2r, b2))
    return jnp.concatenate([x1[:, :, None], x2[:, :, None]], axis=2)

if __name__ == "__main__":
    import jax
    _d = setup_inputs()
    print(jax.jit(kernel)(*tuple(_d.values())))

</pallas_src>

<mosaic_0001>
#map = affine_map<(d0, d1) -> (0, 0)>
#map1 = affine_map<(d0, d1) -> (0)>
module attributes {stable_mosaic.version = 14 : i64} {
  func.func @_sc_deg_body(%arg0: i32, %arg1: i32, %arg2: memref<2560x128xi32, #tpu.memory_space<hbm>>, %arg3: memref<320512xf32, #tpu.memory_space<hbm>>, %arg4: memref<16x128xi32, #tpu.memory_space<vmem>>, %arg5: memref<10016xf32, #tpu.memory_space<vmem>>) attributes {dimension_semantics = [#tpu.dimension_semantics<core_parallel>, #tpu.dimension_semantics<subcore_parallel>], iteration_bounds = array<i64: 2, 16>, scalar_prefetch = 0 : i64, scratch_operands = 2 : i64, tpu.core_type = #tpu.core_type<sc_vector_subcore>, window_params = [{transform_indices = #map}, {transform_indices = #map1}]} {
    %mul3A = arith.constant 2 : i32
    %mul3A_0 = arith.muli %arg1, %mul3A : i32
    %add3A = arith.addi %mul3A_0, %arg0 : i32
    %mul3A_1 = arith.constant 80 : i32
    %mul3A_2 = arith.muli %add3A, %mul3A_1 : i32
    %broadcast_in_dim3A = arith.constant 0.000000e+00 : f32
    %broadcast_in_dim3A_3 = vector.broadcast %broadcast_in_dim3A : f32 to vector<16xf32>
    %broadcast_in_dim3A_4 = arith.constant 1.000000e+00 : f32
    %broadcast_in_dim3A_5 = vector.broadcast %broadcast_in_dim3A_4 : f32 to vector<16xf32>
    %scan3A = arith.constant 0 : i32
    %scan3A_6 = arith.constant 0 : i32
    %scan3A_7 = arith.constant 626 : i32
    %scan3A_8 = arith.addi %scan3A_6, %scan3A_7 : i32
    %scan3A_9 = arith.constant 1 : i32
    scf.for %scan3A_19 = %scan3A_6 to %scan3A_8 step %scan3A_9  : i32 {
      %mul3A_20 = arith.constant 16 : i32
      %mul3A_21 = arith.muli %scan3A_19, %mul3A_20 : i32
      %swap3A = arith.index_cast %mul3A_21 : i32 to index
      %swap3A_22 = tpu.vector_load %arg5[%swap3A] {strides = array<i32>} : memref<10016xf32, #tpu.memory_space<vmem>>, vector<16xf32>,
      tpu.vector_store %arg5[%swap3A], %broadcast_in_dim3A_3 {strides = array<i32>} : memref<10016xf32, #tpu.memory_space<vmem>>, vector<16xf32>,
    }
    %scan3A_10 = arith.constant 626 : i32
    %scan3A_11 = arith.constant 0 : i32
    %scan3A_12 = arith.constant 0 : i32
    %scan3A_13 = arith.constant 5 : i32
    %scan3A_14 = arith.addi %scan3A_12, %scan3A_13 : i32
    %scan3A_15 = arith.constant 1 : i32
    scf.for %scan3A_19 = %scan3A_12 to %scan3A_14 step %scan3A_15  : i32 {
      %mul3A_20 = arith.constant 16 : i32
      %mul3A_21 = arith.muli %scan3A_19, %mul3A_20 : i32
      %add3A_22 = arith.addi %mul3A_2, %mul3A_21 : i32
      "tpu.region"() ({
        %run_scoped3A = tpu.sem_alloc : memref<!tpu.dma_semaphore, #tpu.memory_space<semaphore_mem>>
        %dma_start3A = arith.constant 0 : i32
        %dma_start3A_29 = tpu.memref_slice %arg2[%add3A_22, %dma_start3A] : memref<2560x128xi32, #tpu.memory_space<hbm>> -> memref<16x128xi32, #tpu.memory_space<hbm>>
        %dma_start3A_30 = arith.constant 0 : i32
        %dma_start3A_31 = tpu.memref_slice %arg2[%add3A_22, %dma_start3A_30] : memref<2560x128xi32, #tpu.memory_space<hbm>> -> memref<16x128xi32, #tpu.memory_space<hbm>>
        tpu.enqueue_dma source(%dma_start3A_31 : memref<16x128xi32, #tpu.memory_space<hbm>>) target(%arg4 : memref<16x128xi32, #tpu.memory_space<vmem>>) target_semaphore(%run_scoped3A : memref<!tpu.dma_semaphore, #tpu.memory_space<semaphore_mem>>)
        %dma_wait3A = arith.constant 0 : i32
        %dma_wait3A_32 = tpu.memref_slice %arg2[%add3A_22, %dma_wait3A] : memref<2560x128xi32, #tpu.memory_space<hbm>> -> memref<16x128xi32, #tpu.memory_space<hbm>>
        %dma_wait3A_33 = arith.constant 0 : i32
        %dma_wait3A_34 = tpu.memref_slice %arg2[%add3A_22, %dma_wait3A_33] : memref<2560x128xi32, #tpu.memory_space<hbm>> -> memref<16x128xi32, #tpu.memory_space<hbm>>
        tpu.wait_dma2 semaphore(%run_scoped3A : memref<!tpu.dma_semaphore, #tpu.memory_space<semaphore_mem>>) src(%dma_wait3A_34 : memref<16x128xi32, #tpu.memory_space<hbm>>) dst(%arg4 : memref<16x128xi32, #tpu.memory_space<vmem>>)
        tpu.yield
      }) : () -> ()
      %scan3A_23 = arith.constant 0 : i32
      %scan3A_24 = arith.constant 0 : i32
      %scan3A_25 = arith.constant 16 : i32
      %scan3A_26 = arith.addi %scan3A_24, %scan3A_25 : i32
      %scan3A_27 = arith.constant 1 : i32
      scf.for %scan3A_29 = %scan3A_24 to %scan3A_26 step %scan3A_27  : i32 {
        %get3A = arith.index_cast %scan3A_29 : i32 to index
        %get3A_30 = arith.constant 0 : index
        %get3A_31 = tpu.vector_load %arg4[%get3A, %get3A_30] {strides = array<i32>} : memref<16x128xi32, #tpu.memory_space<vmem>>, vector<16xi32>,
        tpu.vector_store_idx %arg5[%get3A_31], %broadcast_in_dim3A_5 {add = true} : memref<10016xf32, #tpu.memory_space<vmem>>[vector<16xi32>], vector<16xf32>,
        %get3A_32 = arith.index_cast %scan3A_29 : i32 to index
        %get3A_33 = arith.constant 16 : index
        %get3A_34 = tpu.vector_load %arg4[%get3A_32, %get3A_33] {strides = array<i32>} : memref<16x128xi32, #tpu.memory_space<vmem>>, vector<16xi32>,
        tpu.vector_store_idx %arg5[%get3A_34], %broadcast_in_dim3A_5 {add = true} : memref<10016xf32, #tpu.memory_space<vmem>>[vector<16xi32>], vector<16xf32>,
        %get3A_35 = arith.index_cast %scan3A_29 : i32 to index
        %get3A_36 = arith.constant 32 : index
        %get3A_37 = tpu.vector_load %arg4[%get3A_35, %get3A_36] {strides = array<i32>} : memref<16x128xi32, #tpu.memory_space<vmem>>, vector<16xi32>,
        tpu.vector_store_idx %arg5[%get3A_37], %broadcast_in_dim3A_5 {add = true} : memref<10016xf32, #tpu.memory_space<vmem>>[vector<16xi32>], vector<16xf32>,
        %get3A_38 = arith.index_cast %scan3A_29 : i32 to index
        %get3A_39 = arith.constant 48 : index
        %get3A_40 = tpu.vector_load %arg4[%get3A_38, %get3A_39] {strides = array<i32>} : memref<16x128xi32, #tpu.memory_space<vmem>>, vector<16xi32>,
        tpu.vector_store_idx %arg5[%get3A_40], %broadcast_in_dim3A_5 {add = true} : memref<10016xf32, #tpu.memory_space<vmem>>[vector<16xi32>], vector<16xf32>,
        %get3A_41 = arith.index_cast %scan3A_29 : i32 to index
        %get3A_42 = arith.constant 64 : index
        %get3A_43 = tpu.vector_load %arg4[%get3A_41, %get3A_42] {strides = array<i32>} : memref<16x128xi32, #tpu.memory_space<vmem>>, vector<16xi32>,
        tpu.vector_store_idx %arg5[%get3A_43], %broadcast_in_dim3A_5 {add = true} : memref<10016xf32, #tpu.memory_space<vmem>>[vector<16xi32>], vector<16xf32>,
        %get3A_44 = arith.index_cast %scan3A_29 : i32 to index
        %get3A_45 = arith.constant 80 : index
        %get3A_46 = tpu.vector_load %arg4[%get3A_44, %get3A_45] {strides = array<i32>} : memref<16x128xi32, #tpu.memory_space<vmem>>, vector<16xi32>,
        tpu.vector_store_idx %arg5[%get3A_46], %broadcast_in_dim3A_5 {add = true} : memref<10016xf32, #tpu.memory_space<vmem>>[vector<16xi32>], vector<16xf32>,
        %get3A_47 = arith.index_cast %scan3A_29 : i32 to index
        %get3A_48 = arith.constant 96 : index
        %get3A_49 = tpu.vector_load %arg4[%get3A_47, %get3A_48] {strides = array<i32>} : memref<16x128xi32, #tpu.memory_space<vmem>>, vector<16xi32>,
        tpu.vector_store_idx %arg5[%get3A_49], %broadcast_in_dim3A_5 {add = true} : memref<10016xf32, #tpu.memory_space<vmem>>[vector<16xi32>], vector<16xf32>,
        %get3A_50 = arith.index_cast %scan3A_29 : i32 to index
        %get3A_51 = arith.constant 112 : index
        %get3A_52 = tpu.vector_load %arg4[%get3A_50, %get3A_51] {strides = array<i32>} : memref<16x128xi32, #tpu.memory_space<vmem>>, vector<16xi32>,
        tpu.vector_store_idx %arg5[%get3A_52], %broadcast_in_dim3A_5 {add = true} : memref<10016xf32, #tpu.memory_space<vmem>>[vector<16xi32>], vector<16xf32>,
      }
      %scan3A_28 = arith.constant 16 : i32
    }
    %scan3A_16 = arith.constant 5 : i32
    %mul3A_17 = arith.constant 10016 : i32
    %mul3A_18 = arith.muli %add3A, %mul3A_17 : i32
    "tpu.region"() ({
      %run_scoped3A = tpu.sem_alloc : memref<!tpu.dma_semaphore, #tpu.memory_space<semaphore_mem>>
      %dma_start3A = tpu.memref_slice %arg3[%mul3A_18] : memref<320512xf32, #tpu.memory_space<hbm>> -> memref<10016xf32, #tpu.memory_space<hbm>>
      %dma_start3A_19 = tpu.memref_slice %arg3[%mul3A_18] : memref<320512xf32, #tpu.memory_space<hbm>> -> memref<10016xf32, #tpu.memory_space<hbm>>
      tpu.enqueue_dma source(%arg5 : memref<10016xf32, #tpu.memory_space<vmem>>) target(%dma_start3A_19 : memref<10016xf32, #tpu.memory_space<hbm>>) target_semaphore(%run_scoped3A : memref<!tpu.dma_semaphore, #tpu.memory_space<semaphore_mem>>)
      %dma_wait3A = tpu.memref_slice %arg3[%mul3A_18] : memref<320512xf32, #tpu.memory_space<hbm>> -> memref<10016xf32, #tpu.memory_space<hbm>>
      %dma_wait3A_20 = tpu.memref_slice %arg3[%mul3A_18] : memref<320512xf32, #tpu.memory_space<hbm>> -> memref<10016xf32, #tpu.memory_space<hbm>>
      tpu.wait_dma2 semaphore(%run_scoped3A : memref<!tpu.dma_semaphore, #tpu.memory_space<semaphore_mem>>) src(%arg5 : memref<10016xf32, #tpu.memory_space<vmem>>) dst(%dma_wait3A_20 : memref<10016xf32, #tpu.memory_space<hbm>>)
      tpu.yield
    }) : () -> ()
    return
  }
}

#map = affine_map<(d0, d1) -> (0, 0)>
#map1 = affine_map<(d0, d1) -> (0, 0, 0)>
module attributes {stable_mosaic.version = 14 : i64} {
  func.func @_sc_agg_body(%arg0: i32, %arg1: i32, %arg2: memref<10000x128xf32, #tpu.memory_space<hbm>>, %arg3: memref<2560x128xi32, #tpu.memory_space<hbm>>, %arg4: memref<2560x128xi32, #tpu.memory_space<hbm>>, %arg5: memref<2x10000x128xf32, #tpu.memory_space<hbm>>, %arg6: memref<16x128xi32, #tpu.memory_space<vmem>>, %arg7: memref<16x128xi32, #tpu.memory_space<vmem>>, %arg8: memref<128x128xf32, #tpu.memory_space<vmem>>, %arg9: memref<128x128xf32, #tpu.memory_space<vmem>>, %arg10: memref<10008x128xf32, #tpu.memory_space<vmem_shared>>, %arg11: memref<!tpu.dma_semaphore, #tpu.memory_space<semaphore_mem>>, %arg12: memref<!tpu.dma_semaphore, #tpu.memory_space<semaphore_mem>>) attributes {dimension_semantics = [#tpu.dimension_semantics<core_parallel>, #tpu.dimension_semantics<subcore_parallel>], iteration_bounds = array<i64: 2, 16>, scalar_prefetch = 0 : i64, scratch_operands = 7 : i64, tpu.core_type = #tpu.core_type<sc_vector_subcore>, window_params = [{transform_indices = #map}, {transform_indices = #map}, {transform_indices = #map}, {transform_indices = #map1}]} {
    %eq3A = arith.constant 0 : i32
    %eq3A_0 = arith.cmpi eq, %arg0, %eq3A : i32
    %mul3A = arith.constant 128 : i32
    %mul3A_1 = arith.muli %arg1, %mul3A : i32
    %mul3A_2 = arith.constant 32 : i32
    %mul3A_3 = arith.muli %arg1, %mul3A_2 : i32
    %add3A = arith.constant 2048 : i32
    %add3A_4 = arith.addi %add3A, %mul3A_3 : i32
    %select_n3A = arith.select %eq3A_0, %mul3A_1, %add3A_4 : i32
    %eq3A_5 = arith.constant 0 : i32
    %eq3A_6 = arith.cmpi eq, %arg0, %eq3A_5 : i32
    %jit3A = arith.constant 8 : i32
    %jit3A_7 = arith.constant 2 : i32
    %select_n3A_8 = arith.select %eq3A_6, %jit3A, %jit3A_7 : i32
    %broadcast_in_dim3A = arith.constant 0.000000e+00 : f32
    %broadcast_in_dim3A_9 = vector.broadcast %broadcast_in_dim3A : f32 to vector<16xf32>
    %scan3A = arith.constant 0 : i32
    %scan3A_10 = arith.constant 0 : i32
    %scan3A_11 = arith.constant 128 : i32
    %scan3A_12 = arith.addi %scan3A_10, %scan3A_11 : i32
    %scan3A_13 = arith.constant 1 : i32
    scf.for %scan3A_65 = %scan3A_10 to %scan3A_12 step %scan3A_13  : i32 {
      %swap3A = arith.index_cast %scan3A_65 : i32 to index
      %swap3A_66 = arith.constant 0 : index
      %swap3A_67 = tpu.vector_load %arg8[%swap3A, %swap3A_66] {strides = array<i32>} : memref<128x128xf32, #tpu.memory_space<vmem>>, vector<16xf32>,
      tpu.vector_store %arg8[%swap3A, %swap3A_66], %broadcast_in_dim3A_9 {strides = array<i32>} : memref<128x128xf32, #tpu.memory_space<vmem>>, vector<16xf32>,
      %swap3A_68 = arith.index_cast %scan3A_65 : i32 to index
      %swap3A_69 = arith.constant 16 : index
      %swap3A_70 = tpu.vector_load %arg8[%swap3A_68, %swap3A_69] {strides = array<i32>} : memref<128x128xf32, #tpu.memory_space<vmem>>, vector<16xf32>,
      tpu.vector_store %arg8[%swap3A_68, %swap3A_69], %broadcast_in_dim3A_9 {strides = array<i32>} : memref<128x128xf32, #tpu.memory_space<vmem>>, vector<16xf32>,
      %swap3A_71 = arith.index_cast %scan3A_65 : i32 to index
      %swap3A_72 = arith.constant 32 : index
      %swap3A_73 = tpu.vector_load %arg8[%swap3A_71, %swap3A_72] {strides = array<i32>} : memref<128x128xf32, #tpu.memory_space<vmem>>, vector<16xf32>,
      tpu.vector_store %arg8[%swap3A_71, %swap3A_72], %broadcast_in_dim3A_9 {strides = array<i32>} : memref<128x128xf32, #tpu.memory_space<vmem>>, vector<16xf32>,
      %swap3A_74 = arith.index_cast %scan3A_65 : i32 to index
      %swap3A_75 = arith.constant 48 : index
      %swap3A_76 = tpu.vector_load %arg8[%swap3A_74, %swap3A_75] {strides = array<i32>} : memref<128x128xf32, #tpu.memory_space<vmem>>, vector<16xf32>,
      tpu.vector_store %arg8[%swap3A_74, %swap3A_75], %broadcast_in_dim3A_9 {strides = array<i32>} : memref<128x128xf32, #tpu.memory_space<vmem>>, vector<16xf32>,
      %swap3A_77 = arith.index_cast %scan3A_65 : i32 to index
      %swap3A_78 = arith.constant 64 : index
      %swap3A_79 = tpu.vector_load %arg8[%swap3A_77, %swap3A_78] {strides = array<i32>} : memref<128x128xf32, #tpu.memory_space<vmem>>, vector<16xf32>,
      tpu.vector_store %arg8[%swap3A_77, %swap3A_78], %broadcast_in_dim3A_9 {strides = array<i32>} : memref<128x128xf32, #tpu.memory_space<vmem>>, vector<16xf32>,
      %swap3A_80 = arith.index_cast %scan3A_65 : i32 to index
      %swap3A_81 = arith.constant 80 : index
      %swap3A_82 = tpu.vector_load %arg8[%swap3A_80, %swap3A_81] {strides = array<i32>} : memref<128x128xf32, #tpu.memory_space<vmem>>, vector<16xf32>,
      tpu.vector_store %arg8[%swap3A_80, %swap3A_81], %broadcast_in_dim3A_9 {strides = array<i32>} : memref<128x128xf32, #tpu.memory_space<vmem>>, vector<16xf32>,
      %swap3A_83 = arith.index_cast %scan3A_65 : i32 to index
      %swap3A_84 = arith.constant 96 : index
      %swap3A_85 = tpu.vector_load %arg8[%swap3A_83, %swap3A_84] {strides = array<i32>} : memref<128x128xf32, #tpu.memory_space<vmem>>, vector<16xf32>,
      tpu.vector_store %arg8[%swap3A_83, %swap3A_84], %broadcast_in_dim3A_9 {strides = array<i32>} : memref<128x128xf32, #tpu.memory_space<vmem>>, vector<16xf32>,
      %swap3A_86 = arith.index_cast %scan3A_65 : i32 to index
      %swap3A_87 = arith.constant 112 : index
      %swap3A_88 = tpu.vector_load %arg8[%swap3A_86, %swap3A_87] {strides = array<i32>} : memref<128x128xf32, #tpu.memory_space<vmem>>, vector<16xf32>,
      tpu.vector_store %arg8[%swap3A_86, %swap3A_87], %broadcast_in_dim3A_9 {strides = array<i32>} : memref<128x128xf32, #tpu.memory_space<vmem>>, vector<16xf32>,
    }
    %scan3A_14 = arith.constant 128 : i32
    %mul3A_15 = arith.constant 624 : i32
    %mul3A_16 = arith.muli %arg1, %mul3A_15 : i32
    %add3A_17 = arith.constant 0 : i32
    %add3A_18 = arith.addi %mul3A_16, %add3A_17 : i32
    "tpu.region"() ({
      %run_scoped3A = tpu.sem_alloc : memref<!tpu.dma_semaphore, #tpu.memory_space<semaphore_mem>>
      %dma_start3A = arith.constant 0 : i32
      %dma_start3A_65 = arith.constant 0 : i32
      %dma_start3A_66 = tpu.memref_slice %arg8[%dma_start3A, %dma_start3A_65] : memref<128x128xf32, #tpu.memory_space<vmem>> -> memref<128x128xf32, #tpu.memory_space<vmem>>
      %dma_start3A_67 = arith.constant 0 : i32
      %dma_start3A_68 = tpu.memref_slice %arg10[%add3A_18, %dma_start3A_67] : memref<10008x128xf32, #tpu.memory_space<vmem_shared>> -> memref<128x128xf32, #tpu.memory_space<vmem_shared>>
      %dma_start3A_69 = arith.constant 0 : i32
      %dma_start3A_70 = tpu.memref_slice %arg10[%add3A_18, %dma_start3A_69] : memref<10008x128xf32, #tpu.memory_space<vmem_shared>> -> memref<128x128xf32, #tpu.memory_space<vmem_shared>>
      %dma_start3A_71 = arith.constant 0 : i32
      %dma_start3A_72 = arith.constant 0 : i32
      %dma_start3A_73 = tpu.memref_slice %arg8[%dma_start3A_71, %dma_start3A_72] : memref<128x128xf32, #tpu.memory_space<vmem>> -> memref<128x128xf32, #tpu.memory_space<vmem>>
      tpu.enqueue_dma source(%dma_start3A_73 : memref<128x128xf32, #tpu.memory_space<vmem>>) target(%dma_start3A_70 : memref<128x128xf32, #tpu.memory_space<vmem_shared>>) target_semaphore(%run_scoped3A : memref<!tpu.dma_semaphore, #tpu.memory_space<semaphore_mem>>)
      %dma_wait3A = arith.constant 0 : i32
      %dma_wait3A_74 = arith.constant 0 : i32
      %dma_wait3A_75 = tpu.memref_slice %arg8[%dma_wait3A, %dma_wait3A_74] : memref<128x128xf32, #tpu.memory_space<vmem>> -> memref<128x128xf32, #tpu.memory_space<vmem>>
      %dma_wait3A_76 = arith.constant 0 : i32
      %dma_wait3A_77 = tpu.memref_slice %arg10[%add3A_18, %dma_wait3A_76] : memref<10008x128xf32, #tpu.memory_space<vmem_shared>> -> memref<128x128xf32, #tpu.memory_space<vmem_shared>>
      %dma_wait3A_78 = arith.constant 0 : i32
      %dma_wait3A_79 = tpu.memref_slice %arg10[%add3A_18, %dma_wait3A_78] : memref<10008x128xf32, #tpu.memory_space<vmem_shared>> -> memref<128x128xf32, #tpu.memory_space<vmem_shared>>
      %dma_wait3A_80 = arith.constant 0 : i32
      %dma_wait3A_81 = arith.constant 0 : i32
      %dma_wait3A_82 = tpu.memref_slice %arg8[%dma_wait3A_80, %dma_wait3A_81] : memref<128x128xf32, #tpu.memory_space<vmem>> -> memref<128x128xf32, #tpu.memory_space<vmem>>
      tpu.wait_dma2 semaphore(%run_scoped3A : memref<!tpu.dma_semaphore, #tpu.memory_space<semaphore_mem>>) src(%dma_wait3A_82 : memref<128x128xf32, #tpu.memory_space<vmem>>) dst(%dma_wait3A_79 : memref<128x128xf32, #tpu.memory_space<vmem_shared>>)
      tpu.yield
    }) : () -> ()
    %add3A_19 = arith.constant 128 : i32
    %add3A_20 = arith.addi %mul3A_16, %add3A_19 : i32
    "tpu.region"() ({
      %run_scoped3A = tpu.sem_alloc : memref<!tpu.dma_semaphore, #tpu.memory_space<semaphore_mem>>
      %dma_start3A = arith.constant 0 : i32
      %dma_start3A_65 = arith.constant 0 : i32
      %dma_start3A_66 = tpu.memref_slice %arg8[%dma_start3A, %dma_start3A_65] : memref<128x128xf32, #tpu.memory_space<vmem>> -> memref<128x128xf32, #tpu.memory_space<vmem>>
      %dma_start3A_67 = arith.constant 0 : i32
      %dma_start3A_68 = tpu.memref_slice %arg10[%add3A_20, %dma_start3A_67] : memref<10008x128xf32, #tpu.memory_space<vmem_shared>> -> memref<128x128xf32, #tpu.memory_space<vmem_shared>>
      %dma_start3A_69 = arith.constant 0 : i32
      %dma_start3A_70 = tpu.memref_slice %arg10[%add3A_20, %dma_start3A_69] : memref<10008x128xf32, #tpu.memory_space<vmem_shared>> -> memref<128x128xf32, #tpu.memory_space<vmem_shared>>
      %dma_start3A_71 = arith.constant 0 : i32
      %dma_start3A_72 = arith.constant 0 : i32
      %dma_start3A_73 = tpu.memref_slice %arg8[%dma_start3A_71, %dma_start3A_72] : memref<128x128xf32, #tpu.memory_space<vmem>> -> memref<128x128xf32, #tpu.memory_space<vmem>>
      tpu.enqueue_dma source(%dma_start3A_73 : memref<128x128xf32, #tpu.memory_space<vmem>>) target(%dma_start3A_70 : memref<128x128xf32, #tpu.memory_space<vmem_shared>>) target_semaphore(%run_scoped3A : memref<!tpu.dma_semaphore, #tpu.memory_space<semaphore_mem>>)
      %dma_wait3A = arith.constant 0 : i32
      %dma_wait3A_74 = arith.constant 0 : i32
      %dma_wait3A_75 = tpu.memref_slice %arg8[%dma_wait3A, %dma_wait3A_74] : memref<128x128xf32, #tpu.memory_space<vmem>> -> memref<128x128xf32, #tpu.memory_space<vmem>>
      %dma_wait3A_76 = arith.constant 0 : i32
      %dma_wait3A_77 = tpu.memref_slice %arg10[%add3A_20, %dma_wait3A_76] : memref<10008x128xf32, #tpu.memory_space<vmem_shared>> -> memref<128x128xf32, #tpu.memory_space<vmem_shared>>
      %dma_wait3A_78 = arith.constant 0 : i32
      %dma_wait3A_79 = tpu.memref_slice %arg10[%add3A_20, %dma_wait3A_78] : memref<10008x128xf32, #tpu.memory_space<vmem_shared>> -> memref<128x128xf32, #tpu.memory_space<vmem_shared>>
      %dma_wait3A_80 = arith.constant 0 : i32
      %dma_wait3A_81 = arith.constant 0 : i32
      %dma_wait3A_82 = tpu.memref_slice %arg8[%dma_wait3A_80, %dma_wait3A_81] : memref<128x128xf32, #tpu.memory_space<vmem>> -> memref<128x128xf32, #tpu.memory_space<vmem>>
      tpu.wait_dma2 semaphore(%run_scoped3A : memref<!tpu.dma_semaphore, #tpu.memory_space<semaphore_mem>>) src(%dma_wait3A_82 : memref<128x128xf32, #tpu.memory_space<vmem>>) dst(%dma_wait3A_79 : memref<128x128xf32, #tpu.memory_space<vmem_shared>>)
      tpu.yield
    }) : () -> ()
    %add3A_21 = arith.constant 256 : i32
    %add3A_22 = arith.addi %mul3A_16, %add3A_21 : i32
    "tpu.region"() ({
      %run_scoped3A = tpu.sem_alloc : memref<!tpu.dma_semaphore, #tpu.memory_space<semaphore_mem>>
      %dma_start3A = arith.constant 0 : i32
      %dma_start3A_65 = arith.constant 0 : i32
      %dma_start3A_66 = tpu.memref_slice %arg8[%dma_start3A, %dma_start3A_65] : memref<128x128xf32, #tpu.memory_space<vmem>> -> memref<128x128xf32, #tpu.memory_space<vmem>>
      %dma_start3A_67 = arith.constant 0 : i32
      %dma_start3A_68 = tpu.memref_slice %arg10[%add3A_22, %dma_start3A_67] : memref<10008x128xf32, #tpu.memory_space<vmem_shared>> -> memref<128x128xf32, #tpu.memory_space<vmem_shared>>
      %dma_start3A_69 = arith.constant 0 : i32
      %dma_start3A_70 = tpu.memref_slice %arg10[%add3A_22, %dma_start3A_69] : memref<10008x128xf32, #tpu.memory_space<vmem_shared>> -> memref<128x128xf32, #tpu.memory_space<vmem_shared>>
      %dma_start3A_71 = arith.constant 0 : i32
      %dma_start3A_72 = arith.constant 0 : i32
      %dma_start3A_73 = tpu.memref_slice %arg8[%dma_start3A_71, %dma_start3A_72] : memref<128x128xf32, #tpu.memory_space<vmem>> -> memref<128x128xf32, #tpu.memory_space<vmem>>
      tpu.enqueue_dma source(%dma_start3A_73 : memref<128x128xf32, #tpu.memory_space<vmem>>) target(%dma_start3A_70 : memref<128x128xf32, #tpu.memory_space<vmem_shared>>) target_semaphore(%run_scoped3A : memref<!tpu.dma_semaphore, #tpu.memory_space<semaphore_mem>>)
      %dma_wait3A = arith.constant 0 : i32
      %dma_wait3A_74 = arith.constant 0 : i32
      %dma_wait3A_75 = tpu.memref_slice %arg8[%dma_wait3A, %dma_wait3A_74] : memref<128x128xf32, #tpu.memory_space<vmem>> -> memref<128x128xf32, #tpu.memory_space<vmem>>
      %dma_wait3A_76 = arith.constant 0 : i32
      %dma_wait3A_77 = tpu.memref_slice %arg10[%add3A_22, %dma_wait3A_76] : memref<10008x128xf32, #tpu.memory_space<vmem_shared>> -> memref<128x128xf32, #tpu.memory_space<vmem_shared>>
      %dma_wait3A_78 = arith.constant 0 : i32
      %dma_wait3A_79 = tpu.memref_slice %arg10[%add3A_22, %dma_wait3A_78] : memref<10008x128xf32, #tpu.memory_space<vmem_shared>> -> memref<128x128xf32, #tpu.memory_space<vmem_shared>>
      %dma_wait3A_80 = arith.constant 0 : i32
      %dma_wait3A_81 = arith.constant 0 : i32
      %dma_wait3A_82 = tpu.memref_slice %arg8[%dma_wait3A_80, %dma_wait3A_81] : memref<128x128xf32, #tpu.memory_space<vmem>> -> memref<128x128xf32, #tpu.memory_space<vmem>>
      tpu.wait_dma2 semaphore(%run_scoped3A : memref<!tpu.dma_semaphore, #tpu.memory_space<semaphore_mem>>) src(%dma_wait3A_82 : memref<128x128xf32, #tpu.memory_space<vmem>>) dst(%dma_wait3A_79 : memref<128x128xf32, #tpu.memory_space<vmem_shared>>)
      tpu.yield
    }) : () -> ()
    %add3A_23 = arith.constant 384 : i32
    %add3A_24 = arith.addi %mul3A_16, %add3A_23 : i32
    "tpu.region"() ({
      %run_scoped3A = tpu.sem_alloc : memref<!tpu.dma_semaphore, #tpu.memory_space<semaphore_mem>>
      %dma_start3A = arith.constant 0 : i32
      %dma_start3A_65 = arith.constant 0 : i32
      %dma_start3A_66 = tpu.memref_slice %arg8[%dma_start3A, %dma_start3A_65] : memref<128x128xf32, #tpu.memory_space<vmem>> -> memref<128x128xf32, #tpu.memory_space<vmem>>
      %dma_start3A_67 = arith.constant 0 : i32
      %dma_start3A_68 = tpu.memref_slice %arg10[%add3A_24, %dma_start3A_67] : memref<10008x128xf32, #tpu.memory_space<vmem_shared>> -> memref<128x128xf32, #tpu.memory_space<vmem_shared>>
      %dma_start3A_69 = arith.constant 0 : i32
      %dma_start3A_70 = tpu.memref_slice %arg10[%add3A_24, %dma_start3A_69] : memref<10008x128xf32, #tpu.memory_space<vmem_shared>> -> memref<128x128xf32, #tpu.memory_space<vmem_shared>>
      %dma_start3A_71 = arith.constant 0 : i32
      %dma_start3A_72 = arith.constant 0 : i32
      %dma_start3A_73 = tpu.memref_slice %arg8[%dma_start3A_71, %dma_start3A_72] : memref<128x128xf32, #tpu.memory_space<vmem>> -> memref<128x128xf32, #tpu.memory_space<vmem>>
      tpu.enqueue_dma source(%dma_start3A_73 : memref<128x128xf32, #tpu.memory_space<vmem>>) target(%dma_start3A_70 : memref<128x128xf32, #tpu.memory_space<vmem_shared>>) target_semaphore(%run_scoped3A : memref<!tpu.dma_semaphore, #tpu.memory_space<semaphore_mem>>)
      %dma_wait3A = arith.constant 0 : i32
      %dma_wait3A_74 = arith.constant 0 : i32
      %dma_wait3A_75 = tpu.memref_slice %arg8[%dma_wait3A, %dma_wait3A_74] : memref<128x128xf32, #tpu.memory_space<vmem>> -> memref<128x128xf32, #tpu.memory_space<vmem>>
      %dma_wait3A_76 = arith.constant 0 : i32
      %dma_wait3A_77 = tpu.memref_slice %arg10[%add3A_24, %dma_wait3A_76] : memref<10008x128xf32, #tpu.memory_space<vmem_shared>> -> memref<128x128xf32, #tpu.memory_space<vmem_shared>>
      %dma_wait3A_78 = arith.constant 0 : i32
      %dma_wait3A_79 = tpu.memref_slice %arg10[%add3A_24, %dma_wait3A_78] : memref<10008x128xf32, #tpu.memory_space<vmem_shared>> -> memref<128x128xf32, #tpu.memory_space<vmem_shared>>
      %dma_wait3A_80 = arith.constant 0 : i32
      %dma_wait3A_81 = arith.constant 0 : i32
      %dma_wait3A_82 = tpu.memref_slice %arg8[%dma_wait3A_80, %dma_wait3A_81] : memref<128x128xf32, #tpu.memory_space<vmem>> -> memref<128x128xf32, #tpu.memory_space<vmem>>
      tpu.wait_dma2 semaphore(%run_scoped3A : memref<!tpu.dma_semaphore, #tpu.memory_space<semaphore_mem>>) src(%dma_wait3A_82 : memref<128x128xf32, #tpu.memory_space<vmem>>) dst(%dma_wait3A_79 : memref<128x128xf32, #tpu.memory_space<vmem_shared>>)
      tpu.yield
    }) : () -> ()
    %add3A_25 = arith.constant 512 : i32
    %add3A_26 = arith.addi %mul3A_16, %add3A_25 : i32
    "tpu.region"() ({
      %run_scoped3A = tpu.sem_alloc : memref<!tpu.dma_semaphore, #tpu.memory_space<semaphore_mem>>
      %dma_start3A = arith.constant 0 : i32
      %dma_start3A_65 = arith.constant 0 : i32
      %dma_start3A_66 = tpu.memref_slice %arg8[%dma_start3A, %dma_start3A_65] : memref<128x128xf32, #tpu.memory_space<vmem>> -> memref<112x128xf32, #tpu.memory_space<vmem>>
      %dma_start3A_67 = arith.constant 0 : i32
      %dma_start3A_68 = tpu.memref_slice %arg10[%add3A_26, %dma_start3A_67] : memref<10008x128xf32, #tpu.memory_space<vmem_shared>> -> memref<112x128xf32, #tpu.memory_space<vmem_shared>>
      %dma_start3A_69 = arith.constant 0 : i32
      %dma_start3A_70 = tpu.memref_slice %arg10[%add3A_26, %dma_start3A_69] : memref<10008x128xf32, #tpu.memory_space<vmem_shared>> -> memref<112x128xf32, #tpu.memory_space<vmem_shared>>
      %dma_start3A_71 = arith.constant 0 : i32
      %dma_start3A_72 = arith.constant 0 : i32
      %dma_start3A_73 = tpu.memref_slice %arg8[%dma_start3A_71, %dma_start3A_72] : memref<128x128xf32, #tpu.memory_space<vmem>> -> memref<112x128xf32, #tpu.memory_space<vmem>>
      tpu.enqueue_dma source(%dma_start3A_73 : memref<112x128xf32, #tpu.memory_space<vmem>>) target(%dma_start3A_70 : memref<112x128xf32, #tpu.memory_space<vmem_shared>>) target_semaphore(%run_scoped3A : memref<!tpu.dma_semaphore, #tpu.memory_space<semaphore_mem>>)
      %dma_wait3A = arith.constant 0 : i32
      %dma_wait3A_74 = arith.constant 0 : i32
      %dma_wait3A_75 = tpu.memref_slice %arg8[%dma_wait3A, %dma_wait3A_74] : memref<128x128xf32, #tpu.memory_space<vmem>> -> memref<112x128xf32, #tpu.memory_space<vmem>>
      %dma_wait3A_76 = arith.constant 0 : i32
      %dma_wait3A_77 = tpu.memref_slice %arg10[%add3A_26, %dma_wait3A_76] : memref<10008x128xf32, #tpu.memory_space<vmem_shared>> -> memref<112x128xf32, #tpu.memory_space<vmem_shared>>
      %dma_wait3A_78 = arith.constant 0 : i32
      %dma_wait3A_79 = tpu.memref_slice %arg10[%add3A_26, %dma_wait3A_78] : memref<10008x128xf32, #tpu.memory_space<vmem_shared>> -> memref<112x128xf32, #tpu.memory_space<vmem_shared>>
      %dma_wait3A_80 = arith.constant 0 : i32
      %dma_wait3A_81 = arith.constant 0 : i32
      %dma_wait3A_82 = tpu.memref_slice %arg8[%dma_wait3A_80, %dma_wait3A_81] : memref<128x128xf32, #tpu.memory_space<vmem>> -> memref<112x128xf32, #tpu.memory_space<vmem>>
      tpu.wait_dma2 semaphore(%run_scoped3A : memref<!tpu.dma_semaphore, #tpu.memory_space<semaphore_mem>>) src(%dma_wait3A_82 : memref<112x128xf32, #tpu.memory_space<vmem>>) dst(%dma_wait3A_79 : memref<112x128xf32, #tpu.memory_space<vmem_shared>>)
      tpu.yield
    }) : () -> ()
    %eq3A_27 = arith.constant 15 : i32
    %eq3A_28 = arith.cmpi eq, %arg1, %eq3A_27 : i32
    %convert_element_type3A = arith.extui %eq3A_28 : i1 to i32
    %cond3A = arith.constant 0 : i32
    %cond3A_29 = arith.cmpi ne, %convert_element_type3A, %cond3A : i32
    scf.if %cond3A_29 {
      "tpu.region"() ({
        %run_scoped3A = tpu.sem_alloc : memref<!tpu.dma_semaphore, #tpu.memory_space<semaphore_mem>>
        %dma_start3A = arith.constant 0 : i32
        %dma_start3A_65 = arith.constant 0 : i32
        %dma_start3A_66 = tpu.memref_slice %arg8[%dma_start3A, %dma_start3A_65] : memref<128x128xf32, #tpu.memory_space<vmem>> -> memref<16x128xf32, #tpu.memory_space<vmem>>
        %dma_start3A_67 = arith.constant 9984 : i32
        %dma_start3A_68 = arith.constant 0 : i32
        %dma_start3A_69 = tpu.memref_slice %arg10[%dma_start3A_67, %dma_start3A_68] : memref<10008x128xf32, #tpu.memory_space<vmem_shared>> -> memref<16x128xf32, #tpu.memory_space<vmem_shared>>
        %dma_start3A_70 = arith.constant 9984 : i32
        %dma_start3A_71 = arith.constant 0 : i32
        %dma_start3A_72 = tpu.memref_slice %arg10[%dma_start3A_70, %dma_start3A_71] : memref<10008x128xf32, #tpu.memory_space<vmem_shared>> -> memref<16x128xf32, #tpu.memory_space<vmem_shared>>
        %dma_start3A_73 = arith.constant 0 : i32
        %dma_start3A_74 = arith.constant 0 : i32
        %dma_start3A_75 = tpu.memref_slice %arg8[%dma_start3A_73, %dma_start3A_74] : memref<128x128xf32, #tpu.memory_space<vmem>> -> memref<16x128xf32, #tpu.memory_space<vmem>>
        tpu.enqueue_dma source(%dma_start3A_75 : memref<16x128xf32, #tpu.memory_space<vmem>>) target(%dma_start3A_72 : memref<16x128xf32, #tpu.memory_space<vmem_shared>>) target_semaphore(%run_scoped3A : memref<!tpu.dma_semaphore, #tpu.memory_space<semaphore_mem>>)
        %dma_wait3A = arith.constant 0 : i32
        %dma_wait3A_76 = arith.constant 0 : i32
        %dma_wait3A_77 = tpu.memref_slice %arg8[%dma_wait3A, %dma_wait3A_76] : memref<128x128xf32, #tpu.memory_space<vmem>> -> memref<16x128xf32, #tpu.memory_space<vmem>>
        %dma_wait3A_78 = arith.constant 9984 : i32
        %dma_wait3A_79 = arith.constant 0 : i32
        %dma_wait3A_80 = tpu.memref_slice %arg10[%dma_wait3A_78, %dma_wait3A_79] : memref<10008x128xf32, #tpu.memory_space<vmem_shared>> -> memref<16x128xf32, #tpu.memory_space<vmem_shared>>
        %dma_wait3A_81 = arith.constant 9984 : i32
        %dma_wait3A_82 = arith.constant 0 : i32
        %dma_wait3A_83 = tpu.memref_slice %arg10[%dma_wait3A_81, %dma_wait3A_82] : memref<10008x128xf32, #tpu.memory_space<vmem_shared>> -> memref<16x128xf32, #tpu.memory_space<vmem_shared>>
        %dma_wait3A_84 = arith.constant 0 : i32
        %dma_wait3A_85 = arith.constant 0 : i32
        %dma_wait3A_86 = tpu.memref_slice %arg8[%dma_wait3A_84, %dma_wait3A_85] : memref<128x128xf32, #tpu.memory_space<vmem>> -> memref<16x128xf32, #tpu.memory_space<vmem>>
        tpu.wait_dma2 semaphore(%run_scoped3A : memref<!tpu.dma_semaphore, #tpu.memory_space<semaphore_mem>>) src(%dma_wait3A_86 : memref<16x128xf32, #tpu.memory_space<vmem>>) dst(%dma_wait3A_83 : memref<16x128xf32, #tpu.memory_space<vmem_shared>>)
        tpu.yield
      }) : () -> ()
    } else {
    }
    %barrier3A = arith.constant 0 : index
    tpu.barrier barrier_id(%barrier3A)
    %while3A = arith.constant 0 : i32
    %while3A_30 = arith.constant 0 : i32
    %while3A_31 = arith.subi %select_n3A_8, %while3A_30 : i32
    %while3A_32 = arith.addi %while3A_30, %while3A_31 : i32
    %while3A_33 = arith.constant 1 : i32
    %while3A_34 = arith.divsi %while3A_31, %while3A_33 : i32
    %while3A_35 = arith.muli %while3A_34, %while3A_33 : i32
    %while3A_36 = arith.addi %while3A_30, %while3A_35 : i32
    %while3A_37 = arith.constant 1 : i32
    scf.for %while3A_65 = %while3A_30 to %while3A_36 step %while3A_37  : i32 {
      %mul3A_66 = arith.constant 16 : i32
      %mul3A_67 = arith.muli %while3A_65, %mul3A_66 : i32
      %add3A_68 = arith.addi %select_n3A, %mul3A_67 : i32
      "tpu.region"() ({
        %run_scoped3A = tpu.sem_alloc : memref<!tpu.dma_semaphore, #tpu.memory_space<semaphore_mem>>
        %dma_start3A_84 = arith.constant 0 : i32
        %dma_start3A_85 = tpu.memref_slice %arg3[%add3A_68, %dma_start3A_84] : memref<2560x128xi32, #tpu.memory_space<hbm>> -> memref<16x128xi32, #tpu.memory_space<hbm>>
        %dma_start3A_86 = arith.constant 0 : i32
        %dma_start3A_87 = tpu.memref_slice %arg3[%add3A_68, %dma_start3A_86] : memref<2560x128xi32, #tpu.memory_space<hbm>> -> memref<16x128xi32, #tpu.memory_space<hbm>>
        tpu.enqueue_dma source(%dma_start3A_87 : memref<16x128xi32, #tpu.memory_space<hbm>>) target(%arg6 : memref<16x128xi32, #tpu.memory_space<vmem>>) target_semaphore(%run_scoped3A : memref<!tpu.dma_semaphore, #tpu.memory_space<semaphore_mem>>)
        %dma_wait3A = arith.constant 0 : i32
        %dma_wait3A_88 = tpu.memref_slice %arg3[%add3A_68, %dma_wait3A] : memref<2560x128xi32, #tpu.memory_space<hbm>> -> memref<16x128xi32, #tpu.memory_space<hbm>>
        %dma_wait3A_89 = arith.constant 0 : i32
        %dma_wait3A_90 = tpu.memref_slice %arg3[%add3A_68, %dma_wait3A_89] : memref<2560x128xi32, #tpu.memory_space<hbm>> -> memref<16x128xi32, #tpu.memory_space<hbm>>
        tpu.wait_dma2 semaphore(%run_scoped3A : memref<!tpu.dma_semaphore, #tpu.memory_space<semaphore_mem>>) src(%dma_wait3A_90 : memref<16x128xi32, #tpu.memory_space<hbm>>) dst(%arg6 : memref<16x128xi32, #tpu.memory_space<vmem>>)
        tpu.yield
      }) : () -> ()
      %mul3A_69 = arith.constant 16 : i32
      %mul3A_70 = arith.muli %while3A_65, %mul3A_69 : i32
      %add3A_71 = arith.addi %select_n3A, %mul3A_70 : i32
      "tpu.region"() ({
        %run_scoped3A = tpu.sem_alloc : memref<!tpu.dma_semaphore, #tpu.memory_space<semaphore_mem>>
        %dma_start3A_84 = arith.constant 0 : i32
        %dma_start3A_85 = tpu.memref_slice %arg4[%add3A_71, %dma_start3A_84] : memref<2560x128xi32, #tpu.memory_space<hbm>> -> memref<16x128xi32, #tpu.memory_space<hbm>>
        %dma_start3A_86 = arith.constant 0 : i32
        %dma_start3A_87 = tpu.memref_slice %arg4[%add3A_71, %dma_start3A_86] : memref<2560x128xi32, #tpu.memory_space<hbm>> -> memref<16x128xi32, #tpu.memory_space<hbm>>
        tpu.enqueue_dma source(%dma_start3A_87 : memref<16x128xi32, #tpu.memory_space<hbm>>) target(%arg7 : memref<16x128xi32, #tpu.memory_space<vmem>>) target_semaphore(%run_scoped3A : memref<!tpu.dma_semaphore, #tpu.memory_space<semaphore_mem>>)
        %dma_wait3A = arith.constant 0 : i32
        %dma_wait3A_88 = tpu.memref_slice %arg4[%add3A_71, %dma_wait3A] : memref<2560x128xi32, #tpu.memory_space<hbm>> -> memref<16x128xi32, #tpu.memory_space<hbm>>
        %dma_wait3A_89 = arith.constant 0 : i32
        %dma_wait3A_90 = tpu.memref_slice %arg4[%add3A_71, %dma_wait3A_89] : memref<2560x128xi32, #tpu.memory_space<hbm>> -> memref<16x128xi32, #tpu.memory_space<hbm>>
        tpu.wait_dma2 semaphore(%run_scoped3A : memref<!tpu.dma_semaphore, #tpu.memory_space<semaphore_mem>>) src(%dma_wait3A_90 : memref<16x128xi32, #tpu.memory_space<hbm>>) dst(%arg7 : memref<16x128xi32, #tpu.memory_space<vmem>>)
        tpu.yield
      }) : () -> ()
      %dma_start3A = arith.constant 0 : i32
      %dma_start3A_72 = arith.constant 0 : i32
      %dma_start3A_73 = tpu.memref_slice %arg6[%dma_start3A, %dma_start3A_72] : memref<16x128xi32, #tpu.memory_space<vmem>> -> memref<1x128xi32, #tpu.memory_space<vmem>>
      %dma_start3A_74 = tpu.memref_squeeze %dma_start3A_73 : memref<1x128xi32, #tpu.memory_space<vmem>> -> memref<128xi32, #tpu.memory_space<vmem>>
      %dma_start3A_75 = arith.constant 0 : i32
      %dma_start3A_76 = arith.constant 0 : i32
      %dma_start3A_77 = tpu.memref_slice %arg2[%dma_start3A_75, %dma_start3A_76] : memref<10000x128xf32, #tpu.memory_space<hbm>> -> memref<10000x128xf32, #tpu.memory_space<hbm>>
      tpu.enqueue_indirect_dma source(%dma_start3A_77 : memref<10000x128xf32, #tpu.memory_space<hbm>>) target(%arg8 : memref<128x128xf32, #tpu.memory_space<vmem>>) offsets(%dma_start3A_74 : memref<128xi32, #tpu.memory_space<vmem>>) semaphore(%arg11 : memref<!tpu.dma_semaphore, #tpu.memory_space<semaphore_mem>>)
      %scan3A_78 = arith.constant 0 : i32
      %scan3A_79 = arith.constant 0 : i32
      %scan3A_80 = arith.constant 8 : i32
      %scan3A_81 = arith.addi %scan3A_79, %scan3A_80 : i32
      %scan3A_82 = arith.constant 1 : i32
      scf.for %scan3A_84 = %scan3A_79 to %scan3A_81 step %scan3A_82  : i32 {
        %mul3A_85 = arith.constant 2 : i32
        %mul3A_86 = arith.muli %mul3A_85, %scan3A_84 : i32
        %add3A_87 = arith.constant 1 : i32
        %add3A_88 = arith.addi %mul3A_86, %add3A_87 : i32
        %dma_start3A_89 = arith.constant 0 : i32
        %dma_start3A_90 = tpu.memref_slice %arg6[%add3A_88, %dma_start3A_89] : memref<16x128xi32, #tpu.memory_space<vmem>> -> memref<1x128xi32, #tpu.memory_space<vmem>>
        %dma_start3A_91 = tpu.memref_squeeze %dma_start3A_90 : memref<1x128xi32, #tpu.memory_space<vmem>> -> memref<128xi32, #tpu.memory_space<vmem>>
        %dma_start3A_92 = arith.constant 0 : i32
        %dma_start3A_93 = arith.constant 0 : i32
        %dma_start3A_94 = tpu.memref_slice %arg2[%dma_start3A_92, %dma_start3A_93] : memref<10000x128xf32, #tpu.memory_space<hbm>> -> memref<10000x128xf32, #tpu.memory_space<hbm>>
        tpu.enqueue_indirect_dma source(%dma_start3A_94 : memref<10000x128xf32, #tpu.memory_space<hbm>>) target(%arg9 : memref<128x128xf32, #tpu.memory_space<vmem>>) offsets(%dma_start3A_91 : memref<128xi32, #tpu.memory_space<vmem>>) semaphore(%arg12 : memref<!tpu.dma_semaphore, #tpu.memory_space<semaphore_mem>>)
        %dma_wait3A = arith.constant 0 : i32
        %dma_wait3A_95 = arith.constant 0 : i32
        %dma_wait3A_96 = tpu.memref_slice %arg2[%dma_wait3A, %dma_wait3A_95] : memref<10000x128xf32, #tpu.memory_space<hbm>> -> memref<128x128xf32, #tpu.memory_space<hbm>>
        %dma_wait3A_97 = arith.constant 0 : i32
        %dma_wait3A_98 = arith.constant 0 : i32
        %dma_wait3A_99 = tpu.memref_slice %arg2[%dma_wait3A_97, %dma_wait3A_98] : memref<10000x128xf32, #tpu.memory_space<hbm>> -> memref<128x128xf32, #tpu.memory_space<hbm>>
        tpu.wait_dma2 semaphore(%arg11 : memref<!tpu.dma_semaphore, #tpu.memory_space<semaphore_mem>>) src(%dma_wait3A_99 : memref<128x128xf32, #tpu.memory_space<hbm>>) dst(%arg8 : memref<128x128xf32, #tpu.memory_space<vmem>>)
        "tpu.region"() ({
          %run_scoped3A = tpu.sem_alloc : memref<!tpu.dma_semaphore, #tpu.memory_space<semaphore_mem>>
          %dma_start3A_112 = arith.constant 0 : i32
          %dma_start3A_113 = tpu.memref_slice %arg7[%mul3A_86, %dma_start3A_112] : memref<16x128xi32, #tpu.memory_space<vmem>> -> memref<1x128xi32, #tpu.memory_space<vmem>>
          %dma_start3A_114 = tpu.memref_squeeze %dma_start3A_113 : memref<1x128xi32, #tpu.memory_space<vmem>> -> memref<128xi32, #tpu.memory_space<vmem>>
          %dma_start3A_115 = arith.constant 0 : i32
          %dma_start3A_116 = arith.constant 0 : i32
          %dma_start3A_117 = tpu.memref_slice %arg10[%dma_start3A_115, %dma_start3A_116] : memref<10008x128xf32, #tpu.memory_space<vmem_shared>> -> memref<10008x128xf32, #tpu.memory_space<vmem_shared>>
          tpu.enqueue_indirect_dma source(%arg8 : memref<128x128xf32, #tpu.memory_space<vmem>>) target(%dma_start3A_117 : memref<10008x128xf32, #tpu.memory_space<vmem_shared>>) offsets(%dma_start3A_114 : memref<128xi32, #tpu.memory_space<vmem>>) semaphore(%run_scoped3A : memref<!tpu.dma_semaphore, #tpu.memory_space<semaphore_mem>>) {add = true}
          %dma_wait3A_118 = arith.constant 0 : i32
          %dma_wait3A_119 = tpu.memref_slice %arg7[%mul3A_86, %dma_wait3A_118] : memref<16x128xi32, #tpu.memory_space<vmem>> -> memref<1x128xi32, #tpu.memory_space<vmem>>
          %dma_wait3A_120 = tpu.memref_squeeze %dma_wait3A_119 : memref<1x128xi32, #tpu.memory_space<vmem>> -> memref<128xi32, #tpu.memory_space<vmem>>
          %dma_wait3A_121 = arith.constant 0 : i32
          %dma_wait3A_122 = arith.constant 0 : i32
          %dma_wait3A_123 = tpu.memref_slice %arg10[%dma_wait3A_121, %dma_wait3A_122] : memref<10008x128xf32, #tpu.memory_space<vmem_shared>> -> memref<10008x128xf32, #tpu.memory_space<vmem_shared>>
          tpu.wait_indirect_dma semaphore(%run_scoped3A : memref<!tpu.dma_semaphore, #tpu.memory_space<semaphore_mem>>) src(%arg8 : memref<128x128xf32, #tpu.memory_space<vmem>>) dst(%dma_wait3A_123 : memref<10008x128xf32, #tpu.memory_space<vmem_shared>>)
          tpu.yield
        }) : () -> ()
        %lt3A = arith.constant 7 : i32
        %lt3A_100 = arith.cmpi slt, %scan3A_84, %lt3A : i32
        %convert_element_type3A_101 = arith.extui %lt3A_100 : i1 to i32
        %cond3A_102 = arith.constant 0 : i32
        %cond3A_103 = arith.cmpi ne, %convert_element_type3A_101, %cond3A_102 : i32
        scf.if %cond3A_103 {
          %add3A_112 = arith.constant 2 : i32
          %add3A_113 = arith.addi %mul3A_86, %add3A_112 : i32
          %dma_start3A_114 = arith.constant 0 : i32
          %dma_start3A_115 = tpu.memref_slice %arg6[%add3A_113, %dma_start3A_114] : memref<16x128xi32, #tpu.memory_space<vmem>> -> memref<1x128xi32, #tpu.memory_space<vmem>>
          %dma_start3A_116 = tpu.memref_squeeze %dma_start3A_115 : memref<1x128xi32, #tpu.memory_space<vmem>> -> memref<128xi32, #tpu.memory_space<vmem>>
          %dma_start3A_117 = arith.constant 0 : i32
          %dma_start3A_118 = arith.constant 0 : i32
          %dma_start3A_119 = tpu.memref_slice %arg2[%dma_start3A_117, %dma_start3A_118] : memref<10000x128xf32, #tpu.memory_space<hbm>> -> memref<10000x128xf32, #tpu.memory_space<hbm>>
          tpu.enqueue_indirect_dma source(%dma_start3A_119 : memref<10000x128xf32, #tpu.memory_space<hbm>>) target(%arg8 : memref<128x128xf32, #tpu.memory_space<vmem>>) offsets(%dma_start3A_116 : memref<128xi32, #tpu.memory_space<vmem>>) semaphore(%arg11 : memref<!tpu.dma_semaphore, #tpu.memory_space<semaphore_mem>>)
        } else {
        }
        %dma_wait3A_104 = arith.constant 0 : i32
        %dma_wait3A_105 = arith.constant 0 : i32
        %dma_wait3A_106 = tpu.memref_slice %arg2[%dma_wait3A_104, %dma_wait3A_105] : memref<10000x128xf32, #tpu.memory_space<hbm>> -> memref<128x128xf32, #tpu.memory_space<hbm>>
        %dma_wait3A_107 = arith.constant 0 : i32
        %dma_wait3A_108 = arith.constant 0 : i32
        %dma_wait3A_109 = tpu.memref_slice %arg2[%dma_wait3A_107, %dma_wait3A_108] : memref<10000x128xf32, #tpu.memory_space<hbm>> -> memref<128x128xf32, #tpu.memory_space<hbm>>
        tpu.wait_dma2 semaphore(%arg12 : memref<!tpu.dma_semaphore, #tpu.memory_space<semaphore_mem>>) src(%dma_wait3A_109 : memref<128x128xf32, #tpu.memory_space<hbm>>) dst(%arg9 : memref<128x128xf32, #tpu.memory_space<vmem>>)
        %add3A_110 = arith.constant 1 : i32
        %add3A_111 = arith.addi %mul3A_86, %add3A_110 : i32
        "tpu.region"() ({
          %run_scoped3A = tpu.sem_alloc : memref<!tpu.dma_semaphore, #tpu.memory_space<semaphore_mem>>
          %dma_start3A_112 = arith.constant 0 : i32
          %dma_start3A_113 = tpu.memref_slice %arg7[%add3A_111, %dma_start3A_112] : memref<16x128xi32, #tpu.memory_space<vmem>> -> memref<1x128xi32, #tpu.memory_space<vmem>>
          %dma_start3A_114 = tpu.memref_squeeze %dma_start3A_113 : memref<1x128xi32, #tpu.memory_space<vmem>> -> memref<128xi32, #tpu.memory_space<vmem>>
          %dma_start3A_115 = arith.constant 0 : i32
          %dma_start3A_116 = arith.constant 0 : i32
          %dma_start3A_117 = tpu.memref_slice %arg10[%dma_start3A_115, %dma_start3A_116] : memref<10008x128xf32, #tpu.memory_space<vmem_shared>> -> memref<10008x128xf32, #tpu.memory_space<vmem_shared>>
          tpu.enqueue_indirect_dma source(%arg9 : memref<128x128xf32, #tpu.memory_space<vmem>>) target(%dma_start3A_117 : memref<10008x128xf32, #tpu.memory_space<vmem_shared>>) offsets(%dma_start3A_114 : memref<128xi32, #tpu.memory_space<vmem>>) semaphore(%run_scoped3A : memref<!tpu.dma_semaphore, #tpu.memory_space<semaphore_mem>>) {add = true}
          %dma_wait3A_118 = arith.constant 0 : i32
          %dma_wait3A_119 = tpu.memref_slice %arg7[%add3A_111, %dma_wait3A_118] : memref<16x128xi32, #tpu.memory_space<vmem>> -> memref<1x128xi32, #tpu.memory_space<vmem>>
          %dma_wait3A_120 = tpu.memref_squeeze %dma_wait3A_119 : memref<1x128xi32, #tpu.memory_space<vmem>> -> memref<128xi32, #tpu.memory_space<vmem>>
          %dma_wait3A_121 = arith.constant 0 : i32
          %dma_wait3A_122 = arith.constant 0 : i32
          %dma_wait3A_123 = tpu.memref_slice %arg10[%dma_wait3A_121, %dma_wait3A_122] : memref<10008x128xf32, #tpu.memory_space<vmem_shared>> -> memref<10008x128xf32, #tpu.memory_space<vmem_shared>>
          tpu.wait_indirect_dma semaphore(%run_scoped3A : memref<!tpu.dma_semaphore, #tpu.memory_space<semaphore_mem>>) src(%arg9 : memref<128x128xf32, #tpu.memory_space<vmem>>) dst(%dma_wait3A_123 : memref<10008x128xf32, #tpu.memory_space<vmem_shared>>)
          tpu.yield
        }) : () -> ()
      }
      %scan3A_83 = arith.constant 8 : i32
    }
    %while3A_38 = arith.constant 1 : i32
    scf.for %while3A_65 = %while3A_36 to %while3A_32 step %while3A_38  : i32 {
      %mul3A_66 = arith.constant 16 : i32
      %mul3A_67 = arith.muli %while3A_65, %mul3A_66 : i32
      %add3A_68 = arith.addi %select_n3A, %mul3A_67 : i32
      "tpu.region"() ({
        %run_scoped3A = tpu.sem_alloc : memref<!tpu.dma_semaphore, #tpu.memory_space<semaphore_mem>>
        %dma_start3A_84 = arith.constant 0 : i32
        %dma_start3A_85 = tpu.memref_slice %arg3[%add3A_68, %dma_start3A_84] : memref<2560x128xi32, #tpu.memory_space<hbm>> -> memref<16x128xi32, #tpu.memory_space<hbm>>
        %dma_start3A_86 = arith.constant 0 : i32
        %dma_start3A_87 = tpu.memref_slice %arg3[%add3A_68, %dma_start3A_86] : memref<2560x128xi32, #tpu.memory_space<hbm>> -> memref<16x128xi32, #tpu.memory_space<hbm>>
        tpu.enqueue_dma source(%dma_start3A_87 : memref<16x128xi32, #tpu.memory_space<hbm>>) target(%arg6 : memref<16x128xi32, #tpu.memory_space<vmem>>) target_semaphore(%run_scoped3A : memref<!tpu.dma_semaphore, #tpu.memory_space<semaphore_mem>>)
        %dma_wait3A = arith.constant 0 : i32
        %dma_wait3A_88 = tpu.memref_slice %arg3[%add3A_68, %dma_wait3A] : memref<2560x128xi32, #tpu.memory_space<hbm>> -> memref<16x128xi32, #tpu.memory_space<hbm>>
        %dma_wait3A_89 = arith.constant 0 : i32
        %dma_wait3A_90 = tpu.memref_slice %arg3[%add3A_68, %dma_wait3A_89] : memref<2560x128xi32, #tpu.memory_space<hbm>> -> memref<16x128xi32, #tpu.memory_space<hbm>>
        tpu.wait_dma2 semaphore(%run_scoped3A : memref<!tpu.dma_semaphore, #tpu.memory_space<semaphore_mem>>) src(%dma_wait3A_90 : memref<16x128xi32, #tpu.memory_space<hbm>>) dst(%arg6 : memref<16x128xi32, #tpu.memory_space<vmem>>)
        tpu.yield
      }) : () -> ()
      %mul3A_69 = arith.constant 16 : i32
      %mul3A_70 = arith.muli %while3A_65, %mul3A_69 : i32
      %add3A_71 = arith.addi %select_n3A, %mul3A_70 : i32
      "tpu.region"() ({
        %run_scoped3A = tpu.sem_alloc : memref<!tpu.dma_semaphore, #tpu.memory_space<semaphore_mem>>
        %dma_start3A_84 = arith.constant 0 : i32
        %dma_start3A_85 = tpu.memref_slice %arg4[%add3A_71, %dma_start3A_84] : memref<2560x128xi32, #tpu.memory_space<hbm>> -> memref<16x128xi32, #tpu.memory_space<hbm>>
        %dma_start3A_86 = arith.constant 0 : i32
        %dma_start3A_87 = tpu.memref_slice %arg4[%add3A_71, %dma_start3A_86] : memref<2560x128xi32, #tpu.memory_space<hbm>> -> memref<16x128xi32, #tpu.memory_space<hbm>>
        tpu.enqueue_dma source(%dma_start3A_87 : memref<16x128xi32, #tpu.memory_space<hbm>>) target(%arg7 : memref<16x128xi32, #tpu.memory_space<vmem>>) target_semaphore(%run_scoped3A : memref<!tpu.dma_semaphore, #tpu.memory_space<semaphore_mem>>)
        %dma_wait3A = arith.constant 0 : i32
        %dma_wait3A_88 = tpu.memref_slice %arg4[%add3A_71, %dma_wait3A] : memref<2560x128xi32, #tpu.memory_space<hbm>> -> memref<16x128xi32, #tpu.memory_space<hbm>>
        %dma_wait3A_89 = arith.constant 0 : i32
        %dma_wait3A_90 = tpu.memref_slice %arg4[%add3A_71, %dma_wait3A_89] : memref<2560x128xi32, #tpu.memory_space<hbm>> -> memref<16x128xi32, #tpu.memory_space<hbm>>
        tpu.wait_dma2 semaphore(%run_scoped3A : memref<!tpu.dma_semaphore, #tpu.memory_space<semaphore_mem>>) src(%dma_wait3A_90 : memref<16x128xi32, #tpu.memory_space<hbm>>) dst(%arg7 : memref<16x128xi32, #tpu.memory_space<vmem>>)
        tpu.yield
      }) : () -> ()
      %dma_start3A = arith.constant 0 : i32
      %dma_start3A_72 = arith.constant 0 : i32
      %dma_start3A_73 = tpu.memref_slice %arg6[%dma_start3A, %dma_start3A_72] : memref<16x128xi32, #tpu.memory_space<vmem>> -> memref<1x128xi32, #tpu.memory_space<vmem>>
      %dma_start3A_74 = tpu.memref_squeeze %dma_start3A_73 : memref<1x128xi32, #tpu.memory_space<vmem>> -> memref<128xi32, #tpu.memory_space<vmem>>
      %dma_start3A_75 = arith.constant 0 : i32
      %dma_start3A_76 = arith.constant 0 : i32
      %dma_start3A_77 = tpu.memref_slice %arg2[%dma_start3A_75, %dma_start3A_76] : memref<10000x128xf32, #tpu.memory_space<hbm>> -> memref<10000x128xf32, #tpu.memory_space<hbm>>
      tpu.enqueue_indirect_dma source(%dma_start3A_77 : memref<10000x128xf32, #tpu.memory_space<hbm>>) target(%arg8 : memref<128x128xf32, #tpu.memory_space<vmem>>) offsets(%dma_start3A_74 : memref<128xi32, #tpu.memory_space<vmem>>) semaphore(%arg11 : memref<!tpu.dma_semaphore, #tpu.memory_space<semaphore_mem>>)
      %scan3A_78 = arith.constant 0 : i32
      %scan3A_79 = arith.constant 0 : i32
      %scan3A_80 = arith.constant 8 : i32
      %scan3A_81 = arith.addi %scan3A_79, %scan3A_80 : i32
      %scan3A_82 = arith.constant 1 : i32
      scf.for %scan3A_84 = %scan3A_79 to %scan3A_81 step %scan3A_82  : i32 {
        %mul3A_85 = arith.constant 2 : i32
        %mul3A_86 = arith.muli %mul3A_85, %scan3A_84 : i32
        %add3A_87 = arith.constant 1 : i32
        %add3A_88 = arith.addi %mul3A_86, %add3A_87 : i32
        %dma_start3A_89 = arith.constant 0 : i32
        %dma_start3A_90 = tpu.memref_slice %arg6[%add3A_88, %dma_start3A_89] : memref<16x128xi32, #tpu.memory_space<vmem>> -> memref<1x128xi32, #tpu.memory_space<vmem>>
        %dma_start3A_91 = tpu.memref_squeeze %dma_start3A_90 : memref<1x128xi32, #tpu.memory_space<vmem>> -> memref<128xi32, #tpu.memory_space<vmem>>
        %dma_start3A_92 = arith.constant 0 : i32
        %dma_start3A_93 = arith.constant 0 : i32
        %dma_start3A_94 = tpu.memref_slice %arg2[%dma_start3A_92, %dma_start3A_93] : memref<10000x128xf32, #tpu.memory_space<hbm>> -> memref<10000x128xf32, #tpu.memory_space<hbm>>
        tpu.enqueue_indirect_dma source(%dma_start3A_94 : memref<10000x128xf32, #tpu.memory_space<hbm>>) target(%arg9 : memref<128x128xf32, #tpu.memory_space<vmem>>) offsets(%dma_start3A_91 : memref<128xi32, #tpu.memory_space<vmem>>) semaphore(%arg12 : memref<!tpu.dma_semaphore, #tpu.memory_space<semaphore_mem>>)
        %dma_wait3A = arith.constant 0 : i32
        %dma_wait3A_95 = arith.constant 0 : i32
        %dma_wait3A_96 = tpu.memref_slice %arg2[%dma_wait3A, %dma_wait3A_95] : memref<10000x128xf32, #tpu.memory_space<hbm>> -> memref<128x128xf32, #tpu.memory_space<hbm>>
        %dma_wait3A_97 = arith.constant 0 : i32
        %dma_wait3A_98 = arith.constant 0 : i32
        %dma_wait3A_99 = tpu.memref_slice %arg2[%dma_wait3A_97, %dma_wait3A_98] : memref<10000x128xf32, #tpu.memory_space<hbm>> -> memref<128x128xf32, #tpu.memory_space<hbm>>
        tpu.wait_dma2 semaphore(%arg11 : memref<!tpu.dma_semaphore, #tpu.memory_space<semaphore_mem>>) src(%dma_wait3A_99 : memref<128x128xf32, #tpu.memory_space<hbm>>) dst(%arg8 : memref<128x128xf32, #tpu.memory_space<vmem>>)
        "tpu.region"() ({
          %run_scoped3A = tpu.sem_alloc : memref<!tpu.dma_semaphore, #tpu.memory_space<semaphore_mem>>
          %dma_start3A_112 = arith.constant 0 : i32
          %dma_start3A_113 = tpu.memref_slice %arg7[%mul3A_86, %dma_start3A_112] : memref<16x128xi32, #tpu.memory_space<vmem>> -> memref<1x128xi32, #tpu.memory_space<vmem>>
          %dma_start3A_114 = tpu.memref_squeeze %dma_start3A_113 : memref<1x128xi32, #tpu.memory_space<vmem>> -> memref<128xi32, #tpu.memory_space<vmem>>
          %dma_start3A_115 = arith.constant 0 : i32
          %dma_start3A_116 = arith.constant 0 : i32
          %dma_start3A_117 = tpu.memref_slice %arg10[%dma_start3A_115, %dma_start3A_116] : memref<10008x128xf32, #tpu.memory_space<vmem_shared>> -> memref<10008x128xf32, #tpu.memory_space<vmem_shared>>
          tpu.enqueue_indirect_dma source(%arg8 : memref<128x128xf32, #tpu.memory_space<vmem>>) target(%dma_start3A_117 : memref<10008x128xf32, #tpu.memory_space<vmem_shared>>) offsets(%dma_start3A_114 : memref<128xi32, #tpu.memory_space<vmem>>) semaphore(%run_scoped3A : memref<!tpu.dma_semaphore, #tpu.memory_space<semaphore_mem>>) {add = true}
          %dma_wait3A_118 = arith.constant 0 : i32
          %dma_wait3A_119 = tpu.memref_slice %arg7[%mul3A_86, %dma_wait3A_118] : memref<16x128xi32, #tpu.memory_space<vmem>> -> memref<1x128xi32, #tpu.memory_space<vmem>>
          %dma_wait3A_120 = tpu.memref_squeeze %dma_wait3A_119 : memref<1x128xi32, #tpu.memory_space<vmem>> -> memref<128xi32, #tpu.memory_space<vmem>>
          %dma_wait3A_121 = arith.constant 0 : i32
          %dma_wait3A_122 = arith.constant 0 : i32
          %dma_wait3A_123 = tpu.memref_slice %arg10[%dma_wait3A_121, %dma_wait3A_122] : memref<10008x128xf32, #tpu.memory_space<vmem_shared>> -> memref<10008x128xf32, #tpu.memory_space<vmem_shared>>
          tpu.wait_indirect_dma semaphore(%run_scoped3A : memref<!tpu.dma_semaphore, #tpu.memory_space<semaphore_mem>>) src(%arg8 : memref<128x128xf32, #tpu.memory_space<vmem>>) dst(%dma_wait3A_123 : memref<10008x128xf32, #tpu.memory_space<vmem_shared>>)
          tpu.yield
        }) : () -> ()
        %lt3A = arith.constant 7 : i32
        %lt3A_100 = arith.cmpi slt, %scan3A_84, %lt3A : i32
        %convert_element_type3A_101 = arith.extui %lt3A_100 : i1 to i32
        %cond3A_102 = arith.constant 0 : i32
        %cond3A_103 = arith.cmpi ne, %convert_element_type3A_101, %cond3A_102 : i32
        scf.if %cond3A_103 {
          %add3A_112 = arith.constant 2 : i32
          %add3A_113 = arith.addi %mul3A_86, %add3A_112 : i32
          %dma_start3A_114 = arith.constant 0 : i32
          %dma_start3A_115 = tpu.memref_slice %arg6[%add3A_113, %dma_start3A_114] : memref<16x128xi32, #tpu.memory_space<vmem>> -> memref<1x128xi32, #tpu.memory_space<vmem>>
          %dma_start3A_116 = tpu.memref_squeeze %dma_start3A_115 : memref<1x128xi32, #tpu.memory_space<vmem>> -> memref<128xi32, #tpu.memory_space<vmem>>
          %dma_start3A_117 = arith.constant 0 : i32
          %dma_start3A_118 = arith.constant 0 : i32
          %dma_start3A_119 = tpu.memref_slice %arg2[%dma_start3A_117, %dma_start3A_118] : memref<10000x128xf32, #tpu.memory_space<hbm>> -> memref<10000x128xf32, #tpu.memory_space<hbm>>
          tpu.enqueue_indirect_dma source(%dma_start3A_119 : memref<10000x128xf32, #tpu.memory_space<hbm>>) target(%arg8 : memref<128x128xf32, #tpu.memory_space<vmem>>) offsets(%dma_start3A_116 : memref<128xi32, #tpu.memory_space<vmem>>) semaphore(%arg11 : memref<!tpu.dma_semaphore, #tpu.memory_space<semaphore_mem>>)
        } else {
        }
        %dma_wait3A_104 = arith.constant 0 : i32
        %dma_wait3A_105 = arith.constant 0 : i32
        %dma_wait3A_106 = tpu.memref_slice %arg2[%dma_wait3A_104, %dma_wait3A_105] : memref<10000x128xf32, #tpu.memory_space<hbm>> -> memref<128x128xf32, #tpu.memory_space<hbm>>
        %dma_wait3A_107 = arith.constant 0 : i32
        %dma_wait3A_108 = arith.constant 0 : i32
        %dma_wait3A_109 = tpu.memref_slice %arg2[%dma_wait3A_107, %dma_wait3A_108] : memref<10000x128xf32, #tpu.memory_space<hbm>> -> memref<128x128xf32, #tpu.memory_space<hbm>>
        tpu.wait_dma2 semaphore(%arg12 : memref<!tpu.dma_semaphore, #tpu.memory_space<semaphore_mem>>) src(%dma_wait3A_109 : memref<128x128xf32, #tpu.memory_space<hbm>>) dst(%arg9 : memref<128x128xf32, #tpu.memory_space<vmem>>)
        %add3A_110 = arith.constant 1 : i32
        %add3A_111 = arith.addi %mul3A_86, %add3A_110 : i32
        "tpu.region"() ({
          %run_scoped3A = tpu.sem_alloc : memref<!tpu.dma_semaphore, #tpu.memory_space<semaphore_mem>>
          %dma_start3A_112 = arith.constant 0 : i32
          %dma_start3A_113 = tpu.memref_slice %arg7[%add3A_111, %dma_start3A_112] : memref<16x128xi32, #tpu.memory_space<vmem>> -> memref<1x128xi32, #tpu.memory_space<vmem>>
          %dma_start3A_114 = tpu.memref_squeeze %dma_start3A_113 : memref<1x128xi32, #tpu.memory_space<vmem>> -> memref<128xi32, #tpu.memory_space<vmem>>
          %dma_start3A_115 = arith.constant 0 : i32
          %dma_start3A_116 = arith.constant 0 : i32
          %dma_start3A_117 = tpu.memref_slice %arg10[%dma_start3A_115, %dma_start3A_116] : memref<10008x128xf32, #tpu.memory_space<vmem_shared>> -> memref<10008x128xf32, #tpu.memory_space<vmem_shared>>
          tpu.enqueue_indirect_dma source(%arg9 : memref<128x128xf32, #tpu.memory_space<vmem>>) target(%dma_start3A_117 : memref<10008x128xf32, #tpu.memory_space<vmem_shared>>) offsets(%dma_start3A_114 : memref<128xi32, #tpu.memory_space<vmem>>) semaphore(%run_scoped3A : memref<!tpu.dma_semaphore, #tpu.memory_space<semaphore_mem>>) {add = true}
          %dma_wait3A_118 = arith.constant 0 : i32
          %dma_wait3A_119 = tpu.memref_slice %arg7[%add3A_111, %dma_wait3A_118] : memref<16x128xi32, #tpu.memory_space<vmem>> -> memref<1x128xi32, #tpu.memory_space<vmem>>
          %dma_wait3A_120 = tpu.memref_squeeze %dma_wait3A_119 : memref<1x128xi32, #tpu.memory_space<vmem>> -> memref<128xi32, #tpu.memory_space<vmem>>
          %dma_wait3A_121 = arith.constant 0 : i32
          %dma_wait3A_122 = arith.constant 0 : i32
          %dma_wait3A_123 = tpu.memref_slice %arg10[%dma_wait3A_121, %dma_wait3A_122] : memref<10008x128xf32, #tpu.memory_space<vmem_shared>> -> memref<10008x128xf32, #tpu.memory_space<vmem_shared>>
          tpu.wait_indirect_dma semaphore(%run_scoped3A : memref<!tpu.dma_semaphore, #tpu.memory_space<semaphore_mem>>) src(%arg9 : memref<128x128xf32, #tpu.memory_space<vmem>>) dst(%dma_wait3A_123 : memref<10008x128xf32, #tpu.memory_space<vmem_shared>>)
          tpu.yield
        }) : () -> ()
      }
      %scan3A_83 = arith.constant 8 : i32
    }
    %barrier3A_39 = arith.constant 0 : index
    tpu.barrier barrier_id(%barrier3A_39)
    %add3A_40 = arith.constant 0 : i32
    %add3A_41 = arith.addi %mul3A_16, %add3A_40 : i32
    %add3A_42 = arith.constant 0 : i32
    %add3A_43 = arith.addi %mul3A_16, %add3A_42 : i32
    "tpu.region"() ({
      %run_scoped3A = tpu.sem_alloc : memref<!tpu.dma_semaphore, #tpu.memory_space<semaphore_mem>>
      %dma_start3A = arith.constant 0 : i32
      %dma_start3A_65 = tpu.memref_slice %arg5[%arg0, %add3A_43, %dma_start3A] : memref<2x10000x128xf32, #tpu.memory_space<hbm>> -> memref<1x128x128xf32, #tpu.memory_space<hbm>>
      %dma_start3A_66 = tpu.memref_squeeze %dma_start3A_65 : memref<1x128x128xf32, #tpu.memory_space<hbm>> -> memref<128x128xf32, #tpu.memory_space<hbm>>
      %dma_start3A_67 = arith.constant 0 : i32
      %dma_start3A_68 = tpu.memref_slice %arg10[%add3A_41, %dma_start3A_67] : memref<10008x128xf32, #tpu.memory_space<vmem_shared>> -> memref<128x128xf32, #tpu.memory_space<vmem_shared>>
      tpu.enqueue_dma source(%dma_start3A_68 : memref<128x128xf32, #tpu.memory_space<vmem_shared>>) target(%dma_start3A_66 : memref<128x128xf32, #tpu.memory_space<hbm>>) target_semaphore(%run_scoped3A : memref<!tpu.dma_semaphore, #tpu.memory_space<semaphore_mem>>)
      %dma_wait3A = arith.constant 0 : i32
      %dma_wait3A_69 = tpu.memref_slice %arg5[%arg0, %add3A_43, %dma_wait3A] : memref<2x10000x128xf32, #tpu.memory_space<hbm>> -> memref<1x128x128xf32, #tpu.memory_space<hbm>>
      %dma_wait3A_70 = tpu.memref_squeeze %dma_wait3A_69 : memref<1x128x128xf32, #tpu.memory_space<hbm>> -> memref<128x128xf32, #tpu.memory_space<hbm>>
      %dma_wait3A_71 = arith.constant 0 : i32
      %dma_wait3A_72 = tpu.memref_slice %arg10[%add3A_41, %dma_wait3A_71] : memref<10008x128xf32, #tpu.memory_space<vmem_shared>> -> memref<128x128xf32, #tpu.memory_space<vmem_shared>>
      tpu.wait_dma2 semaphore(%run_scoped3A : memref<!tpu.dma_semaphore, #tpu.memory_space<semaphore_mem>>) src(%dma_wait3A_72 : memref<128x128xf32, #tpu.memory_space<vmem_shared>>) dst(%dma_wait3A_70 : memref<128x128xf32, #tpu.memory_space<hbm>>)
      tpu.yield
    }) : () -> ()
    %add3A_44 = arith.constant 128 : i32
    %add3A_45 = arith.addi %mul3A_16, %add3A_44 : i32
    %add3A_46 = arith.constant 128 : i32
    %add3A_47 = arith.addi %mul3A_16, %add3A_46 : i32
    "tpu.region"() ({
      %run_scoped3A = tpu.sem_alloc : memref<!tpu.dma_semaphore, #tpu.memory_space<semaphore_mem>>
      %dma_start3A = arith.constant 0 : i32
      %dma_start3A_65 = tpu.memref_slice %arg5[%arg0, %add3A_47, %dma_start3A] : memref<2x10000x128xf32, #tpu.memory_space<hbm>> -> memref<1x128x128xf32, #tpu.memory_space<hbm>>
      %dma_start3A_66 = tpu.memref_squeeze %dma_start3A_65 : memref<1x128x128xf32, #tpu.memory_space<hbm>> -> memref<128x128xf32, #tpu.memory_space<hbm>>
      %dma_start3A_67 = arith.constant 0 : i32
      %dma_start3A_68 = tpu.memref_slice %arg10[%add3A_45, %dma_start3A_67] : memref<10008x128xf32, #tpu.memory_space<vmem_shared>> -> memref<128x128xf32, #tpu.memory_space<vmem_shared>>
      tpu.enqueue_dma source(%dma_start3A_68 : memref<128x128xf32, #tpu.memory_space<vmem_shared>>) target(%dma_start3A_66 : memref<128x128xf32, #tpu.memory_space<hbm>>) target_semaphore(%run_scoped3A : memref<!tpu.dma_semaphore, #tpu.memory_space<semaphore_mem>>)
      %dma_wait3A = arith.constant 0 : i32
      %dma_wait3A_69 = tpu.memref_slice %arg5[%arg0, %add3A_47, %dma_wait3A] : memref<2x10000x128xf32, #tpu.memory_space<hbm>> -> memref<1x128x128xf32, #tpu.memory_space<hbm>>
      %dma_wait3A_70 = tpu.memref_squeeze %dma_wait3A_69 : memref<1x128x128xf32, #tpu.memory_space<hbm>> -> memref<128x128xf32, #tpu.memory_space<hbm>>
      %dma_wait3A_71 = arith.constant 0 : i32
      %dma_wait3A_72 = tpu.memref_slice %arg10[%add3A_45, %dma_wait3A_71] : memref<10008x128xf32, #tpu.memory_space<vmem_shared>> -> memref<128x128xf32, #tpu.memory_space<vmem_shared>>
      tpu.wait_dma2 semaphore(%run_scoped3A : memref<!tpu.dma_semaphore, #tpu.memory_space<semaphore_mem>>) src(%dma_wait3A_72 : memref<128x128xf32, #tpu.memory_space<vmem_shared>>) dst(%dma_wait3A_70 : memref<128x128xf32, #tpu.memory_space<hbm>>)
      tpu.yield
    }) : () -> ()
    %add3A_48 = arith.constant 256 : i32
    %add3A_49 = arith.addi %mul3A_16, %add3A_48 : i32
    %add3A_50 = arith.constant 256 : i32
    %add3A_51 = arith.addi %mul3A_16, %add3A_50 : i32
    "tpu.region"() ({
      %run_scoped3A = tpu.sem_alloc : memref<!tpu.dma_semaphore, #tpu.memory_space<semaphore_mem>>
      %dma_start3A = arith.constant 0 : i32
      %dma_start3A_65 = tpu.memref_slice %arg5[%arg0, %add3A_51, %dma_start3A] : memref<2x10000x128xf32, #tpu.memory_space<hbm>> -> memref<1x128x128xf32, #tpu.memory_space<hbm>>
      %dma_start3A_66 = tpu.memref_squeeze %dma_start3A_65 : memref<1x128x128xf32, #tpu.memory_space<hbm>> -> memref<128x128xf32, #tpu.memory_space<hbm>>
      %dma_start3A_67 = arith.constant 0 : i32
      %dma_start3A_68 = tpu.memref_slice %arg10[%add3A_49, %dma_start3A_67] : memref<10008x128xf32, #tpu.memory_space<vmem_shared>> -> memref<128x128xf32, #tpu.memory_space<vmem_shared>>
      tpu.enqueue_dma source(%dma_start3A_68 : memref<128x128xf32, #tpu.memory_space<vmem_shared>>) target(%dma_start3A_66 : memref<128x128xf32, #tpu.memory_space<hbm>>) target_semaphore(%run_scoped3A : memref<!tpu.dma_semaphore, #tpu.memory_space<semaphore_mem>>)
      %dma_wait3A = arith.constant 0 : i32
      %dma_wait3A_69 = tpu.memref_slice %arg5[%arg0, %add3A_51, %dma_wait3A] : memref<2x10000x128xf32, #tpu.memory_space<hbm>> -> memref<1x128x128xf32, #tpu.memory_space<hbm>>
      %dma_wait3A_70 = tpu.memref_squeeze %dma_wait3A_69 : memref<1x128x128xf32, #tpu.memory_space<hbm>> -> memref<128x128xf32, #tpu.memory_space<hbm>>
      %dma_wait3A_71 = arith.constant 0 : i32
      %dma_wait3A_72 = tpu.memref_slice %arg10[%add3A_49, %dma_wait3A_71] : memref<10008x128xf32, #tpu.memory_space<vmem_shared>> -> memref<128x128xf32, #tpu.memory_space<vmem_shared>>
      tpu.wait_dma2 semaphore(%run_scoped3A : memref<!tpu.dma_semaphore, #tpu.memory_space<semaphore_mem>>) src(%dma_wait3A_72 : memref<128x128xf32, #tpu.memory_space<vmem_shared>>) dst(%dma_wait3A_70 : memref<128x128xf32, #tpu.memory_space<hbm>>)
      tpu.yield
    }) : () -> ()
    %add3A_52 = arith.constant 384 : i32
    %add3A_53 = arith.addi %mul3A_16, %add3A_52 : i32
    %add3A_54 = arith.constant 384 : i32
    %add3A_55 = arith.addi %mul3A_16, %add3A_54 : i32
    "tpu.region"() ({
      %run_scoped3A = tpu.sem_alloc : memref<!tpu.dma_semaphore, #tpu.memory_space<semaphore_mem>>
      %dma_start3A = arith.constant 0 : i32
      %dma_start3A_65 = tpu.memref_slice %arg5[%arg0, %add3A_55, %dma_start3A] : memref<2x10000x128xf32, #tpu.memory_space<hbm>> -> memref<1x128x128xf32, #tpu.memory_space<hbm>>
      %dma_start3A_66 = tpu.memref_squeeze %dma_start3A_65 : memref<1x128x128xf32, #tpu.memory_space<hbm>> -> memref<128x128xf32, #tpu.memory_space<hbm>>
      %dma_start3A_67 = arith.constant 0 : i32
      %dma_start3A_68 = tpu.memref_slice %arg10[%add3A_53, %dma_start3A_67] : memref<10008x128xf32, #tpu.memory_space<vmem_shared>> -> memref<128x128xf32, #tpu.memory_space<vmem_shared>>
      tpu.enqueue_dma source(%dma_start3A_68 : memref<128x128xf32, #tpu.memory_space<vmem_shared>>) target(%dma_start3A_66 : memref<128x128xf32, #tpu.memory_space<hbm>>) target_semaphore(%run_scoped3A : memref<!tpu.dma_semaphore, #tpu.memory_space<semaphore_mem>>)
      %dma_wait3A = arith.constant 0 : i32
      %dma_wait3A_69 = tpu.memref_slice %arg5[%arg0, %add3A_55, %dma_wait3A] : memref<2x10000x128xf32, #tpu.memory_space<hbm>> -> memref<1x128x128xf32, #tpu.memory_space<hbm>>
      %dma_wait3A_70 = tpu.memref_squeeze %dma_wait3A_69 : memref<1x128x128xf32, #tpu.memory_space<hbm>> -> memref<128x128xf32, #tpu.memory_space<hbm>>
      %dma_wait3A_71 = arith.constant 0 : i32
      %dma_wait3A_72 = tpu.memref_slice %arg10[%add3A_53, %dma_wait3A_71] : memref<10008x128xf32, #tpu.memory_space<vmem_shared>> -> memref<128x128xf32, #tpu.memory_space<vmem_shared>>
      tpu.wait_dma2 semaphore(%run_scoped3A : memref<!tpu.dma_semaphore, #tpu.memory_space<semaphore_mem>>) src(%dma_wait3A_72 : memref<128x128xf32, #tpu.memory_space<vmem_shared>>) dst(%dma_wait3A_70 : memref<128x128xf32, #tpu.memory_space<hbm>>)
      tpu.yield
    }) : () -> ()
    %add3A_56 = arith.constant 512 : i32
    %add3A_57 = arith.addi %mul3A_16, %add3A_56 : i32
    %add3A_58 = arith.constant 512 : i32
    %add3A_59 = arith.addi %mul3A_16, %add3A_58 : i32
    "tpu.region"() ({
      %run_scoped3A = tpu.sem_alloc : memref<!tpu.dma_semaphore, #tpu.memory_space<semaphore_mem>>
      %dma_start3A = arith.constant 0 : i32
      %dma_start3A_65 = tpu.memref_slice %arg5[%arg0, %add3A_59, %dma_start3A] : memref<2x10000x128xf32, #tpu.memory_space<hbm>> -> memref<1x112x128xf32, #tpu.memory_space<hbm>>
      %dma_start3A_66 = tpu.memref_squeeze %dma_start3A_65 : memref<1x112x128xf32, #tpu.memory_space<hbm>> -> memref<112x128xf32, #tpu.memory_space<hbm>>
      %dma_start3A_67 = arith.constant 0 : i32
      %dma_start3A_68 = tpu.memref_slice %arg10[%add3A_57, %dma_start3A_67] : memref<10008x128xf32, #tpu.memory_space<vmem_shared>> -> memref<112x128xf32, #tpu.memory_space<vmem_shared>>
      tpu.enqueue_dma source(%dma_start3A_68 : memref<112x128xf32, #tpu.memory_space<vmem_shared>>) target(%dma_start3A_66 : memref<112x128xf32, #tpu.memory_space<hbm>>) target_semaphore(%run_scoped3A : memref<!tpu.dma_semaphore, #tpu.memory_space<semaphore_mem>>)
      %dma_wait3A = arith.constant 0 : i32
      %dma_wait3A_69 = tpu.memref_slice %arg5[%arg0, %add3A_59, %dma_wait3A] : memref<2x10000x128xf32, #tpu.memory_space<hbm>> -> memref<1x112x128xf32, #tpu.memory_space<hbm>>
      %dma_wait3A_70 = tpu.memref_squeeze %dma_wait3A_69 : memref<1x112x128xf32, #tpu.memory_space<hbm>> -> memref<112x128xf32, #tpu.memory_space<hbm>>
      %dma_wait3A_71 = arith.constant 0 : i32
      %dma_wait3A_72 = tpu.memref_slice %arg10[%add3A_57, %dma_wait3A_71] : memref<10008x128xf32, #tpu.memory_space<vmem_shared>> -> memref<112x128xf32, #tpu.memory_space<vmem_shared>>
      tpu.wait_dma2 semaphore(%run_scoped3A : memref<!tpu.dma_semaphore, #tpu.memory_space<semaphore_mem>>) src(%dma_wait3A_72 : memref<112x128xf32, #tpu.memory_space<vmem_shared>>) dst(%dma_wait3A_70 : memref<112x128xf32, #tpu.memory_space<hbm>>)
      tpu.yield
    }) : () -> ()
    %eq3A_60 = arith.constant 15 : i32
    %eq3A_61 = arith.cmpi eq, %arg1, %eq3A_60 : i32
    %convert_element_type3A_62 = arith.extui %eq3A_61 : i1 to i32
    %cond3A_63 = arith.constant 0 : i32
    %cond3A_64 = arith.cmpi ne, %convert_element_type3A_62, %cond3A_63 : i32
    scf.if %cond3A_64 {
      "tpu.region"() ({
        %run_scoped3A = tpu.sem_alloc : memref<!tpu.dma_semaphore, #tpu.memory_space<semaphore_mem>>
        %dma_start3A = arith.constant 9984 : i32
        %dma_start3A_65 = arith.constant 0 : i32
        %dma_start3A_66 = tpu.memref_slice %arg5[%arg0, %dma_start3A, %dma_start3A_65] : memref<2x10000x128xf32, #tpu.memory_space<hbm>> -> memref<1x16x128xf32, #tpu.memory_space<hbm>>
        %dma_start3A_67 = tpu.memref_squeeze %dma_start3A_66 : memref<1x16x128xf32, #tpu.memory_space<hbm>> -> memref<16x128xf32, #tpu.memory_space<hbm>>
        %dma_start3A_68 = arith.constant 9984 : i32
        %dma_start3A_69 = arith.constant 0 : i32
        %dma_start3A_70 = tpu.memref_slice %arg10[%dma_start3A_68, %dma_start3A_69] : memref<10008x128xf32, #tpu.memory_space<vmem_shared>> -> memref<16x128xf32, #tpu.memory_space<vmem_shared>>
        tpu.enqueue_dma source(%dma_start3A_70 : memref<16x128xf32, #tpu.memory_space<vmem_shared>>) target(%dma_start3A_67 : memref<16x128xf32, #tpu.memory_space<hbm>>) target_semaphore(%run_scoped3A : memref<!tpu.dma_semaphore, #tpu.memory_space<semaphore_mem>>)
        %dma_wait3A = arith.constant 9984 : i32
        %dma_wait3A_71 = arith.constant 0 : i32
        %dma_wait3A_72 = tpu.memref_slice %arg5[%arg0, %dma_wait3A, %dma_wait3A_71] : memref<2x10000x128xf32, #tpu.memory_space<hbm>> -> memref<1x16x128xf32, #tpu.memory_space<hbm>>
        %dma_wait3A_73 = tpu.memref_squeeze %dma_wait3A_72 : memref<1x16x128xf32, #tpu.memory_space<hbm>> -> memref<16x128xf32, #tpu.memory_space<hbm>>
        %dma_wait3A_74 = arith.constant 9984 : i32
        %dma_wait3A_75 = arith.constant 0 : i32
        %dma_wait3A_76 = tpu.memref_slice %arg10[%dma_wait3A_74, %dma_wait3A_75] : memref<10008x128xf32, #tpu.memory_space<vmem_shared>> -> memref<16x128xf32, #tpu.memory_space<vmem_shared>>
        tpu.wait_dma2 semaphore(%run_scoped3A : memref<!tpu.dma_semaphore, #tpu.memory_space<semaphore_mem>>) src(%dma_wait3A_76 : memref<16x128xf32, #tpu.memory_space<vmem_shared>>) dst(%dma_wait3A_73 : memref<16x128xf32, #tpu.memory_space<hbm>>)
        tpu.yield
      }) : () -> ()
    } else {
    }
    return
  }
}

#map = affine_map<(d0, d1) -> (0, 0)>
#map1 = affine_map<(d0, d1) -> (0, 0, 0)>
module attributes {stable_mosaic.version = 14 : i64} {
  func.func @_sc_agg_body(%arg0: i32, %arg1: i32, %arg2: memref<10000x128xf32, #tpu.memory_space<hbm>>, %arg3: memref<2560x128xi32, #tpu.memory_space<hbm>>, %arg4: memref<2560x128xi32, #tpu.memory_space<hbm>>, %arg5: memref<2x10000x128xf32, #tpu.memory_space<hbm>>, %arg6: memref<16x128xi32, #tpu.memory_space<vmem>>, %arg7: memref<16x128xi32, #tpu.memory_space<vmem>>, %arg8: memref<128x128xf32, #tpu.memory_space<vmem>>, %arg9: memref<128x128xf32, #tpu.memory_space<vmem>>, %arg10: memref<10008x128xf32, #tpu.memory_space<vmem_shared>>, %arg11: memref<!tpu.dma_semaphore, #tpu.memory_space<semaphore_mem>>, %arg12: memref<!tpu.dma_semaphore, #tpu.memory_space<semaphore_mem>>) attributes {dimension_semantics = [#tpu.dimension_semantics<core_parallel>, #tpu.dimension_semantics<subcore_parallel>], iteration_bounds = array<i64: 2, 16>, scalar_prefetch = 0 : i64, scratch_operands = 7 : i64, tpu.core_type = #tpu.core_type<sc_vector_subcore>, window_params = [{transform_indices = #map}, {transform_indices = #map}, {transform_indices = #map}, {transform_indices = #map1}]} {
    %eq3A = arith.constant 0 : i32
    %eq3A_0 = arith.cmpi eq, %arg0, %eq3A : i32
    %mul3A = arith.constant 128 : i32
    %mul3A_1 = arith.muli %arg1, %mul3A : i32
    %mul3A_2 = arith.constant 32 : i32
    %mul3A_3 = arith.muli %arg1, %mul3A_2 : i32
    %add3A = arith.constant 2048 : i32
    %add3A_4 = arith.addi %add3A, %mul3A_3 : i32
    %select_n3A = arith.select %eq3A_0, %mul3A_1, %add3A_4 : i32
    %eq3A_5 = arith.constant 0 : i32
    %eq3A_6 = arith.cmpi eq, %arg0, %eq3A_5 : i32
    %jit3A = arith.constant 8 : i32
    %jit3A_7 = arith.constant 2 : i32
    %select_n3A_8 = arith.select %eq3A_6, %jit3A, %jit3A_7 : i32
    %broadcast_in_dim3A = arith.constant 0.000000e+00 : f32
    %broadcast_in_dim3A_9 = vector.broadcast %broadcast_in_dim3A : f32 to vector<16xf32>
    %scan3A = arith.constant 0 : i32
    %scan3A_10 = arith.constant 0 : i32
    %scan3A_11 = arith.constant 128 : i32
    %scan3A_12 = arith.addi %scan3A_10, %scan3A_11 : i32
    %scan3A_13 = arith.constant 1 : i32
    scf.for %scan3A_65 = %scan3A_10 to %scan3A_12 step %scan3A_13  : i32 {
      %swap3A = arith.index_cast %scan3A_65 : i32 to index
      %swap3A_66 = arith.constant 0 : index
      %swap3A_67 = tpu.vector_load %arg8[%swap3A, %swap3A_66] {strides = array<i32>} : memref<128x128xf32, #tpu.memory_space<vmem>>, vector<16xf32>,
      tpu.vector_store %arg8[%swap3A, %swap3A_66], %broadcast_in_dim3A_9 {strides = array<i32>} : memref<128x128xf32, #tpu.memory_space<vmem>>, vector<16xf32>,
      %swap3A_68 = arith.index_cast %scan3A_65 : i32 to index
      %swap3A_69 = arith.constant 16 : index
      %swap3A_70 = tpu.vector_load %arg8[%swap3A_68, %swap3A_69] {strides = array<i32>} : memref<128x128xf32, #tpu.memory_space<vmem>>, vector<16xf32>,
      tpu.vector_store %arg8[%swap3A_68, %swap3A_69], %broadcast_in_dim3A_9 {strides = array<i32>} : memref<128x128xf32, #tpu.memory_space<vmem>>, vector<16xf32>,
      %swap3A_71 = arith.index_cast %scan3A_65 : i32 to index
      %swap3A_72 = arith.constant 32 : index
      %swap3A_73 = tpu.vector_load %arg8[%swap3A_71, %swap3A_72] {strides = array<i32>} : memref<128x128xf32, #tpu.memory_space<vmem>>, vector<16xf32>,
      tpu.vector_store %arg8[%swap3A_71, %swap3A_72], %broadcast_in_dim3A_9 {strides = array<i32>} : memref<128x128xf32, #tpu.memory_space<vmem>>, vector<16xf32>,
      %swap3A_74 = arith.index_cast %scan3A_65 : i32 to index
      %swap3A_75 = arith.constant 48 : index
      %swap3A_76 = tpu.vector_load %arg8[%swap3A_74, %swap3A_75] {strides = array<i32>} : memref<128x128xf32, #tpu.memory_space<vmem>>, vector<16xf32>,
      tpu.vector_store %arg8[%swap3A_74, %swap3A_75], %broadcast_in_dim3A_9 {strides = array<i32>} : memref<128x128xf32, #tpu.memory_space<vmem>>, vector<16xf32>,
      %swap3A_77 = arith.index_cast %scan3A_65 : i32 to index
      %swap3A_78 = arith.constant 64 : index
      %swap3A_79 = tpu.vector_load %arg8[%swap3A_77, %swap3A_78] {strides = array<i32>} : memref<128x128xf32, #tpu.memory_space<vmem>>, vector<16xf32>,
      tpu.vector_store %arg8[%swap3A_77, %swap3A_78], %broadcast_in_dim3A_9 {strides = array<i32>} : memref<128x128xf32, #tpu.memory_space<vmem>>, vector<16xf32>,
      %swap3A_80 = arith.index_cast %scan3A_65 : i32 to index
      %swap3A_81 = arith.constant 80 : index
      %swap3A_82 = tpu.vector_load %arg8[%swap3A_80, %swap3A_81] {strides = array<i32>} : memref<128x128xf32, #tpu.memory_space<vmem>>, vector<16xf32>,
      tpu.vector_store %arg8[%swap3A_80, %swap3A_81], %broadcast_in_dim3A_9 {strides = array<i32>} : memref<128x128xf32, #tpu.memory_space<vmem>>, vector<16xf32>,
      %swap3A_83 = arith.index_cast %scan3A_65 : i32 to index
      %swap3A_84 = arith.constant 96 : index
      %swap3A_85 = tpu.vector_load %arg8[%swap3A_83, %swap3A_84] {strides = array<i32>} : memref<128x128xf32, #tpu.memory_space<vmem>>, vector<16xf32>,
      tpu.vector_store %arg8[%swap3A_83, %swap3A_84], %broadcast_in_dim3A_9 {strides = array<i32>} : memref<128x128xf32, #tpu.memory_space<vmem>>, vector<16xf32>,
      %swap3A_86 = arith.index_cast %scan3A_65 : i32 to index
      %swap3A_87 = arith.constant 112 : index
      %swap3A_88 = tpu.vector_load %arg8[%swap3A_86, %swap3A_87] {strides = array<i32>} : memref<128x128xf32, #tpu.memory_space<vmem>>, vector<16xf32>,
      tpu.vector_store %arg8[%swap3A_86, %swap3A_87], %broadcast_in_dim3A_9 {strides = array<i32>} : memref<128x128xf32, #tpu.memory_space<vmem>>, vector<16xf32>,
    }
    %scan3A_14 = arith.constant 128 : i32
    %mul3A_15 = arith.constant 624 : i32
    %mul3A_16 = arith.muli %arg1, %mul3A_15 : i32
    %add3A_17 = arith.constant 0 : i32
    %add3A_18 = arith.addi %mul3A_16, %add3A_17 : i32
    "tpu.region"() ({
      %run_scoped3A = tpu.sem_alloc : memref<!tpu.dma_semaphore, #tpu.memory_space<semaphore_mem>>
      %dma_start3A = arith.constant 0 : i32
      %dma_start3A_65 = arith.constant 0 : i32
      %dma_start3A_66 = tpu.memref_slice %arg8[%dma_start3A, %dma_start3A_65] : memref<128x128xf32, #tpu.memory_space<vmem>> -> memref<128x128xf32, #tpu.memory_space<vmem>>
      %dma_start3A_67 = arith.constant 0 : i32
      %dma_start3A_68 = tpu.memref_slice %arg10[%add3A_18, %dma_start3A_67] : memref<10008x128xf32, #tpu.memory_space<vmem_shared>> -> memref<128x128xf32, #tpu.memory_space<vmem_shared>>
      %dma_start3A_69 = arith.constant 0 : i32
      %dma_start3A_70 = tpu.memref_slice %arg10[%add3A_18, %dma_start3A_69] : memref<10008x128xf32, #tpu.memory_space<vmem_shared>> -> memref<128x128xf32, #tpu.memory_space<vmem_shared>>
      %dma_start3A_71 = arith.constant 0 : i32
      %dma_start3A_72 = arith.constant 0 : i32
      %dma_start3A_73 = tpu.memref_slice %arg8[%dma_start3A_71, %dma_start3A_72] : memref<128x128xf32, #tpu.memory_space<vmem>> -> memref<128x128xf32, #tpu.memory_space<vmem>>
      tpu.enqueue_dma source(%dma_start3A_73 : memref<128x128xf32, #tpu.memory_space<vmem>>) target(%dma_start3A_70 : memref<128x128xf32, #tpu.memory_space<vmem_shared>>) target_semaphore(%run_scoped3A : memref<!tpu.dma_semaphore, #tpu.memory_space<semaphore_mem>>)
      %dma_wait3A = arith.constant 0 : i32
      %dma_wait3A_74 = arith.constant 0 : i32
      %dma_wait3A_75 = tpu.memref_slice %arg8[%dma_wait3A, %dma_wait3A_74] : memref<128x128xf32, #tpu.memory_space<vmem>> -> memref<128x128xf32, #tpu.memory_space<vmem>>
      %dma_wait3A_76 = arith.constant 0 : i32
      %dma_wait3A_77 = tpu.memref_slice %arg10[%add3A_18, %dma_wait3A_76] : memref<10008x128xf32, #tpu.memory_space<vmem_shared>> -> memref<128x128xf32, #tpu.memory_space<vmem_shared>>
      %dma_wait3A_78 = arith.constant 0 : i32
      %dma_wait3A_79 = tpu.memref_slice %arg10[%add3A_18, %dma_wait3A_78] : memref<10008x128xf32, #tpu.memory_space<vmem_shared>> -> memref<128x128xf32, #tpu.memory_space<vmem_shared>>
      %dma_wait3A_80 = arith.constant 0 : i32
      %dma_wait3A_81 = arith.constant 0 : i32
      %dma_wait3A_82 = tpu.memref_slice %arg8[%dma_wait3A_80, %dma_wait3A_81] : memref<128x128xf32, #tpu.memory_space<vmem>> -> memref<128x128xf32, #tpu.memory_space<vmem>>
      tpu.wait_dma2 semaphore(%run_scoped3A : memref<!tpu.dma_semaphore, #tpu.memory_space<semaphore_mem>>) src(%dma_wait3A_82 : memref<128x128xf32, #tpu.memory_space<vmem>>) dst(%dma_wait3A_79 : memref<128x128xf32, #tpu.memory_space<vmem_shared>>)
      tpu.yield
    }) : () -> ()
    %add3A_19 = arith.constant 128 : i32
    %add3A_20 = arith.addi %mul3A_16, %add3A_19 : i32
    "tpu.region"() ({
      %run_scoped3A = tpu.sem_alloc : memref<!tpu.dma_semaphore, #tpu.memory_space<semaphore_mem>>
      %dma_start3A = arith.constant 0 : i32
      %dma_start3A_65 = arith.constant 0 : i32
      %dma_start3A_66 = tpu.memref_slice %arg8[%dma_start3A, %dma_start3A_65] : memref<128x128xf32, #tpu.memory_space<vmem>> -> memref<128x128xf32, #tpu.memory_space<vmem>>
      %dma_start3A_67 = arith.constant 0 : i32
      %dma_start3A_68 = tpu.memref_slice %arg10[%add3A_20, %dma_start3A_67] : memref<10008x128xf32, #tpu.memory_space<vmem_shared>> -> memref<128x128xf32, #tpu.memory_space<vmem_shared>>
      %dma_start3A_69 = arith.constant 0 : i32
      %dma_start3A_70 = tpu.memref_slice %arg10[%add3A_20, %dma_start3A_69] : memref<10008x128xf32, #tpu.memory_space<vmem_shared>> -> memref<128x128xf32, #tpu.memory_space<vmem_shared>>
      %dma_start3A_71 = arith.constant 0 : i32
      %dma_start3A_72 = arith.constant 0 : i32
      %dma_start3A_73 = tpu.memref_slice %arg8[%dma_start3A_71, %dma_start3A_72] : memref<128x128xf32, #tpu.memory_space<vmem>> -> memref<128x128xf32, #tpu.memory_space<vmem>>
      tpu.enqueue_dma source(%dma_start3A_73 : memref<128x128xf32, #tpu.memory_space<vmem>>) target(%dma_start3A_70 : memref<128x128xf32, #tpu.memory_space<vmem_shared>>) target_semaphore(%run_scoped3A : memref<!tpu.dma_semaphore, #tpu.memory_space<semaphore_mem>>)
      %dma_wait3A = arith.constant 0 : i32
      %dma_wait3A_74 = arith.constant 0 : i32
      %dma_wait3A_75 = tpu.memref_slice %arg8[%dma_wait3A, %dma_wait3A_74] : memref<128x128xf32, #tpu.memory_space<vmem>> -> memref<128x128xf32, #tpu.memory_space<vmem>>
      %dma_wait3A_76 = arith.constant 0 : i32
      %dma_wait3A_77 = tpu.memref_slice %arg10[%add3A_20, %dma_wait3A_76] : memref<10008x128xf32, #tpu.memory_space<vmem_shared>> -> memref<128x128xf32, #tpu.memory_space<vmem_shared>>
      %dma_wait3A_78 = arith.constant 0 : i32
      %dma_wait3A_79 = tpu.memref_slice %arg10[%add3A_20, %dma_wait3A_78] : memref<10008x128xf32, #tpu.memory_space<vmem_shared>> -> memref<128x128xf32, #tpu.memory_space<vmem_shared>>
      %dma_wait3A_80 = arith.constant 0 : i32
      %dma_wait3A_81 = arith.constant 0 : i32
      %dma_wait3A_82 = tpu.memref_slice %arg8[%dma_wait3A_80, %dma_wait3A_81] : memref<128x128xf32, #tpu.memory_space<vmem>> -> memref<128x128xf32, #tpu.memory_space<vmem>>
      tpu.wait_dma2 semaphore(%run_scoped3A : memref<!tpu.dma_semaphore, #tpu.memory_space<semaphore_mem>>) src(%dma_wait3A_82 : memref<128x128xf32, #tpu.memory_space<vmem>>) dst(%dma_wait3A_79 : memref<128x128xf32, #tpu.memory_space<vmem_shared>>)
      tpu.yield
    }) : () -> ()
    %add3A_21 = arith.constant 256 : i32
    %add3A_22 = arith.addi %mul3A_16, %add3A_21 : i32
    "tpu.region"() ({
      %run_scoped3A = tpu.sem_alloc : memref<!tpu.dma_semaphore, #tpu.memory_space<semaphore_mem>>
      %dma_start3A = arith.constant 0 : i32
      %dma_start3A_65 = arith.constant 0 : i32
      %dma_start3A_66 = tpu.memref_slice %arg8[%dma_start3A, %dma_start3A_65] : memref<128x128xf32, #tpu.memory_space<vmem>> -> memref<128x128xf32, #tpu.memory_space<vmem>>
      %dma_start3A_67 = arith.constant 0 : i32
      %dma_start3A_68 = tpu.memref_slice %arg10[%add3A_22, %dma_start3A_67] : memref<10008x128xf32, #tpu.memory_space<vmem_shared>> -> memref<128x128xf32, #tpu.memory_space<vmem_shared>>
      %dma_start3A_69 = arith.constant 0 : i32
      %dma_start3A_70 = tpu.memref_slice %arg10[%add3A_22, %dma_start3A_69] : memref<10008x128xf32, #tpu.memory_space<vmem_shared>> -> memref<128x128xf32, #tpu.memory_space<vmem_shared>>
      %dma_start3A_71 = arith.constant 0 : i32
      %dma_start3A_72 = arith.constant 0 : i32
      %dma_start3A_73 = tpu.memref_slice %arg8[%dma_start3A_71, %dma_start3A_72] : memref<128x128xf32, #tpu.memory_space<vmem>> -> memref<128x128xf32, #tpu.memory_space<vmem>>
      tpu.enqueue_dma source(%dma_start3A_73 : memref<128x128xf32, #tpu.memory_space<vmem>>) target(%dma_start3A_70 : memref<128x128xf32, #tpu.memory_space<vmem_shared>>) target_semaphore(%run_scoped3A : memref<!tpu.dma_semaphore, #tpu.memory_space<semaphore_mem>>)
      %dma_wait3A = arith.constant 0 : i32
      %dma_wait3A_74 = arith.constant 0 : i32
      %dma_wait3A_75 = tpu.memref_slice %arg8[%dma_wait3A, %dma_wait3A_74] : memref<128x128xf32, #tpu.memory_space<vmem>> -> memref<128x128xf32, #tpu.memory_space<vmem>>
      %dma_wait3A_76 = arith.constant 0 : i32
      %dma_wait3A_77 = tpu.memref_slice %arg10[%add3A_22, %dma_wait3A_76] : memref<10008x128xf32, #tpu.memory_space<vmem_shared>> -> memref<128x128xf32, #tpu.memory_space<vmem_shared>>
      %dma_wait3A_78 = arith.constant 0 : i32
      %dma_wait3A_79 = tpu.memref_slice %arg10[%add3A_22, %dma_wait3A_78] : memref<10008x128xf32, #tpu.memory_space<vmem_shared>> -> memref<128x128xf32, #tpu.memory_space<vmem_shared>>
      %dma_wait3A_80 = arith.constant 0 : i32
      %dma_wait3A_81 = arith.constant 0 : i32
      %dma_wait3A_82 = tpu.memref_slice %arg8[%dma_wait3A_80, %dma_wait3A_81] : memref<128x128xf32, #tpu.memory_space<vmem>> -> memref<128x128xf32, #tpu.memory_space<vmem>>
      tpu.wait_dma2 semaphore(%run_scoped3A : memref<!tpu.dma_semaphore, #tpu.memory_space<semaphore_mem>>) src(%dma_wait3A_82 : memref<128x128xf32, #tpu.memory_space<vmem>>) dst(%dma_wait3A_79 : memref<128x128xf32, #tpu.memory_space<vmem_shared>>)
      tpu.yield
    }) : () -> ()
    %add3A_23 = arith.constant 384 : i32
    %add3A_24 = arith.addi %mul3A_16, %add3A_23 : i32
    "tpu.region"() ({
      %run_scoped3A = tpu.sem_alloc : memref<!tpu.dma_semaphore, #tpu.memory_space<semaphore_mem>>
      %dma_start3A = arith.constant 0 : i32
      %dma_start3A_65 = arith.constant 0 : i32
      %dma_start3A_66 = tpu.memref_slice %arg8[%dma_start3A, %dma_start3A_65] : memref<128x128xf32, #tpu.memory_space<vmem>> -> memref<128x128xf32, #tpu.memory_space<vmem>>
      %dma_start3A_67 = arith.constant 0 : i32
      %dma_start3A_68 = tpu.memref_slice %arg10[%add3A_24, %dma_start3A_67] : memref<10008x128xf32, #tpu.memory_space<vmem_shared>> -> memref<128x128xf32, #tpu.memory_space<vmem_shared>>
      %dma_start3A_69 = arith.constant 0 : i32
      %dma_start3A_70 = tpu.memref_slice %arg10[%add3A_24, %dma_start3A_69] : memref<10008x128xf32, #tpu.memory_space<vmem_shared>> -> memref<128x128xf32, #tpu.memory_space<vmem_shared>>
      %dma_start3A_71 = arith.constant 0 : i32
      %dma_start3A_72 = arith.constant 0 : i32
      %dma_start3A_73 = tpu.memref_slice %arg8[%dma_start3A_71, %dma_start3A_72] : memref<128x128xf32, #tpu.memory_space<vmem>> -> memref<128x128xf32, #tpu.memory_space<vmem>>
      tpu.enqueue_dma source(%dma_start3A_73 : memref<128x128xf32, #tpu.memory_space<vmem>>) target(%dma_start3A_70 : memref<128x128xf32, #tpu.memory_space<vmem_shared>>) target_semaphore(%run_scoped3A : memref<!tpu.dma_semaphore, #tpu.memory_space<semaphore_mem>>)
      %dma_wait3A = arith.constant 0 : i32
      %dma_wait3A_74 = arith.constant 0 : i32
      %dma_wait3A_75 = tpu.memref_slice %arg8[%dma_wait3A, %dma_wait3A_74] : memref<128x128xf32, #tpu.memory_space<vmem>> -> memref<128x128xf32, #tpu.memory_space<vmem>>
      %dma_wait3A_76 = arith.constant 0 : i32
      %dma_wait3A_77 = tpu.memref_slice %arg10[%add3A_24, %dma_wait3A_76] : memref<10008x128xf32, #tpu.memory_space<vmem_shared>> -> memref<128x128xf32, #tpu.memory_space<vmem_shared>>
      %dma_wait3A_78 = arith.constant 0 : i32
      %dma_wait3A_79 = tpu.memref_slice %arg10[%add3A_24, %dma_wait3A_78] : memref<10008x128xf32, #tpu.memory_space<vmem_shared>> -> memref<128x128xf32, #tpu.memory_space<vmem_shared>>
      %dma_wait3A_80 = arith.constant 0 : i32
      %dma_wait3A_81 = arith.constant 0 : i32
      %dma_wait3A_82 = tpu.memref_slice %arg8[%dma_wait3A_80, %dma_wait3A_81] : memref<128x128xf32, #tpu.memory_space<vmem>> -> memref<128x128xf32, #tpu.memory_space<vmem>>
      tpu.wait_dma2 semaphore(%run_scoped3A : memref<!tpu.dma_semaphore, #tpu.memory_space<semaphore_mem>>) src(%dma_wait3A_82 : memref<128x128xf32, #tpu.memory_space<vmem>>) dst(%dma_wait3A_79 : memref<128x128xf32, #tpu.memory_space<vmem_shared>>)
      tpu.yield
    }) : () -> ()
    %add3A_25 = arith.constant 512 : i32
    %add3A_26 = arith.addi %mul3A_16, %add3A_25 : i32
    "tpu.region"() ({
      %run_scoped3A = tpu.sem_alloc : memref<!tpu.dma_semaphore, #tpu.memory_space<semaphore_mem>>
      %dma_start3A = arith.constant 0 : i32
      %dma_start3A_65 = arith.constant 0 : i32
      %dma_start3A_66 = tpu.memref_slice %arg8[%dma_start3A, %dma_start3A_65] : memref<128x128xf32, #tpu.memory_space<vmem>> -> memref<112x128xf32, #tpu.memory_space<vmem>>
      %dma_start3A_67 = arith.constant 0 : i32
      %dma_start3A_68 = tpu.memref_slice %arg10[%add3A_26, %dma_start3A_67] : memref<10008x128xf32, #tpu.memory_space<vmem_shared>> -> memref<112x128xf32, #tpu.memory_space<vmem_shared>>
      %dma_start3A_69 = arith.constant 0 : i32
      %dma_start3A_70 = tpu.memref_slice %arg10[%add3A_26, %dma_start3A_69] : memref<10008x128xf32, #tpu.memory_space<vmem_shared>> -> memref<112x128xf32, #tpu.memory_space<vmem_shared>>
      %dma_start3A_71 = arith.constant 0 : i32
      %dma_start3A_72 = arith.constant 0 : i32
      %dma_start3A_73 = tpu.memref_slice %arg8[%dma_start3A_71, %dma_start3A_72] : memref<128x128xf32, #tpu.memory_space<vmem>> -> memref<112x128xf32, #tpu.memory_space<vmem>>
      tpu.enqueue_dma source(%dma_start3A_73 : memref<112x128xf32, #tpu.memory_space<vmem>>) target(%dma_start3A_70 : memref<112x128xf32, #tpu.memory_space<vmem_shared>>) target_semaphore(%run_scoped3A : memref<!tpu.dma_semaphore, #tpu.memory_space<semaphore_mem>>)
      %dma_wait3A = arith.constant 0 : i32
      %dma_wait3A_74 = arith.constant 0 : i32
      %dma_wait3A_75 = tpu.memref_slice %arg8[%dma_wait3A, %dma_wait3A_74] : memref<128x128xf32, #tpu.memory_space<vmem>> -> memref<112x128xf32, #tpu.memory_space<vmem>>
      %dma_wait3A_76 = arith.constant 0 : i32
      %dma_wait3A_77 = tpu.memref_slice %arg10[%add3A_26, %dma_wait3A_76] : memref<10008x128xf32, #tpu.memory_space<vmem_shared>> -> memref<112x128xf32, #tpu.memory_space<vmem_shared>>
      %dma_wait3A_78 = arith.constant 0 : i32
      %dma_wait3A_79 = tpu.memref_slice %arg10[%add3A_26, %dma_wait3A_78] : memref<10008x128xf32, #tpu.memory_space<vmem_shared>> -> memref<112x128xf32, #tpu.memory_space<vmem_shared>>
      %dma_wait3A_80 = arith.constant 0 : i32
      %dma_wait3A_81 = arith.constant 0 : i32
      %dma_wait3A_82 = tpu.memref_slice %arg8[%dma_wait3A_80, %dma_wait3A_81] : memref<128x128xf32, #tpu.memory_space<vmem>> -> memref<112x128xf32, #tpu.memory_space<vmem>>
      tpu.wait_dma2 semaphore(%run_scoped3A : memref<!tpu.dma_semaphore, #tpu.memory_space<semaphore_mem>>) src(%dma_wait3A_82 : memref<112x128xf32, #tpu.memory_space<vmem>>) dst(%dma_wait3A_79 : memref<112x128xf32, #tpu.memory_space<vmem_shared>>)
      tpu.yield
    }) : () -> ()
    %eq3A_27 = arith.constant 15 : i32
    %eq3A_28 = arith.cmpi eq, %arg1, %eq3A_27 : i32
    %convert_element_type3A = arith.extui %eq3A_28 : i1 to i32
    %cond3A = arith.constant 0 : i32
    %cond3A_29 = arith.cmpi ne, %convert_element_type3A, %cond3A : i32
    scf.if %cond3A_29 {
      "tpu.region"() ({
        %run_scoped3A = tpu.sem_alloc : memref<!tpu.dma_semaphore, #tpu.memory_space<semaphore_mem>>
        %dma_start3A = arith.constant 0 : i32
        %dma_start3A_65 = arith.constant 0 : i32
        %dma_start3A_66 = tpu.memref_slice %arg8[%dma_start3A, %dma_start3A_65] : memref<128x128xf32, #tpu.memory_space<vmem>> -> memref<16x128xf32, #tpu.memory_space<vmem>>
        %dma_start3A_67 = arith.constant 9984 : i32
        %dma_start3A_68 = arith.constant 0 : i32
        %dma_start3A_69 = tpu.memref_slice %arg10[%dma_start3A_67, %dma_start3A_68] : memref<10008x128xf32, #tpu.memory_space<vmem_shared>> -> memref<16x128xf32, #tpu.memory_space<vmem_shared>>
        %dma_start3A_70 = arith.constant 9984 : i32
        %dma_start3A_71 = arith.constant 0 : i32
        %dma_start3A_72 = tpu.memref_slice %arg10[%dma_start3A_70, %dma_start3A_71] : memref<10008x128xf32, #tpu.memory_space<vmem_shared>> -> memref<16x128xf32, #tpu.memory_space<vmem_shared>>
        %dma_start3A_73 = arith.constant 0 : i32
        %dma_start3A_74 = arith.constant 0 : i32
        %dma_start3A_75 = tpu.memref_slice %arg8[%dma_start3A_73, %dma_start3A_74] : memref<128x128xf32, #tpu.memory_space<vmem>> -> memref<16x128xf32, #tpu.memory_space<vmem>>
        tpu.enqueue_dma source(%dma_start3A_75 : memref<16x128xf32, #tpu.memory_space<vmem>>) target(%dma_start3A_72 : memref<16x128xf32, #tpu.memory_space<vmem_shared>>) target_semaphore(%run_scoped3A : memref<!tpu.dma_semaphore, #tpu.memory_space<semaphore_mem>>)
        %dma_wait3A = arith.constant 0 : i32
        %dma_wait3A_76 = arith.constant 0 : i32
        %dma_wait3A_77 = tpu.memref_slice %arg8[%dma_wait3A, %dma_wait3A_76] : memref<128x128xf32, #tpu.memory_space<vmem>> -> memref<16x128xf32, #tpu.memory_space<vmem>>
        %dma_wait3A_78 = arith.constant 9984 : i32
        %dma_wait3A_79 = arith.constant 0 : i32
        %dma_wait3A_80 = tpu.memref_slice %arg10[%dma_wait3A_78, %dma_wait3A_79] : memref<10008x128xf32, #tpu.memory_space<vmem_shared>> -> memref<16x128xf32, #tpu.memory_space<vmem_shared>>
        %dma_wait3A_81 = arith.constant 9984 : i32
        %dma_wait3A_82 = arith.constant 0 : i32
        %dma_wait3A_83 = tpu.memref_slice %arg10[%dma_wait3A_81, %dma_wait3A_82] : memref<10008x128xf32, #tpu.memory_space<vmem_shared>> -> memref<16x128xf32, #tpu.memory_space<vmem_shared>>
        %dma_wait3A_84 = arith.constant 0 : i32
        %dma_wait3A_85 = arith.constant 0 : i32
        %dma_wait3A_86 = tpu.memref_slice %arg8[%dma_wait3A_84, %dma_wait3A_85] : memref<128x128xf32, #tpu.memory_space<vmem>> -> memref<16x128xf32, #tpu.memory_space<vmem>>
        tpu.wait_dma2 semaphore(%run_scoped3A : memref<!tpu.dma_semaphore, #tpu.memory_space<semaphore_mem>>) src(%dma_wait3A_86 : memref<16x128xf32, #tpu.memory_space<vmem>>) dst(%dma_wait3A_83 : memref<16x128xf32, #tpu.memory_space<vmem_shared>>)
        tpu.yield
      }) : () -> ()
    } else {
    }
    %barrier3A = arith.constant 0 : index
    tpu.barrier barrier_id(%barrier3A)
    %while3A = arith.constant 0 : i32
    %while3A_30 = arith.constant 0 : i32
    %while3A_31 = arith.subi %select_n3A_8, %while3A_30 : i32
    %while3A_32 = arith.addi %while3A_30, %while3A_31 : i32
    %while3A_33 = arith.constant 1 : i32
    %while3A_34 = arith.divsi %while3A_31, %while3A_33 : i32
    %while3A_35 = arith.muli %while3A_34, %while3A_33 : i32
    %while3A_36 = arith.addi %while3A_30, %while3A_35 : i32
    %while3A_37 = arith.constant 1 : i32
    scf.for %while3A_65 = %while3A_30 to %while3A_36 step %while3A_37  : i32 {
      %mul3A_66 = arith.constant 16 : i32
      %mul3A_67 = arith.muli %while3A_65, %mul3A_66 : i32
      %add3A_68 = arith.addi %select_n3A, %mul3A_67 : i32
      "tpu.region"() ({
        %run_scoped3A = tpu.sem_alloc : memref<!tpu.dma_semaphore, #tpu.memory_space<semaphore_mem>>
        %dma_start3A_84 = arith.constant 0 : i32
        %dma_start3A_85 = tpu.memref_slice %arg3[%add3A_68, %dma_start3A_84] : memref<2560x128xi32, #tpu.memory_space<hbm>> -> memref<16x128xi32, #tpu.memory_space<hbm>>
        %dma_start3A_86 = arith.constant 0 : i32
        %dma_start3A_87 = tpu.memref_slice %arg3[%add3A_68, %dma_start3A_86] : memref<2560x128xi32, #tpu.memory_space<hbm>> -> memref<16x128xi32, #tpu.memory_space<hbm>>
        tpu.enqueue_dma source(%dma_start3A_87 : memref<16x128xi32, #tpu.memory_space<hbm>>) target(%arg6 : memref<16x128xi32, #tpu.memory_space<vmem>>) target_semaphore(%run_scoped3A : memref<!tpu.dma_semaphore, #tpu.memory_space<semaphore_mem>>)
        %dma_wait3A = arith.constant 0 : i32
        %dma_wait3A_88 = tpu.memref_slice %arg3[%add3A_68, %dma_wait3A] : memref<2560x128xi32, #tpu.memory_space<hbm>> -> memref<16x128xi32, #tpu.memory_space<hbm>>
        %dma_wait3A_89 = arith.constant 0 : i32
        %dma_wait3A_90 = tpu.memref_slice %arg3[%add3A_68, %dma_wait3A_89] : memref<2560x128xi32, #tpu.memory_space<hbm>> -> memref<16x128xi32, #tpu.memory_space<hbm>>
        tpu.wait_dma2 semaphore(%run_scoped3A : memref<!tpu.dma_semaphore, #tpu.memory_space<semaphore_mem>>) src(%dma_wait3A_90 : memref<16x128xi32, #tpu.memory_space<hbm>>) dst(%arg6 : memref<16x128xi32, #tpu.memory_space<vmem>>)
        tpu.yield
      }) : () -> ()
      %mul3A_69 = arith.constant 16 : i32
      %mul3A_70 = arith.muli %while3A_65, %mul3A_69 : i32
      %add3A_71 = arith.addi %select_n3A, %mul3A_70 : i32
      "tpu.region"() ({
        %run_scoped3A = tpu.sem_alloc : memref<!tpu.dma_semaphore, #tpu.memory_space<semaphore_mem>>
        %dma_start3A_84 = arith.constant 0 : i32
        %dma_start3A_85 = tpu.memref_slice %arg4[%add3A_71, %dma_start3A_84] : memref<2560x128xi32, #tpu.memory_space<hbm>> -> memref<16x128xi32, #tpu.memory_space<hbm>>
        %dma_start3A_86 = arith.constant 0 : i32
        %dma_start3A_87 = tpu.memref_slice %arg4[%add3A_71, %dma_start3A_86] : memref<2560x128xi32, #tpu.memory_space<hbm>> -> memref<16x128xi32, #tpu.memory_space<hbm>>
        tpu.enqueue_dma source(%dma_start3A_87 : memref<16x128xi32, #tpu.memory_space<hbm>>) target(%arg7 : memref<16x128xi32, #tpu.memory_space<vmem>>) target_semaphore(%run_scoped3A : memref<!tpu.dma_semaphore, #tpu.memory_space<semaphore_mem>>)
        %dma_wait3A = arith.constant 0 : i32
        %dma_wait3A_88 = tpu.memref_slice %arg4[%add3A_71, %dma_wait3A] : memref<2560x128xi32, #tpu.memory_space<hbm>> -> memref<16x128xi32, #tpu.memory_space<hbm>>
        %dma_wait3A_89 = arith.constant 0 : i32
        %dma_wait3A_90 = tpu.memref_slice %arg4[%add3A_71, %dma_wait3A_89] : memref<2560x128xi32, #tpu.memory_space<hbm>> -> memref<16x128xi32, #tpu.memory_space<hbm>>
        tpu.wait_dma2 semaphore(%run_scoped3A : memref<!tpu.dma_semaphore, #tpu.memory_space<semaphore_mem>>) src(%dma_wait3A_90 : memref<16x128xi32, #tpu.memory_space<hbm>>) dst(%arg7 : memref<16x128xi32, #tpu.memory_space<vmem>>)
        tpu.yield
      }) : () -> ()
      %dma_start3A = arith.constant 0 : i32
      %dma_start3A_72 = arith.constant 0 : i32
      %dma_start3A_73 = tpu.memref_slice %arg6[%dma_start3A, %dma_start3A_72] : memref<16x128xi32, #tpu.memory_space<vmem>> -> memref<1x128xi32, #tpu.memory_space<vmem>>
      %dma_start3A_74 = tpu.memref_squeeze %dma_start3A_73 : memref<1x128xi32, #tpu.memory_space<vmem>> -> memref<128xi32, #tpu.memory_space<vmem>>
      %dma_start3A_75 = arith.constant 0 : i32
      %dma_start3A_76 = arith.constant 0 : i32
      %dma_start3A_77 = tpu.memref_slice %arg2[%dma_start3A_75, %dma_start3A_76] : memref<10000x128xf32, #tpu.memory_space<hbm>> -> memref<10000x128xf32, #tpu.memory_space<hbm>>
      tpu.enqueue_indirect_dma source(%dma_start3A_77 : memref<10000x128xf32, #tpu.memory_space<hbm>>) target(%arg8 : memref<128x128xf32, #tpu.memory_space<vmem>>) offsets(%dma_start3A_74 : memref<128xi32, #tpu.memory_space<vmem>>) semaphore(%arg11 : memref<!tpu.dma_semaphore, #tpu.memory_space<semaphore_mem>>)
      %scan3A_78 = arith.constant 0 : i32
      %scan3A_79 = arith.constant 0 : i32
      %scan3A_80 = arith.constant 8 : i32
      %scan3A_81 = arith.addi %scan3A_79, %scan3A_80 : i32
      %scan3A_82 = arith.constant 1 : i32
      scf.for %scan3A_84 = %scan3A_79 to %scan3A_81 step %scan3A_82  : i32 {
        %mul3A_85 = arith.constant 2 : i32
        %mul3A_86 = arith.muli %mul3A_85, %scan3A_84 : i32
        %add3A_87 = arith.constant 1 : i32
        %add3A_88 = arith.addi %mul3A_86, %add3A_87 : i32
        %dma_start3A_89 = arith.constant 0 : i32
        %dma_start3A_90 = tpu.memref_slice %arg6[%add3A_88, %dma_start3A_89] : memref<16x128xi32, #tpu.memory_space<vmem>> -> memref<1x128xi32, #tpu.memory_space<vmem>>
        %dma_start3A_91 = tpu.memref_squeeze %dma_start3A_90 : memref<1x128xi32, #tpu.memory_space<vmem>> -> memref<128xi32, #tpu.memory_space<vmem>>
        %dma_start3A_92 = arith.constant 0 : i32
        %dma_start3A_93 = arith.constant 0 : i32
        %dma_start3A_94 = tpu.memref_slice %arg2[%dma_start3A_92, %dma_start3A_93] : memref<10000x128xf32, #tpu.memory_space<hbm>> -> memref<10000x128xf32, #tpu.memory_space<hbm>>
        tpu.enqueue_indirect_dma source(%dma_start3A_94 : memref<10000x128xf32, #tpu.memory_space<hbm>>) target(%arg9 : memref<128x128xf32, #tpu.memory_space<vmem>>) offsets(%dma_start3A_91 : memref<128xi32, #tpu.memory_space<vmem>>) semaphore(%arg12 : memref<!tpu.dma_semaphore, #tpu.memory_space<semaphore_mem>>)
        %dma_wait3A = arith.constant 0 : i32
        %dma_wait3A_95 = arith.constant 0 : i32
        %dma_wait3A_96 = tpu.memref_slice %arg2[%dma_wait3A, %dma_wait3A_95] : memref<10000x128xf32, #tpu.memory_space<hbm>> -> memref<128x128xf32, #tpu.memory_space<hbm>>
        %dma_wait3A_97 = arith.constant 0 : i32
        %dma_wait3A_98 = arith.constant 0 : i32
        %dma_wait3A_99 = tpu.memref_slice %arg2[%dma_wait3A_97, %dma_wait3A_98] : memref<10000x128xf32, #tpu.memory_space<hbm>> -> memref<128x128xf32, #tpu.memory_space<hbm>>
        tpu.wait_dma2 semaphore(%arg11 : memref<!tpu.dma_semaphore, #tpu.memory_space<semaphore_mem>>) src(%dma_wait3A_99 : memref<128x128xf32, #tpu.memory_space<hbm>>) dst(%arg8 : memref<128x128xf32, #tpu.memory_space<vmem>>)
        "tpu.region"() ({
          %run_scoped3A = tpu.sem_alloc : memref<!tpu.dma_semaphore, #tpu.memory_space<semaphore_mem>>
          %dma_start3A_112 = arith.constant 0 : i32
          %dma_start3A_113 = tpu.memref_slice %arg7[%mul3A_86, %dma_start3A_112] : memref<16x128xi32, #tpu.memory_space<vmem>> -> memref<1x128xi32, #tpu.memory_space<vmem>>
          %dma_start3A_114 = tpu.memref_squeeze %dma_start3A_113 : memref<1x128xi32, #tpu.memory_space<vmem>> -> memref<128xi32, #tpu.memory_space<vmem>>
          %dma_start3A_115 = arith.constant 0 : i32
          %dma_start3A_116 = arith.constant 0 : i32
          %dma_start3A_117 = tpu.memref_slice %arg10[%dma_start3A_115, %dma_start3A_116] : memref<10008x128xf32, #tpu.memory_space<vmem_shared>> -> memref<10008x128xf32, #tpu.memory_space<vmem_shared>>
          tpu.enqueue_indirect_dma source(%arg8 : memref<128x128xf32, #tpu.memory_space<vmem>>) target(%dma_start3A_117 : memref<10008x128xf32, #tpu.memory_space<vmem_shared>>) offsets(%dma_start3A_114 : memref<128xi32, #tpu.memory_space<vmem>>) semaphore(%run_scoped3A : memref<!tpu.dma_semaphore, #tpu.memory_space<semaphore_mem>>) {add = true}
          %dma_wait3A_118 = arith.constant 0 : i32
          %dma_wait3A_119 = tpu.memref_slice %arg7[%mul3A_86, %dma_wait3A_118] : memref<16x128xi32, #tpu.memory_space<vmem>> -> memref<1x128xi32, #tpu.memory_space<vmem>>
          %dma_wait3A_120 = tpu.memref_squeeze %dma_wait3A_119 : memref<1x128xi32, #tpu.memory_space<vmem>> -> memref<128xi32, #tpu.memory_space<vmem>>
          %dma_wait3A_121 = arith.constant 0 : i32
          %dma_wait3A_122 = arith.constant 0 : i32
          %dma_wait3A_123 = tpu.memref_slice %arg10[%dma_wait3A_121, %dma_wait3A_122] : memref<10008x128xf32, #tpu.memory_space<vmem_shared>> -> memref<10008x128xf32, #tpu.memory_space<vmem_shared>>
          tpu.wait_indirect_dma semaphore(%run_scoped3A : memref<!tpu.dma_semaphore, #tpu.memory_space<semaphore_mem>>) src(%arg8 : memref<128x128xf32, #tpu.memory_space<vmem>>) dst(%dma_wait3A_123 : memref<10008x128xf32, #tpu.memory_space<vmem_shared>>)
          tpu.yield
        }) : () -> ()
        %lt3A = arith.constant 7 : i32
        %lt3A_100 = arith.cmpi slt, %scan3A_84, %lt3A : i32
        %convert_element_type3A_101 = arith.extui %lt3A_100 : i1 to i32
        %cond3A_102 = arith.constant 0 : i32
        %cond3A_103 = arith.cmpi ne, %convert_element_type3A_101, %cond3A_102 : i32
        scf.if %cond3A_103 {
          %add3A_112 = arith.constant 2 : i32
          %add3A_113 = arith.addi %mul3A_86, %add3A_112 : i32
          %dma_start3A_114 = arith.constant 0 : i32
          %dma_start3A_115 = tpu.memref_slice %arg6[%add3A_113, %dma_start3A_114] : memref<16x128xi32, #tpu.memory_space<vmem>> -> memref<1x128xi32, #tpu.memory_space<vmem>>
          %dma_start3A_116 = tpu.memref_squeeze %dma_start3A_115 : memref<1x128xi32, #tpu.memory_space<vmem>> -> memref<128xi32, #tpu.memory_space<vmem>>
          %dma_start3A_117 = arith.constant 0 : i32
          %dma_start3A_118 = arith.constant 0 : i32
          %dma_start3A_119 = tpu.memref_slice %arg2[%dma_start3A_117, %dma_start3A_118] : memref<10000x128xf32, #tpu.memory_space<hbm>> -> memref<10000x128xf32, #tpu.memory_space<hbm>>
          tpu.enqueue_indirect_dma source(%dma_start3A_119 : memref<10000x128xf32, #tpu.memory_space<hbm>>) target(%arg8 : memref<128x128xf32, #tpu.memory_space<vmem>>) offsets(%dma_start3A_116 : memref<128xi32, #tpu.memory_space<vmem>>) semaphore(%arg11 : memref<!tpu.dma_semaphore, #tpu.memory_space<semaphore_mem>>)
        } else {
        }
        %dma_wait3A_104 = arith.constant 0 : i32
        %dma_wait3A_105 = arith.constant 0 : i32
        %dma_wait3A_106 = tpu.memref_slice %arg2[%dma_wait3A_104, %dma_wait3A_105] : memref<10000x128xf32, #tpu.memory_space<hbm>> -> memref<128x128xf32, #tpu.memory_space<hbm>>
        %dma_wait3A_107 = arith.constant 0 : i32
        %dma_wait3A_108 = arith.constant 0 : i32
        %dma_wait3A_109 = tpu.memref_slice %arg2[%dma_wait3A_107, %dma_wait3A_108] : memref<10000x128xf32, #tpu.memory_space<hbm>> -> memref<128x128xf32, #tpu.memory_space<hbm>>
        tpu.wait_dma2 semaphore(%arg12 : memref<!tpu.dma_semaphore, #tpu.memory_space<semaphore_mem>>) src(%dma_wait3A_109 : memref<128x128xf32, #tpu.memory_space<hbm>>) dst(%arg9 : memref<128x128xf32, #tpu.memory_space<vmem>>)
        %add3A_110 = arith.constant 1 : i32
        %add3A_111 = arith.addi %mul3A_86, %add3A_110 : i32
        "tpu.region"() ({
          %run_scoped3A = tpu.sem_alloc : memref<!tpu.dma_semaphore, #tpu.memory_space<semaphore_mem>>
          %dma_start3A_112 = arith.constant 0 : i32
          %dma_start3A_113 = tpu.memref_slice %arg7[%add3A_111, %dma_start3A_112] : memref<16x128xi32, #tpu.memory_space<vmem>> -> memref<1x128xi32, #tpu.memory_space<vmem>>
          %dma_start3A_114 = tpu.memref_squeeze %dma_start3A_113 : memref<1x128xi32, #tpu.memory_space<vmem>> -> memref<128xi32, #tpu.memory_space<vmem>>
          %dma_start3A_115 = arith.constant 0 : i32
          %dma_start3A_116 = arith.constant 0 : i32
          %dma_start3A_117 = tpu.memref_slice %arg10[%dma_start3A_115, %dma_start3A_116] : memref<10008x128xf32, #tpu.memory_space<vmem_shared>> -> memref<10008x128xf32, #tpu.memory_space<vmem_shared>>
          tpu.enqueue_indirect_dma source(%arg9 : memref<128x128xf32, #tpu.memory_space<vmem>>) target(%dma_start3A_117 : memref<10008x128xf32, #tpu.memory_space<vmem_shared>>) offsets(%dma_start3A_114 : memref<128xi32, #tpu.memory_space<vmem>>) semaphore(%run_scoped3A : memref<!tpu.dma_semaphore, #tpu.memory_space<semaphore_mem>>) {add = true}
          %dma_wait3A_118 = arith.constant 0 : i32
          %dma_wait3A_119 = tpu.memref_slice %arg7[%add3A_111, %dma_wait3A_118] : memref<16x128xi32, #tpu.memory_space<vmem>> -> memref<1x128xi32, #tpu.memory_space<vmem>>
          %dma_wait3A_120 = tpu.memref_squeeze %dma_wait3A_119 : memref<1x128xi32, #tpu.memory_space<vmem>> -> memref<128xi32, #tpu.memory_space<vmem>>
          %dma_wait3A_121 = arith.constant 0 : i32
          %dma_wait3A_122 = arith.constant 0 : i32
          %dma_wait3A_123 = tpu.memref_slice %arg10[%dma_wait3A_121, %dma_wait3A_122] : memref<10008x128xf32, #tpu.memory_space<vmem_shared>> -> memref<10008x128xf32, #tpu.memory_space<vmem_shared>>
          tpu.wait_indirect_dma semaphore(%run_scoped3A : memref<!tpu.dma_semaphore, #tpu.memory_space<semaphore_mem>>) src(%arg9 : memref<128x128xf32, #tpu.memory_space<vmem>>) dst(%dma_wait3A_123 : memref<10008x128xf32, #tpu.memory_space<vmem_shared>>)
          tpu.yield
        }) : () -> ()
      }
      %scan3A_83 = arith.constant 8 : i32
    }
    %while3A_38 = arith.constant 1 : i32
    scf.for %while3A_65 = %while3A_36 to %while3A_32 step %while3A_38  : i32 {
      %mul3A_66 = arith.constant 16 : i32
      %mul3A_67 = arith.muli %while3A_65, %mul3A_66 : i32
      %add3A_68 = arith.addi %select_n3A, %mul3A_67 : i32
      "tpu.region"() ({
        %run_scoped3A = tpu.sem_alloc : memref<!tpu.dma_semaphore, #tpu.memory_space<semaphore_mem>>
        %dma_start3A_84 = arith.constant 0 : i32
        %dma_start3A_85 = tpu.memref_slice %arg3[%add3A_68, %dma_start3A_84] : memref<2560x128xi32, #tpu.memory_space<hbm>> -> memref<16x128xi32, #tpu.memory_space<hbm>>
        %dma_start3A_86 = arith.constant 0 : i32
        %dma_start3A_87 = tpu.memref_slice %arg3[%add3A_68, %dma_start3A_86] : memref<2560x128xi32, #tpu.memory_space<hbm>> -> memref<16x128xi32, #tpu.memory_space<hbm>>
        tpu.enqueue_dma source(%dma_start3A_87 : memref<16x128xi32, #tpu.memory_space<hbm>>) target(%arg6 : memref<16x128xi32, #tpu.memory_space<vmem>>) target_semaphore(%run_scoped3A : memref<!tpu.dma_semaphore, #tpu.memory_space<semaphore_mem>>)
        %dma_wait3A = arith.constant 0 : i32
        %dma_wait3A_88 = tpu.memref_slice %arg3[%add3A_68, %dma_wait3A] : memref<2560x128xi32, #tpu.memory_space<hbm>> -> memref<16x128xi32, #tpu.memory_space<hbm>>
        %dma_wait3A_89 = arith.constant 0 : i32
        %dma_wait3A_90 = tpu.memref_slice %arg3[%add3A_68, %dma_wait3A_89] : memref<2560x128xi32, #tpu.memory_space<hbm>> -> memref<16x128xi32, #tpu.memory_space<hbm>>
        tpu.wait_dma2 semaphore(%run_scoped3A : memref<!tpu.dma_semaphore, #tpu.memory_space<semaphore_mem>>) src(%dma_wait3A_90 : memref<16x128xi32, #tpu.memory_space<hbm>>) dst(%arg6 : memref<16x128xi32, #tpu.memory_space<vmem>>)
        tpu.yield
      }) : () -> ()
      %mul3A_69 = arith.constant 16 : i32
      %mul3A_70 = arith.muli %while3A_65, %mul3A_69 : i32
      %add3A_71 = arith.addi %select_n3A, %mul3A_70 : i32
      "tpu.region"() ({
        %run_scoped3A = tpu.sem_alloc : memref<!tpu.dma_semaphore, #tpu.memory_space<semaphore_mem>>
        %dma_start3A_84 = arith.constant 0 : i32
        %dma_start3A_85 = tpu.memref_slice %arg4[%add3A_71, %dma_start3A_84] : memref<2560x128xi32, #tpu.memory_space<hbm>> -> memref<16x128xi32, #tpu.memory_space<hbm>>
        %dma_start3A_86 = arith.constant 0 : i32
        %dma_start3A_87 = tpu.memref_slice %arg4[%add3A_71, %dma_start3A_86] : memref<2560x128xi32, #tpu.memory_space<hbm>> -> memref<16x128xi32, #tpu.memory_space<hbm>>
        tpu.enqueue_dma source(%dma_start3A_87 : memref<16x128xi32, #tpu.memory_space<hbm>>) target(%arg7 : memref<16x128xi32, #tpu.memory_space<vmem>>) target_semaphore(%run_scoped3A : memref<!tpu.dma_semaphore, #tpu.memory_space<semaphore_mem>>)
        %dma_wait3A = arith.constant 0 : i32
        %dma_wait3A_88 = tpu.memref_slice %arg4[%add3A_71, %dma_wait3A] : memref<2560x128xi32, #tpu.memory_space<hbm>> -> memref<16x128xi32, #tpu.memory_space<hbm>>
        %dma_wait3A_89 = arith.constant 0 : i32
        %dma_wait3A_90 = tpu.memref_slice %arg4[%add3A_71, %dma_wait3A_89] : memref<2560x128xi32, #tpu.memory_space<hbm>> -> memref<16x128xi32, #tpu.memory_space<hbm>>
        tpu.wait_dma2 semaphore(%run_scoped3A : memref<!tpu.dma_semaphore, #tpu.memory_space<semaphore_mem>>) src(%dma_wait3A_90 : memref<16x128xi32, #tpu.memory_space<hbm>>) dst(%arg7 : memref<16x128xi32, #tpu.memory_space<vmem>>)
        tpu.yield
      }) : () -> ()
      %dma_start3A = arith.constant 0 : i32
      %dma_start3A_72 = arith.constant 0 : i32
      %dma_start3A_73 = tpu.memref_slice %arg6[%dma_start3A, %dma_start3A_72] : memref<16x128xi32, #tpu.memory_space<vmem>> -> memref<1x128xi32, #tpu.memory_space<vmem>>
      %dma_start3A_74 = tpu.memref_squeeze %dma_start3A_73 : memref<1x128xi32, #tpu.memory_space<vmem>> -> memref<128xi32, #tpu.memory_space<vmem>>
      %dma_start3A_75 = arith.constant 0 : i32
      %dma_start3A_76 = arith.constant 0 : i32
      %dma_start3A_77 = tpu.memref_slice %arg2[%dma_start3A_75, %dma_start3A_76] : memref<10000x128xf32, #tpu.memory_space<hbm>> -> memref<10000x128xf32, #tpu.memory_space<hbm>>
      tpu.enqueue_indirect_dma source(%dma_start3A_77 : memref<10000x128xf32, #tpu.memory_space<hbm>>) target(%arg8 : memref<128x128xf32, #tpu.memory_space<vmem>>) offsets(%dma_start3A_74 : memref<128xi32, #tpu.memory_space<vmem>>) semaphore(%arg11 : memref<!tpu.dma_semaphore, #tpu.memory_space<semaphore_mem>>)
      %scan3A_78 = arith.constant 0 : i32
      %scan3A_79 = arith.constant 0 : i32
      %scan3A_80 = arith.constant 8 : i32
      %scan3A_81 = arith.addi %scan3A_79, %scan3A_80 : i32
      %scan3A_82 = arith.constant 1 : i32
      scf.for %scan3A_84 = %scan3A_79 to %scan3A_81 step %scan3A_82  : i32 {
        %mul3A_85 = arith.constant 2 : i32
        %mul3A_86 = arith.muli %mul3A_85, %scan3A_84 : i32
        %add3A_87 = arith.constant 1 : i32
        %add3A_88 = arith.addi %mul3A_86, %add3A_87 : i32
        %dma_start3A_89 = arith.constant 0 : i32
        %dma_start3A_90 = tpu.memref_slice %arg6[%add3A_88, %dma_start3A_89] : memref<16x128xi32, #tpu.memory_space<vmem>> -> memref<1x128xi32, #tpu.memory_space<vmem>>
        %dma_start3A_91 = tpu.memref_squeeze %dma_start3A_90 : memref<1x128xi32, #tpu.memory_space<vmem>> -> memref<128xi32, #tpu.memory_space<vmem>>
        %dma_start3A_92 = arith.constant 0 : i32
        %dma_start3A_93 = arith.constant 0 : i32
        %dma_start3A_94 = tpu.memref_slice %arg2[%dma_start3A_92, %dma_start3A_93] : memref<10000x128xf32, #tpu.memory_space<hbm>> -> memref<10000x128xf32, #tpu.memory_space<hbm>>
        tpu.enqueue_indirect_dma source(%dma_start3A_94 : memref<10000x128xf32, #tpu.memory_space<hbm>>) target(%arg9 : memref<128x128xf32, #tpu.memory_space<vmem>>) offsets(%dma_start3A_91 : memref<128xi32, #tpu.memory_space<vmem>>) semaphore(%arg12 : memref<!tpu.dma_semaphore, #tpu.memory_space<semaphore_mem>>)
        %dma_wait3A = arith.constant 0 : i32
        %dma_wait3A_95 = arith.constant 0 : i32
        %dma_wait3A_96 = tpu.memref_slice %arg2[%dma_wait3A, %dma_wait3A_95] : memref<10000x128xf32, #tpu.memory_space<hbm>> -> memref<128x128xf32, #tpu.memory_space<hbm>>
        %dma_wait3A_97 = arith.constant 0 : i32
        %dma_wait3A_98 = arith.constant 0 : i32
        %dma_wait3A_99 = tpu.memref_slice %arg2[%dma_wait3A_97, %dma_wait3A_98] : memref<10000x128xf32, #tpu.memory_space<hbm>> -> memref<128x128xf32, #tpu.memory_space<hbm>>
        tpu.wait_dma2 semaphore(%arg11 : memref<!tpu.dma_semaphore, #tpu.memory_space<semaphore_mem>>) src(%dma_wait3A_99 : memref<128x128xf32, #tpu.memory_space<hbm>>) dst(%arg8 : memref<128x128xf32, #tpu.memory_space<vmem>>)
        "tpu.region"() ({
          %run_scoped3A = tpu.sem_alloc : memref<!tpu.dma_semaphore, #tpu.memory_space<semaphore_mem>>
          %dma_start3A_112 = arith.constant 0 : i32
          %dma_start3A_113 = tpu.memref_slice %arg7[%mul3A_86, %dma_start3A_112] : memref<16x128xi32, #tpu.memory_space<vmem>> -> memref<1x128xi32, #tpu.memory_space<vmem>>
          %dma_start3A_114 = tpu.memref_squeeze %dma_start3A_113 : memref<1x128xi32, #tpu.memory_space<vmem>> -> memref<128xi32, #tpu.memory_space<vmem>>
          %dma_start3A_115 = arith.constant 0 : i32
          %dma_start3A_116 = arith.constant 0 : i32
          %dma_start3A_117 = tpu.memref_slice %arg10[%dma_start3A_115, %dma_start3A_116] : memref<10008x128xf32, #tpu.memory_space<vmem_shared>> -> memref<10008x128xf32, #tpu.memory_space<vmem_shared>>
          tpu.enqueue_indirect_dma source(%arg8 : memref<128x128xf32, #tpu.memory_space<vmem>>) target(%dma_start3A_117 : memref<10008x128xf32, #tpu.memory_space<vmem_shared>>) offsets(%dma_start3A_114 : memref<128xi32, #tpu.memory_space<vmem>>) semaphore(%run_scoped3A : memref<!tpu.dma_semaphore, #tpu.memory_space<semaphore_mem>>) {add = true}
          %dma_wait3A_118 = arith.constant 0 : i32
          %dma_wait3A_119 = tpu.memref_slice %arg7[%mul3A_86, %dma_wait3A_118] : memref<16x128xi32, #tpu.memory_space<vmem>> -> memref<1x128xi32, #tpu.memory_space<vmem>>
          %dma_wait3A_120 = tpu.memref_squeeze %dma_wait3A_119 : memref<1x128xi32, #tpu.memory_space<vmem>> -> memref<128xi32, #tpu.memory_space<vmem>>
          %dma_wait3A_121 = arith.constant 0 : i32
          %dma_wait3A_122 = arith.constant 0 : i32
          %dma_wait3A_123 = tpu.memref_slice %arg10[%dma_wait3A_121, %dma_wait3A_122] : memref<10008x128xf32, #tpu.memory_space<vmem_shared>> -> memref<10008x128xf32, #tpu.memory_space<vmem_shared>>
          tpu.wait_indirect_dma semaphore(%run_scoped3A : memref<!tpu.dma_semaphore, #tpu.memory_space<semaphore_mem>>) src(%arg8 : memref<128x128xf32, #tpu.memory_space<vmem>>) dst(%dma_wait3A_123 : memref<10008x128xf32, #tpu.memory_space<vmem_shared>>)
          tpu.yield
        }) : () -> ()
        %lt3A = arith.constant 7 : i32
        %lt3A_100 = arith.cmpi slt, %scan3A_84, %lt3A : i32
        %convert_element_type3A_101 = arith.extui %lt3A_100 : i1 to i32
        %cond3A_102 = arith.constant 0 : i32
        %cond3A_103 = arith.cmpi ne, %convert_element_type3A_101, %cond3A_102 : i32
        scf.if %cond3A_103 {
          %add3A_112 = arith.constant 2 : i32
          %add3A_113 = arith.addi %mul3A_86, %add3A_112 : i32
          %dma_start3A_114 = arith.constant 0 : i32
          %dma_start3A_115 = tpu.memref_slice %arg6[%add3A_113, %dma_start3A_114] : memref<16x128xi32, #tpu.memory_space<vmem>> -> memref<1x128xi32, #tpu.memory_space<vmem>>
          %dma_start3A_116 = tpu.memref_squeeze %dma_start3A_115 : memref<1x128xi32, #tpu.memory_space<vmem>> -> memref<128xi32, #tpu.memory_space<vmem>>
          %dma_start3A_117 = arith.constant 0 : i32
          %dma_start3A_118 = arith.constant 0 : i32
          %dma_start3A_119 = tpu.memref_slice %arg2[%dma_start3A_117, %dma_start3A_118] : memref<10000x128xf32, #tpu.memory_space<hbm>> -> memref<10000x128xf32, #tpu.memory_space<hbm>>
          tpu.enqueue_indirect_dma source(%dma_start3A_119 : memref<10000x128xf32, #tpu.memory_space<hbm>>) target(%arg8 : memref<128x128xf32, #tpu.memory_space<vmem>>) offsets(%dma_start3A_116 : memref<128xi32, #tpu.memory_space<vmem>>) semaphore(%arg11 : memref<!tpu.dma_semaphore, #tpu.memory_space<semaphore_mem>>)
        } else {
        }
        %dma_wait3A_104 = arith.constant 0 : i32
        %dma_wait3A_105 = arith.constant 0 : i32
        %dma_wait3A_106 = tpu.memref_slice %arg2[%dma_wait3A_104, %dma_wait3A_105] : memref<10000x128xf32, #tpu.memory_space<hbm>> -> memref<128x128xf32, #tpu.memory_space<hbm>>
        %dma_wait3A_107 = arith.constant 0 : i32
        %dma_wait3A_108 = arith.constant 0 : i32
        %dma_wait3A_109 = tpu.memref_slice %arg2[%dma_wait3A_107, %dma_wait3A_108] : memref<10000x128xf32, #tpu.memory_space<hbm>> -> memref<128x128xf32, #tpu.memory_space<hbm>>
        tpu.wait_dma2 semaphore(%arg12 : memref<!tpu.dma_semaphore, #tpu.memory_space<semaphore_mem>>) src(%dma_wait3A_109 : memref<128x128xf32, #tpu.memory_space<hbm>>) dst(%arg9 : memref<128x128xf32, #tpu.memory_space<vmem>>)
        %add3A_110 = arith.constant 1 : i32
        %add3A_111 = arith.addi %mul3A_86, %add3A_110 : i32
        "tpu.region"() ({
          %run_scoped3A = tpu.sem_alloc : memref<!tpu.dma_semaphore, #tpu.memory_space<semaphore_mem>>
          %dma_start3A_112 = arith.constant 0 : i32
          %dma_start3A_113 = tpu.memref_slice %arg7[%add3A_111, %dma_start3A_112] : memref<16x128xi32, #tpu.memory_space<vmem>> -> memref<1x128xi32, #tpu.memory_space<vmem>>
          %dma_start3A_114 = tpu.memref_squeeze %dma_start3A_113 : memref<1x128xi32, #tpu.memory_space<vmem>> -> memref<128xi32, #tpu.memory_space<vmem>>
          %dma_start3A_115 = arith.constant 0 : i32
          %dma_start3A_116 = arith.constant 0 : i32
          %dma_start3A_117 = tpu.memref_slice %arg10[%dma_start3A_115, %dma_start3A_116] : memref<10008x128xf32, #tpu.memory_space<vmem_shared>> -> memref<10008x128xf32, #tpu.memory_space<vmem_shared>>
          tpu.enqueue_indirect_dma source(%arg9 : memref<128x128xf32, #tpu.memory_space<vmem>>) target(%dma_start3A_117 : memref<10008x128xf32, #tpu.memory_space<vmem_shared>>) offsets(%dma_start3A_114 : memref<128xi32, #tpu.memory_space<vmem>>) semaphore(%run_scoped3A : memref<!tpu.dma_semaphore, #tpu.memory_space<semaphore_mem>>) {add = true}
          %dma_wait3A_118 = arith.constant 0 : i32
          %dma_wait3A_119 = tpu.memref_slice %arg7[%add3A_111, %dma_wait3A_118] : memref<16x128xi32, #tpu.memory_space<vmem>> -> memref<1x128xi32, #tpu.memory_space<vmem>>
          %dma_wait3A_120 = tpu.memref_squeeze %dma_wait3A_119 : memref<1x128xi32, #tpu.memory_space<vmem>> -> memref<128xi32, #tpu.memory_space<vmem>>
          %dma_wait3A_121 = arith.constant 0 : i32
          %dma_wait3A_122 = arith.constant 0 : i32
          %dma_wait3A_123 = tpu.memref_slice %arg10[%dma_wait3A_121, %dma_wait3A_122] : memref<10008x128xf32, #tpu.memory_space<vmem_shared>> -> memref<10008x128xf32, #tpu.memory_space<vmem_shared>>
          tpu.wait_indirect_dma semaphore(%run_scoped3A : memref<!tpu.dma_semaphore, #tpu.memory_space<semaphore_mem>>) src(%arg9 : memref<128x128xf32, #tpu.memory_space<vmem>>) dst(%dma_wait3A_123 : memref<10008x128xf32, #tpu.memory_space<vmem_shared>>)
          tpu.yield
        }) : () -> ()
      }
      %scan3A_83 = arith.constant 8 : i32
    }
    %barrier3A_39 = arith.constant 0 : index
    tpu.barrier barrier_id(%barrier3A_39)
    %add3A_40 = arith.constant 0 : i32
    %add3A_41 = arith.addi %mul3A_16, %add3A_40 : i32
    %add3A_42 = arith.constant 0 : i32
    %add3A_43 = arith.addi %mul3A_16, %add3A_42 : i32
    "tpu.region"() ({
      %run_scoped3A = tpu.sem_alloc : memref<!tpu.dma_semaphore, #tpu.memory_space<semaphore_mem>>
      %dma_start3A = arith.constant 0 : i32
      %dma_start3A_65 = tpu.memref_slice %arg5[%arg0, %add3A_43, %dma_start3A] : memref<2x10000x128xf32, #tpu.memory_space<hbm>> -> memref<1x128x128xf32, #tpu.memory_space<hbm>>
      %dma_start3A_66 = tpu.memref_squeeze %dma_start3A_65 : memref<1x128x128xf32, #tpu.memory_space<hbm>> -> memref<128x128xf32, #tpu.memory_space<hbm>>
      %dma_start3A_67 = arith.constant 0 : i32
      %dma_start3A_68 = tpu.memref_slice %arg10[%add3A_41, %dma_start3A_67] : memref<10008x128xf32, #tpu.memory_space<vmem_shared>> -> memref<128x128xf32, #tpu.memory_space<vmem_shared>>
      tpu.enqueue_dma source(%dma_start3A_68 : memref<128x128xf32, #tpu.memory_space<vmem_shared>>) target(%dma_start3A_66 : memref<128x128xf32, #tpu.memory_space<hbm>>) target_semaphore(%run_scoped3A : memref<!tpu.dma_semaphore, #tpu.memory_space<semaphore_mem>>)
      %dma_wait3A = arith.constant 0 : i32
      %dma_wait3A_69 = tpu.memref_slice %arg5[%arg0, %add3A_43, %dma_wait3A] : memref<2x10000x128xf32, #tpu.memory_space<hbm>> -> memref<1x128x128xf32, #tpu.memory_space<hbm>>
      %dma_wait3A_70 = tpu.memref_squeeze %dma_wait3A_69 : memref<1x128x128xf32, #tpu.memory_space<hbm>> -> memref<128x128xf32, #tpu.memory_space<hbm>>
      %dma_wait3A_71 = arith.constant 0 : i32
      %dma_wait3A_72 = tpu.memref_slice %arg10[%add3A_41, %dma_wait3A_71] : memref<10008x128xf32, #tpu.memory_space<vmem_shared>> -> memref<128x128xf32, #tpu.memory_space<vmem_shared>>
      tpu.wait_dma2 semaphore(%run_scoped3A : memref<!tpu.dma_semaphore, #tpu.memory_space<semaphore_mem>>) src(%dma_wait3A_72 : memref<128x128xf32, #tpu.memory_space<vmem_shared>>) dst(%dma_wait3A_70 : memref<128x128xf32, #tpu.memory_space<hbm>>)
      tpu.yield
    }) : () -> ()
    %add3A_44 = arith.constant 128 : i32
    %add3A_45 = arith.addi %mul3A_16, %add3A_44 : i32
    %add3A_46 = arith.constant 128 : i32
    %add3A_47 = arith.addi %mul3A_16, %add3A_46 : i32
    "tpu.region"() ({
      %run_scoped3A = tpu.sem_alloc : memref<!tpu.dma_semaphore, #tpu.memory_space<semaphore_mem>>
      %dma_start3A = arith.constant 0 : i32
      %dma_start3A_65 = tpu.memref_slice %arg5[%arg0, %add3A_47, %dma_start3A] : memref<2x10000x128xf32, #tpu.memory_space<hbm>> -> memref<1x128x128xf32, #tpu.memory_space<hbm>>
      %dma_start3A_66 = tpu.memref_squeeze %dma_start3A_65 : memref<1x128x128xf32, #tpu.memory_space<hbm>> -> memref<128x128xf32, #tpu.memory_space<hbm>>
      %dma_start3A_67 = arith.constant 0 : i32
      %dma_start3A_68 = tpu.memref_slice %arg10[%add3A_45, %dma_start3A_67] : memref<10008x128xf32, #tpu.memory_space<vmem_shared>> -> memref<128x128xf32, #tpu.memory_space<vmem_shared>>
      tpu.enqueue_dma source(%dma_start3A_68 : memref<128x128xf32, #tpu.memory_space<vmem_shared>>) target(%dma_start3A_66 : memref<128x128xf32, #tpu.memory_space<hbm>>) target_semaphore(%run_scoped3A : memref<!tpu.dma_semaphore, #tpu.memory_space<semaphore_mem>>)
      %dma_wait3A = arith.constant 0 : i32
      %dma_wait3A_69 = tpu.memref_slice %arg5[%arg0, %add3A_47, %dma_wait3A] : memref<2x10000x128xf32, #tpu.memory_space<hbm>> -> memref<1x128x128xf32, #tpu.memory_space<hbm>>
      %dma_wait3A_70 = tpu.memref_squeeze %dma_wait3A_69 : memref<1x128x128xf32, #tpu.memory_space<hbm>> -> memref<128x128xf32, #tpu.memory_space<hbm>>
      %dma_wait3A_71 = arith.constant 0 : i32
      %dma_wait3A_72 = tpu.memref_slice %arg10[%add3A_45, %dma_wait3A_71] : memref<10008x128xf32, #tpu.memory_space<vmem_shared>> -> memref<128x128xf32, #tpu.memory_space<vmem_shared>>
      tpu.wait_dma2 semaphore(%run_scoped3A : memref<!tpu.dma_semaphore, #tpu.memory_space<semaphore_mem>>) src(%dma_wait3A_72 : memref<128x128xf32, #tpu.memory_space<vmem_shared>>) dst(%dma_wait3A_70 : memref<128x128xf32, #tpu.memory_space<hbm>>)
      tpu.yield
    }) : () -> ()
    %add3A_48 = arith.constant 256 : i32
    %add3A_49 = arith.addi %mul3A_16, %add3A_48 : i32
    %add3A_50 = arith.constant 256 : i32
    %add3A_51 = arith.addi %mul3A_16, %add3A_50 : i32
    "tpu.region"() ({
      %run_scoped3A = tpu.sem_alloc : memref<!tpu.dma_semaphore, #tpu.memory_space<semaphore_mem>>
      %dma_start3A = arith.constant 0 : i32
      %dma_start3A_65 = tpu.memref_slice %arg5[%arg0, %add3A_51, %dma_start3A] : memref<2x10000x128xf32, #tpu.memory_space<hbm>> -> memref<1x128x128xf32, #tpu.memory_space<hbm>>
      %dma_start3A_66 = tpu.memref_squeeze %dma_start3A_65 : memref<1x128x128xf32, #tpu.memory_space<hbm>> -> memref<128x128xf32, #tpu.memory_space<hbm>>
      %dma_start3A_67 = arith.constant 0 : i32
      %dma_start3A_68 = tpu.memref_slice %arg10[%add3A_49, %dma_start3A_67] : memref<10008x128xf32, #tpu.memory_space<vmem_shared>> -> memref<128x128xf32, #tpu.memory_space<vmem_shared>>
      tpu.enqueue_dma source(%dma_start3A_68 : memref<128x128xf32, #tpu.memory_space<vmem_shared>>) target(%dma_start3A_66 : memref<128x128xf32, #tpu.memory_space<hbm>>) target_semaphore(%run_scoped3A : memref<!tpu.dma_semaphore, #tpu.memory_space<semaphore_mem>>)
      %dma_wait3A = arith.constant 0 : i32
      %dma_wait3A_69 = tpu.memref_slice %arg5[%arg0, %add3A_51, %dma_wait3A] : memref<2x10000x128xf32, #tpu.memory_space<hbm>> -> memref<1x128x128xf32, #tpu.memory_space<hbm>>
      %dma_wait3A_70 = tpu.memref_squeeze %dma_wait3A_69 : memref<1x128x128xf32, #tpu.memory_space<hbm>> -> memref<128x128xf32, #tpu.memory_space<hbm>>
      %dma_wait3A_71 = arith.constant 0 : i32
      %dma_wait3A_72 = tpu.memref_slice %arg10[%add3A_49, %dma_wait3A_71] : memref<10008x128xf32, #tpu.memory_space<vmem_shared>> -> memref<128x128xf32, #tpu.memory_space<vmem_shared>>
      tpu.wait_dma2 semaphore(%run_scoped3A : memref<!tpu.dma_semaphore, #tpu.memory_space<semaphore_mem>>) src(%dma_wait3A_72 : memref<128x128xf32, #tpu.memory_space<vmem_shared>>) dst(%dma_wait3A_70 : memref<128x128xf32, #tpu.memory_space<hbm>>)
      tpu.yield
    }) : () -> ()
    %add3A_52 = arith.constant 384 : i32
    %add3A_53 = arith.addi %mul3A_16, %add3A_52 : i32
    %add3A_54 = arith.constant 384 : i32
    %add3A_55 = arith.addi %mul3A_16, %add3A_54 : i32
    "tpu.region"() ({
      %run_scoped3A = tpu.sem_alloc : memref<!tpu.dma_semaphore, #tpu.memory_space<semaphore_mem>>
      %dma_start3A = arith.constant 0 : i32
      %dma_start3A_65 = tpu.memref_slice %arg5[%arg0, %add3A_55, %dma_start3A] : memref<2x10000x128xf32, #tpu.memory_space<hbm>> -> memref<1x128x128xf32, #tpu.memory_space<hbm>>
      %dma_start3A_66 = tpu.memref_squeeze %dma_start3A_65 : memref<1x128x128xf32, #tpu.memory_space<hbm>> -> memref<128x128xf32, #tpu.memory_space<hbm>>
      %dma_start3A_67 = arith.constant 0 : i32
      %dma_start3A_68 = tpu.memref_slice %arg10[%add3A_53, %dma_start3A_67] : memref<10008x128xf32, #tpu.memory_space<vmem_shared>> -> memref<128x128xf32, #tpu.memory_space<vmem_shared>>
      tpu.enqueue_dma source(%dma_start3A_68 : memref<128x128xf32, #tpu.memory_space<vmem_shared>>) target(%dma_start3A_66 : memref<128x128xf32, #tpu.memory_space<hbm>>) target_semaphore(%run_scoped3A : memref<!tpu.dma_semaphore, #tpu.memory_space<semaphore_mem>>)
      %dma_wait3A = arith.constant 0 : i32
      %dma_wait3A_69 = tpu.memref_slice %arg5[%arg0, %add3A_55, %dma_wait3A] : memref<2x10000x128xf32, #tpu.memory_space<hbm>> -> memref<1x128x128xf32, #tpu.memory_space<hbm>>
      %dma_wait3A_70 = tpu.memref_squeeze %dma_wait3A_69 : memref<1x128x128xf32, #tpu.memory_space<hbm>> -> memref<128x128xf32, #tpu.memory_space<hbm>>
      %dma_wait3A_71 = arith.constant 0 : i32
      %dma_wait3A_72 = tpu.memref_slice %arg10[%add3A_53, %dma_wait3A_71] : memref<10008x128xf32, #tpu.memory_space<vmem_shared>> -> memref<128x128xf32, #tpu.memory_space<vmem_shared>>
      tpu.wait_dma2 semaphore(%run_scoped3A : memref<!tpu.dma_semaphore, #tpu.memory_space<semaphore_mem>>) src(%dma_wait3A_72 : memref<128x128xf32, #tpu.memory_space<vmem_shared>>) dst(%dma_wait3A_70 : memref<128x128xf32, #tpu.memory_space<hbm>>)
      tpu.yield
    }) : () -> ()
    %add3A_56 = arith.constant 512 : i32
    %add3A_57 = arith.addi %mul3A_16, %add3A_56 : i32
    %add3A_58 = arith.constant 512 : i32
    %add3A_59 = arith.addi %mul3A_16, %add3A_58 : i32
    "tpu.region"() ({
      %run_scoped3A = tpu.sem_alloc : memref<!tpu.dma_semaphore, #tpu.memory_space<semaphore_mem>>
      %dma_start3A = arith.constant 0 : i32
      %dma_start3A_65 = tpu.memref_slice %arg5[%arg0, %add3A_59, %dma_start3A] : memref<2x10000x128xf32, #tpu.memory_space<hbm>> -> memref<1x112x128xf32, #tpu.memory_space<hbm>>
      %dma_start3A_66 = tpu.memref_squeeze %dma_start3A_65 : memref<1x112x128xf32, #tpu.memory_space<hbm>> -> memref<112x128xf32, #tpu.memory_space<hbm>>
      %dma_start3A_67 = arith.constant 0 : i32
      %dma_start3A_68 = tpu.memref_slice %arg10[%add3A_57, %dma_start3A_67] : memref<10008x128xf32, #tpu.memory_space<vmem_shared>> -> memref<112x128xf32, #tpu.memory_space<vmem_shared>>
      tpu.enqueue_dma source(%dma_start3A_68 : memref<112x128xf32, #tpu.memory_space<vmem_shared>>) target(%dma_start3A_66 : memref<112x128xf32, #tpu.memory_space<hbm>>) target_semaphore(%run_scoped3A : memref<!tpu.dma_semaphore, #tpu.memory_space<semaphore_mem>>)
      %dma_wait3A = arith.constant 0 : i32
      %dma_wait3A_69 = tpu.memref_slice %arg5[%arg0, %add3A_59, %dma_wait3A] : memref<2x10000x128xf32, #tpu.memory_space<hbm>> -> memref<1x112x128xf32, #tpu.memory_space<hbm>>
      %dma_wait3A_70 = tpu.memref_squeeze %dma_wait3A_69 : memref<1x112x128xf32, #tpu.memory_space<hbm>> -> memref<112x128xf32, #tpu.memory_space<hbm>>
      %dma_wait3A_71 = arith.constant 0 : i32
      %dma_wait3A_72 = tpu.memref_slice %arg10[%add3A_57, %dma_wait3A_71] : memref<10008x128xf32, #tpu.memory_space<vmem_shared>> -> memref<112x128xf32, #tpu.memory_space<vmem_shared>>
      tpu.wait_dma2 semaphore(%run_scoped3A : memref<!tpu.dma_semaphore, #tpu.memory_space<semaphore_mem>>) src(%dma_wait3A_72 : memref<112x128xf32, #tpu.memory_space<vmem_shared>>) dst(%dma_wait3A_70 : memref<112x128xf32, #tpu.memory_space<hbm>>)
      tpu.yield
    }) : () -> ()
    %eq3A_60 = arith.constant 15 : i32
    %eq3A_61 = arith.cmpi eq, %arg1, %eq3A_60 : i32
    %convert_element_type3A_62 = arith.extui %eq3A_61 : i1 to i32
    %cond3A_63 = arith.constant 0 : i32
    %cond3A_64 = arith.cmpi ne, %convert_element_type3A_62, %cond3A_63 : i32
    scf.if %cond3A_64 {
      "tpu.region"() ({
        %run_scoped3A = tpu.sem_alloc : memref<!tpu.dma_semaphore, #tpu.memory_space<semaphore_mem>>
        %dma_start3A = arith.constant 9984 : i32
        %dma_start3A_65 = arith.constant 0 : i32
        %dma_start3A_66 = tpu.memref_slice %arg5[%arg0, %dma_start3A, %dma_start3A_65] : memref<2x10000x128xf32, #tpu.memory_space<hbm>> -> memref<1x16x128xf32, #tpu.memory_space<hbm>>
        %dma_start3A_67 = tpu.memref_squeeze %dma_start3A_66 : memref<1x16x128xf32, #tpu.memory_space<hbm>> -> memref<16x128xf32, #tpu.memory_space<hbm>>
        %dma_start3A_68 = arith.constant 9984 : i32
        %dma_start3A_69 = arith.constant 0 : i32
        %dma_start3A_70 = tpu.memref_slice %arg10[%dma_start3A_68, %dma_start3A_69] : memref<10008x128xf32, #tpu.memory_space<vmem_shared>> -> memref<16x128xf32, #tpu.memory_space<vmem_shared>>
        tpu.enqueue_dma source(%dma_start3A_70 : memref<16x128xf32, #tpu.memory_space<vmem_shared>>) target(%dma_start3A_67 : memref<16x128xf32, #tpu.memory_space<hbm>>) target_semaphore(%run_scoped3A : memref<!tpu.dma_semaphore, #tpu.memory_space<semaphore_mem>>)
        %dma_wait3A = arith.constant 9984 : i32
        %dma_wait3A_71 = arith.constant 0 : i32
        %dma_wait3A_72 = tpu.memref_slice %arg5[%arg0, %dma_wait3A, %dma_wait3A_71] : memref<2x10000x128xf32, #tpu.memory_space<hbm>> -> memref<1x16x128xf32, #tpu.memory_space<hbm>>
        %dma_wait3A_73 = tpu.memref_squeeze %dma_wait3A_72 : memref<1x16x128xf32, #tpu.memory_space<hbm>> -> memref<16x128xf32, #tpu.memory_space<hbm>>
        %dma_wait3A_74 = arith.constant 9984 : i32
        %dma_wait3A_75 = arith.constant 0 : i32
        %dma_wait3A_76 = tpu.memref_slice %arg10[%dma_wait3A_74, %dma_wait3A_75] : memref<10008x128xf32, #tpu.memory_space<vmem_shared>> -> memref<16x128xf32, #tpu.memory_space<vmem_shared>>
        tpu.wait_dma2 semaphore(%run_scoped3A : memref<!tpu.dma_semaphore, #tpu.memory_space<semaphore_mem>>) src(%dma_wait3A_76 : memref<16x128xf32, #tpu.memory_space<vmem_shared>>) dst(%dma_wait3A_73 : memref<16x128xf32, #tpu.memory_space<hbm>>)
        tpu.yield
      }) : () -> ()
    } else {
    }
    return
  }
}

module attributes {stable_mosaic.version = 14 : i64} {
  func.func @_tc1_body(%arg0: memref<2x10000x128xf32, #tpu.memory_space<vmem>>, %arg1: memref<32x10000xf32, #tpu.memory_space<vmem>>, %arg2: memref<10000x128xf32, #tpu.memory_space<vmem>>, %arg3: memref<128x128xf32, #tpu.memory_space<vmem>>, %arg4: memref<128x128xf32, #tpu.memory_space<vmem>>, %arg5: memref<1x128xf32, #tpu.memory_space<vmem>>, %arg6: memref<10000x128xf32, #tpu.memory_space<vmem>>, %arg7: memref<10000x1xf32, #tpu.memory_space<vmem>>) attributes {dimension_semantics = [], scalar_prefetch = 0 : i64, scratch_operands = 0 : i64, tpu.core_type = #tpu.core_type<tc>} {
    %get3A = arith.constant 0 : index
    %get3A_0 = arith.constant 0 : index
    %get3A_1 = arith.constant 0 : index
    %get3A_2 = vector.load %arg0[%get3A, %get3A_0, %get3A_1] : memref<2x10000x128xf32, #tpu.memory_space<vmem>>, vector<1x10000x128xf32>
    %get3A_3 = vector.shape_cast %get3A_2 : vector<1x10000x128xf32> to vector<10000x128xf32>
    %get3A_4 = arith.constant 1 : index
    %get3A_5 = arith.constant 0 : index
    %get3A_6 = arith.constant 0 : index
    %get3A_7 = vector.load %arg0[%get3A_4, %get3A_5, %get3A_6] : memref<2x10000x128xf32, #tpu.memory_space<vmem>>, vector<1x10000x128xf32>
    %get3A_8 = vector.shape_cast %get3A_7 : vector<1x10000x128xf32> to vector<10000x128xf32>
    %add3A = arith.addf %get3A_3, %get3A_8 : vector<10000x128xf32>
    %broadcast_in_dim3A = arith.constant 1.000000e+00 : f32
    %broadcast_in_dim3A_9 = vector.broadcast %broadcast_in_dim3A : f32 to vector<32x1xf32>
    %get3A_10 = arith.constant 0 : index
    %get3A_11 = arith.constant 0 : index
    %get3A_12 = vector.load %arg1[%get3A_10, %get3A_11] : memref<32x10000xf32, #tpu.memory_space<vmem>>, vector<32x10000xf32>
    %dot_general3A = arith.constant dense<0.000000e+00> : vector<10000x1xf32>
    %dot_general3A_13 = tpu.matmul %get3A_12, %broadcast_in_dim3A_9, %dot_general3A {dimension_numbers = #tpu.dot_dimension_numbers<[0], [0], [1], [1], [0, 1, 1, 1], [], []>, transpose_lhs_hint = false} : vector<32x10000xf32>, vector<32x1xf32>, vector<10000x1xf32> -> vector<10000x1xf32>
    %max3A = arith.constant 1.000000e+00 : f32
    %max3A_14 = vector.broadcast %max3A : f32 to vector<10000x1xf32>
    %max3A_15 = arith.maximumf %dot_general3A_13, %max3A_14 : vector<10000x1xf32>
    %swap3A = arith.constant 0 : index
    %swap3A_16 = arith.constant 0 : index
    %swap3A_17 = vector.load %arg7[%swap3A, %swap3A_16] : memref<10000x1xf32, #tpu.memory_space<vmem>>, vector<10000x1xf32>
    tpu.vector_store %arg7[%swap3A, %swap3A_16], %max3A_15 {strides = array<i32>} : memref<10000x1xf32, #tpu.memory_space<vmem>>, vector<10000x1xf32>,
    %div3A = vector.broadcast %max3A_15 : vector<10000x1xf32> to vector<10000x128xf32>
    %div3A_18 = arith.divf %add3A, %div3A : vector<10000x128xf32>
    %get3A_19 = arith.constant 0 : index
    %get3A_20 = arith.constant 0 : index
    %get3A_21 = vector.load %arg3[%get3A_19, %get3A_20] : memref<128x128xf32, #tpu.memory_space<vmem>>, vector<128x128xf32>
    %dot_general3A_22 = arith.constant dense<0.000000e+00> : vector<10000x128xf32>
    %dot_general3A_23 = tpu.matmul %div3A_18, %get3A_21, %dot_general3A_22 {dimension_numbers = #tpu.dot_dimension_numbers<[1], [0], [0], [1], [0, 0, 1, 1], [], []>, transpose_lhs_hint = false} : vector<10000x128xf32>, vector<128x128xf32>, vector<10000x128xf32> -> vector<10000x128xf32>
    %get3A_24 = arith.constant 0 : index
    %get3A_25 = arith.constant 0 : index
    %get3A_26 = vector.load %arg5[%get3A_24, %get3A_25] : memref<1x128xf32, #tpu.memory_space<vmem>>, vector<1x128xf32>
    %add3A_27 = vector.broadcast %get3A_26 : vector<1x128xf32> to vector<10000x128xf32>
    %add3A_28 = arith.addf %dot_general3A_23, %add3A_27 : vector<10000x128xf32>
    %get3A_29 = arith.constant 0 : index
    %get3A_30 = arith.constant 0 : index
    %get3A_31 = vector.load %arg2[%get3A_29, %get3A_30] : memref<10000x128xf32, #tpu.memory_space<vmem>>, vector<10000x128xf32>
    %get3A_32 = arith.constant 0 : index
    %get3A_33 = arith.constant 0 : index
    %get3A_34 = vector.load %arg4[%get3A_32, %get3A_33] : memref<128x128xf32, #tpu.memory_space<vmem>>, vector<128x128xf32>
    %dot_general3A_35 = arith.constant dense<0.000000e+00> : vector<10000x128xf32>
    %dot_general3A_36 = tpu.matmul %get3A_31, %get3A_34, %dot_general3A_35 {dimension_numbers = #tpu.dot_dimension_numbers<[1], [0], [0], [1], [0, 0, 1, 1], [], []>, transpose_lhs_hint = false} : vector<10000x128xf32>, vector<128x128xf32>, vector<10000x128xf32> -> vector<10000x128xf32>
    %add3A_37 = arith.addf %add3A_28, %dot_general3A_36 : vector<10000x128xf32>
    %max3A_38 = arith.constant 0.000000e+00 : f32
    %max3A_39 = vector.broadcast %max3A_38 : f32 to vector<10000x128xf32>
    %max3A_40 = arith.maximumf %add3A_37, %max3A_39 : vector<10000x128xf32>
    %swap3A_41 = arith.constant 0 : index
    %swap3A_42 = arith.constant 0 : index
    %swap3A_43 = vector.load %arg6[%swap3A_41, %swap3A_42] : memref<10000x128xf32, #tpu.memory_space<vmem>>, vector<10000x128xf32>
    tpu.vector_store %arg6[%swap3A_41, %swap3A_42], %max3A_40 {strides = array<i32>} : memref<10000x128xf32, #tpu.memory_space<vmem>>, vector<10000x128xf32>,
    return
  }
}

module attributes {stable_mosaic.version = 14 : i64} {
  func.func @_tc2_body(%arg0: memref<2x10000x128xf32, #tpu.memory_space<vmem>>, %arg1: memref<10000x1xf32, #tpu.memory_space<vmem>>, %arg2: memref<10000x128xf32, #tpu.memory_space<vmem>>, %arg3: memref<128x128xf32, #tpu.memory_space<vmem>>, %arg4: memref<128x128xf32, #tpu.memory_space<vmem>>, %arg5: memref<1x128xf32, #tpu.memory_space<vmem>>, %arg6: memref<10000x128xf32, #tpu.memory_space<vmem>>) attributes {dimension_semantics = [], scalar_prefetch = 0 : i64, scratch_operands = 0 : i64, tpu.core_type = #tpu.core_type<tc>} {
    %get3A = arith.constant 0 : index
    %get3A_0 = arith.constant 0 : index
    %get3A_1 = arith.constant 0 : index
    %get3A_2 = vector.load %arg0[%get3A, %get3A_0, %get3A_1] : memref<2x10000x128xf32, #tpu.memory_space<vmem>>, vector<1x10000x128xf32>
    %get3A_3 = vector.shape_cast %get3A_2 : vector<1x10000x128xf32> to vector<10000x128xf32>
    %get3A_4 = arith.constant 1 : index
    %get3A_5 = arith.constant 0 : index
    %get3A_6 = arith.constant 0 : index
    %get3A_7 = vector.load %arg0[%get3A_4, %get3A_5, %get3A_6] : memref<2x10000x128xf32, #tpu.memory_space<vmem>>, vector<1x10000x128xf32>
    %get3A_8 = vector.shape_cast %get3A_7 : vector<1x10000x128xf32> to vector<10000x128xf32>
    %add3A = arith.addf %get3A_3, %get3A_8 : vector<10000x128xf32>
    %get3A_9 = arith.constant 0 : index
    %get3A_10 = arith.constant 0 : index
    %get3A_11 = vector.load %arg1[%get3A_9, %get3A_10] : memref<10000x1xf32, #tpu.memory_space<vmem>>, vector<10000x1xf32>
    %div3A = vector.broadcast %get3A_11 : vector<10000x1xf32> to vector<10000x128xf32>
    %div3A_12 = arith.divf %add3A, %div3A : vector<10000x128xf32>
    %get3A_13 = arith.constant 0 : index
    %get3A_14 = arith.constant 0 : index
    %get3A_15 = vector.load %arg3[%get3A_13, %get3A_14] : memref<128x128xf32, #tpu.memory_space<vmem>>, vector<128x128xf32>
    %dot_general3A = arith.constant dense<0.000000e+00> : vector<10000x128xf32>
    %dot_general3A_16 = tpu.matmul %div3A_12, %get3A_15, %dot_general3A {dimension_numbers = #tpu.dot_dimension_numbers<[1], [0], [0], [1], [0, 0, 1, 1], [], []>, transpose_lhs_hint = false} : vector<10000x128xf32>, vector<128x128xf32>, vector<10000x128xf32> -> vector<10000x128xf32>
    %get3A_17 = arith.constant 0 : index
    %get3A_18 = arith.constant 0 : index
    %get3A_19 = vector.load %arg5[%get3A_17, %get3A_18] : memref<1x128xf32, #tpu.memory_space<vmem>>, vector<1x128xf32>
    %add3A_20 = vector.broadcast %get3A_19 : vector<1x128xf32> to vector<10000x128xf32>
    %add3A_21 = arith.addf %dot_general3A_16, %add3A_20 : vector<10000x128xf32>
    %get3A_22 = arith.constant 0 : index
    %get3A_23 = arith.constant 0 : index
    %get3A_24 = vector.load %arg2[%get3A_22, %get3A_23] : memref<10000x128xf32, #tpu.memory_space<vmem>>, vector<10000x128xf32>
    %get3A_25 = arith.constant 0 : index
    %get3A_26 = arith.constant 0 : index
    %get3A_27 = vector.load %arg4[%get3A_25, %get3A_26] : memref<128x128xf32, #tpu.memory_space<vmem>>, vector<128x128xf32>
    %dot_general3A_28 = arith.constant dense<0.000000e+00> : vector<10000x128xf32>
    %dot_general3A_29 = tpu.matmul %get3A_24, %get3A_27, %dot_general3A_28 {dimension_numbers = #tpu.dot_dimension_numbers<[1], [0], [0], [1], [0, 0, 1, 1], [], []>, transpose_lhs_hint = false} : vector<10000x128xf32>, vector<128x128xf32>, vector<10000x128xf32> -> vector<10000x128xf32>
    %add3A_30 = arith.addf %add3A_21, %dot_general3A_29 : vector<10000x128xf32>
    %max3A = arith.constant 0.000000e+00 : f32
    %max3A_31 = vector.broadcast %max3A : f32 to vector<10000x128xf32>
    %max3A_32 = arith.maximumf %add3A_30, %max3A_31 : vector<10000x128xf32>
    %swap3A = arith.constant 0 : index
    %swap3A_33 = arith.constant 0 : index
    %swap3A_34 = vector.load %arg6[%swap3A, %swap3A_33] : memref<10000x128xf32, #tpu.memory_space<vmem>>, vector<10000x128xf32>
    tpu.vector_store %arg6[%swap3A, %swap3A_33], %max3A_32 {strides = array<i32>} : memref<10000x128xf32, #tpu.memory_space<vmem>>, vector<10000x128xf32>,
    return
  }
}

</mosaic_0001>

<sc_bundles>
// kernel: kernel.10.cloned.1.call-start
scs
__scs_entry_jumppad:
0x0: {  	(pc) =	sbr.rel $0x88, $3  }
0x1: {  	(tag) =	ssettag $0x0;
	lr =	simm.s32 $0x1  }
0x2: {  	[smem:$0x3F99] =	sst lr;
	_ =	strace $0xD0000000  }
0x3: {  	_ = 	snop  }
0x4: {  	_ = 	snop  }
0x5: {  	_ = 	snop  }
0x6: {  	_ = 	snop  }
0x7: {  	_ = 	snop  }
__scs_overlays_trampoline_lowered:
0x8: {  	[smem:$0x3FA8] =	sst s0  }
0x9: {  	[smem:$0x3FA9] =	sst s1  }
0xa: {  	[smem:$0x3FAA] =	sst s2  }
0xb: {  	[smem:$0x3FAB] =	sst s3  }
0xc: {  	[smem:$0x3FAC] =	sst s4  }
0xd: {  	[smem:$0x3FAD] =	sst s5  }
0xe: {  	[smem:$0x3FAE] =	sst s6  }
0xf: {  	[smem:$0x3FAF] =	sst s7  }
0x10: {  	[smem:$0x3FB0] =	sst s8  }
0x11: {  	[smem:$0x3FB1] =	sst s9;
	s0 =	simm.s32 @!p0 $0x0  }
0x12: {  	s1 =	sld [smem:$0x3F97];
	s0 =	simm.s32 @p0 $0x1  }
0x13: {  	[smem:$0x3FB2] =	sst s0;
	s0 =	simm.s32 @!p1 $0x0  }
0x14: {  	s2 =	sld [smem:$0x3F96];
	s0 =	simm.s32 @p1 $0x1  }
0x15: {  	[smem:$0x3FB3] =	sst s0;
	s0 =	simm.s32 @!p2 $0x0  }
0x16: {  	s3 =	sld [smem:$0x3FDB];
	s0 =	simm.s32 @p2 $0x1  }
0x17: {  	s4 =	simm.s32 $0x1BF5;
	[smem:$0x3FB5] =	sst s0  }
0x18: {  	s0 =	sld [smem:$0x3F98];
	_ =	swait.ge [sflag:s4], $0x0  }
0x19: {  	s7 =	sld [smem:$0x3F99]  }
0x1a: {  	s8 =	sadd.s32 $0xFFFFE003, lr  }
0x1b: {  	s9 =	sadd.s32 $0xFFFFFEF7, lr;
	s5 =	simm.s32 $0xFFFFFFFF;
	p2 =	slt.u32 s8, $0xFFFFF086  }
0x1c: {  	p1 =	slt.u32 s9, $0xF7A;
	s5 =	simm.s32 @!p2 $0x0  }
0x1d: {  	s5 =	simm.s32 @p1 $0x1;
	p0 =	seq.s32 s7, s2  }
0x1e: {  	s7 =	smul.u32 @!p0 $0xF7A, s2;
	p2 =	seq.s32 @!p0 s5, $0x0  }
0x1f: {  	s9 =	smul.u32 $0xF7A, s1;
	s8 =	simm.s32 @!p0 $0x1BF5;
	p2 =	por !p2, p0  }
0x20: {  	[sflag:s8] =	ssyncset.s32 @!p0 $0xFFFFF086;
	s6 =	sadd.s32 @!p0 s3, s7;
	s7 =	simm.s32 @!p0 $0x108  }
0x21: {  	s3 =	sadd.s32 s3, s9;
	s6 =	sadd.s32 @!p0 $0x88, s6;
	s7 =	simm.s32 @p2 $0x1082  }
0x22: {  	[simem:s7], [sflag:s8] =	dma.local @!p0 [hbm:s6], $0xF7A  }
0x23: {  	s9 =	sor.u32 $0xD0000000, s2;
	s6 =	simm.s32 $0x108;
	_ =	swait.ge @!p0 [sflag:s8], $0x0  }
0x24: {  	s3 =	sadd.s32 $0x88, s3;
	s6 =	simm.s32 @!p1 $0x1082;
	[sflag:s4] =	ssyncset.s32 $0xFFFFF086  }
0x25: {  	[simem:s6], [sflag:s4] =	dma.local [hbm:s3], $0xF7A  }
0x26: {  	[smem:$0x3F99] =	sst s1;
	(tag) =	ssettag s2;
	_ =	strace s9  }
0x27: {  	s1 =	sld [smem:$0x3FA9]  }
0x28: {  	s2 =	sld [smem:$0x3FAA]  }
0x29: {  	s4 =	sld [smem:$0x3FAC]  }
0x2a: {  	p0 =	seq.s32 s5, $0x0;
	s5 =	sld [smem:$0x3FAD]  }
0x2b: {  	s6 =	sld [smem:$0x3FAE]  }
0x2c: {  	s7 =	sld [smem:$0x3FAF]  }
0x2d: {  	s3 =	simm.s32 $0x108;
	s8 =	sld [smem:$0x3FB0]  }
0x2e: {  	s3 =	simm.s32 @!p0 $0x1082;
	s9 =	sld [smem:$0x3FB1]  }
0x2f: {  	lr =	sadd.s32 s0, s3;
	s0 =	sld [smem:$0x3FA8]  }
0x30: {  	s3 =	sld [smem:$0x3FAB]  }
0x31: {  	[smem:$0x3FB4] =	sst s10  }
0x32: {  	s10 =	sld [smem:$0x3FB2];
	_ =	sdelay $0x3  }
0x33: {  	p0 =	seq.s32 s10, $0x1;
	s10 =	sld [smem:$0x3FB4];
	_ =	sdelay $0x3  }
0x34: {  	[smem:$0x3FB4] =	sst s10  }
0x35: {  	s10 =	sld [smem:$0x3FB3];
	_ =	sdelay $0x3  }
0x36: {  	p1 =	seq.s32 s10, $0x1;
	s10 =	sld [smem:$0x3FB4];
	_ =	sdelay $0x3  }
0x37: {  	[smem:$0x3FB4] =	sst s10  }
0x38: {  	s10 =	sld [smem:$0x3FB5]  }
0x39: {  	_ = 	snop;
	(pc) =	sbr.ind lr, $3  }
0x3a: {  	_ = 	snop  }
0x3b: {  	_ = 	snop  }
0x3c: {  	p2 =	seq.s32 s10, $0x1;
	s10 =	sld [smem:$0x3FB4]  }
0x3d: {  	_ =	shalt  }
0x3e: {  	_ =	shalt  }
0x3f: {  	_ =	shalt  }
0x40: {  	_ =	shalt  }
0x41: {  	_ =	shalt  }
0x42: {  	_ =	shalt  }
0x43: {  	_ =	shalt  }
0x44: {  	_ =	shalt  }
0x45: {  	_ =	shalt  }
0x46: {  	_ =	shalt  }
0x47: {  	_ =	shalt  }
0x48: {  	_ =	shalt  }
0x49: {  	_ =	shalt  }
0x4a: {  	_ =	shalt  }
0x4b: {  	_ =	shalt  }
0x4c: {  	_ =	shalt  }
0x4d: {  	_ =	shalt  }
0x4e: {  	_ =	shalt  }
0x4f: {  	_ =	shalt  }
0x50: {  	_ =	shalt  }
0x51: {  	_ =	shalt  }
0x52: {  	_ =	shalt  }
0x53: {  	_ =	shalt  }
0x54: {  	_ =	shalt  }
0x55: {  	_ =	shalt  }
0x56: {  	_ =	shalt  }
0x57: {  	_ =	shalt  }
0x58: {  	_ =	shalt  }
0x59: {  	_ =	shalt  }
0x5a: {  	_ =	shalt  }
0x5b: {  	_ =	shalt  }
0x5c: {  	_ =	shalt  }
0x5d: {  	_ =	shalt  }
0x5e: {  	_ =	shalt  }
0x5f: {  	_ =	shalt  }
0x60: {  	_ =	shalt  }
0x61: {  	_ =	shalt  }
0x62: {  	_ =	shalt  }
0x63: {  	_ =	shalt  }
0x64: {  	_ =	shalt  }
0x65: {  	_ =	shalt  }
0x66: {  	_ =	shalt  }
0x67: {  	_ =	shalt  }
0x68: {  	_ =	shalt  }
0x69: {  	_ =	shalt  }
0x6a: {  	_ =	shalt  }
0x6b: {  	_ =	shalt  }
0x6c: {  	_ =	shalt  }
0x6d: {  	_ =	shalt  }
0x6e: {  	_ =	shalt  }
0x6f: {  	_ =	shalt  }
0x70: {  	_ =	shalt  }
0x71: {  	_ =	shalt  }
0x72: {  	_ =	shalt  }
0x73: {  	_ =	shalt  }
0x74: {  	_ =	shalt  }
0x75: {  	_ =	shalt  }
0x76: {  	_ =	shalt  }
0x77: {  	_ =	shalt  }
0x78: {  	_ =	shalt  }
0x79: {  	_ =	shalt  }
0x7a: {  	_ =	shalt  }
0x7b: {  	_ =	shalt  }
0x7c: {  	_ =	shalt  }
0x7d: {  	_ =	shalt  }
0x7e: {  	_ =	shalt  }
0x7f: {  	_ =	shalt  }
0x80: {  	_ =	shalt  }
0x81: {  	_ =	shalt  }
0x82: {  	_ =	shalt  }
0x83: {  	_ =	shalt  }
0x84: {  	_ =	shalt  }
0x85: {  	_ =	shalt  }
0x86: {  	_ =	shalt  }
0x87: {  	_ =	shalt  }
.Lfunc_end0:
.L_simem_size_0:
called_computation.1_lowered:
.L_overlay_start_0:
0x88: {  	s2 =	sld [smem:$0x3FD9]  }
0x89: {  	s3 =	sld [smem:$0x3FFE];
	_ =	sdelay $0x1  }
0x8a: {  	s1 =	srdreg.scid  }
0x8b: {  	s0 =	sand.u32 $0x1, s1  }
0x8c: {  	s17 =	sshll.u32 s0, $0xA;
	s2 =	sadd.s32 s3, s2  }
0x8d: {  	s2 =	sadd.s32 s2, s17  }
0x8e: {  	[smem:$0x3FC0] =	sst s2  }
0x8f: {  	_ = 	snop  }
0x90: {  	s4 =	sld [smem:$0x3FC9]  }
0x91: {  	s18 =	sld [smem:$0x3FD0];
	(tm) =	ssettm $0x1  }
0x92: {  	s19 =	sld [smem:$0x3FFB];
	_ =	sdelay $0x3  }
0x93: {  	_ =	strace s19  }
0x94: {  	s2 =	sld [smem:$0x3FFC];
	_ =	sdelay $0x3  }
0x95: {  	_ =	strace s2  }
0x96: {  	s2 =	sld [smem:$0x3FFD];
	_ =	sdelay $0x3  }
0x97: {  	_ =	strace s2  }
0x98: {  	_ =	strace $0x8FFFFFFF  }
0x99: {  	s20 =	sld [smem:$0x3FDB];
	_ =	sdelay $0x1  }
0x9a: {  	s5 =	simm.s32 $_scs_section_size  }
0x9b: {  	s6 =	simm.s32 $_size__tile_overlayer_lowered;
	s7 =	simm.s32 $_tile_overlayer_lowered  }
0x9c: {  	s8 =	simm.s32 $0x1BFF;
	s21 =	sshll.u32 s7, $0x1;
	s5 =	sadd.s32 s5, s20  }
0x9d: {  	s22 =	simm.s32 $0x0;
	s6 =	sshll.u32 s6, $0x1;
	s7 =	sadd.s32 s21, s5  }
0x9e: {  	[timem:s22], [sflag:s8] =	dma.local [hbm:s7], s6  }
0x9f: {  	_ =	swait.ge [sflag:s8], s6  }
0xa0: {  	s6 =	ssub.s32 $0x0, s6;
	[sflag:s8] =	ssyncset.done $0x0  }
0xa1: {  	[sflag:s8] =	ssyncadd.s32 s6;
	_ =	sdelay $0x1  }
0xa2: {  	s23 =	simm.s32 $0x1B8B  }
0xa3: {  	_ =	swait.ge [sflag:s23], $0x1  }
0xa4: {  	[sflag:s23] =	ssyncset.done $0x0  }
0xa5: {  	[sflag:s23] =	ssyncadd.s32 $0xFFFFFFFF  }
0xa6: {  	s6 =	sld [smem:$0x0]  }
0xa7: {  	s7 =	sand.u32 $0xFFFFFFFE, s1  }
0xa8: {  	p0 =	sne.s32 s1, s7  }
0xa9: {  	s7 =	sshll.u32 @p0 s7, $0xE  }
0xaa: {  	s7 =	sadd.s32 @p0 $0x11B8D, s7;
	s8 =	sshll.u32 @p0 s6, $0x11  }
0xab: {  	s7 =	sor.u32 @p0 s8, s7  }
0xac: {  	[sflag:s7] =	ssyncadd.remote.s32 @p0 $0x1;
	_ =	sdelay $0x1  }
0xad: {  	s7 =	simm.s32 @p0 $0x1B8D  }
0xae: {  	_ =	swait.eq @p0 [sflag:s7], $0x1  }
0xaf: {  	[sflag:s7] =	ssyncadd.s32 @p0 $0xFFFFFFFF  }
0xb0: {  	s8 =	sshll.u32 @!p0 s1, $0xE  }
0xb1: {  	s8 =	sor.u32 @!p0 $0x4000, s8;
	s7 =	simm.s32 @!p0 $0x1B8D  }
0xb2: {  	s6 =	sshll.u32 @!p0 s6, $0x11;
	s8 =	sadd.s32 @!p0 $0x11B8D, s8;
	_ =	swait.eq @!p0 [sflag:s7], $0x1  }
0xb3: {  	s6 =	sor.u32 @!p0 s6, s8;
	[sflag:s7] =	ssyncadd.s32 @!p0 $0xFFFFFFFF  }
0xb4: {  	s25 =	simm.s32 $0x1B8E;
	s24 =	sld [smem:$0x3FFE];
	[sflag:s6] =	ssyncadd.remote.s32 @!p0 $0x1  }
0xb5: {  	s26 =	simm.s32 $execute0_lowered;
	[smem:$0x3FD2] =	sst s25  }
0xb6: {  	s7 =	sshll.u32 s26, $0x1;
	_ =	strace $0x80000049;
	[dreg:$0x1] =	wrdreg $0xFFFFFFFF  }
0xb7: {  	s28 =	simm.s32 $_size_execute0_lowered;
	s5 =	sadd.s32 s5, s7;
	[dreg:$0x0] =	wrdreg $0x0  }
0xb8: {  	s7 =	sshll.u32 s28, $0x1;
	[dreg:$0x2] =	wrdreg s5  }
0xb9: {  	[dreg:$0x3] =	wrdreg s7  }
0xba: {  	[dreg:$0x4] =	wrdreg $0xC0  }
0xbb: {  	_ =	task [dreg:s22], $0x5FFFF  }
0xbc: {  	[dreg:$0x1] =	wrdreg $0xFFFFFFFF  }
0xbd: {  	[dreg:$0x0] =	wrdreg $0x60  }
0xbe: {  	[dreg:$0x2] =	wrdreg s4  }
0xbf: {  	[dreg:$0x3] =	wrdreg s24  }
0xc0: {  	[dreg:$0x4] =	wrdreg s18  }
0xc1: {  	[dreg:$0x5] =	wrdreg $0x90000  }
0xc2: {  	[dreg:$0x6] =	wrdreg $0xA  }
0xc3: {  	_ =	task.clear_ibuf [dreg:s22], $0x7FFFF;
	_ =	strace $0x90000049  }
0xc4: {  	s29 =	simm.s32 $0xA;
	_ =	strace $0x8000004B  }
0xc5: {  	_ =	swait.ge [sflag:s29], $0x1  }
0xc6: {  	[sflag:s29] =	ssyncadd.s32 $0xFFFFFFFF  }
0xc7: {  	_ =	strace $0x9000004B  }
0xc8: {  	_ =	sfence  }
0xc9: {  	s30 =	sld [smem:$0x0];
	_ =	sdelay $0x2  }
0xca: {  	s31 =	sshll.u32 s1, $0xD;
	s1 =	sshrl.u32 s1, $0x2  }
0xcb: {  	s4 =	sand.u32 $0x4000, s31;
	s1 =	sadd.s32 s1, s30  }
0xcc: {  	s0 =	sor.u32 s4, s0;
	s1 =	sshll.u32 s1, $0x11  }
0xcd: {  	s0 =	sor.u32 s1, s0  }
0xce: {  	s0 =	sadd.s32 $0x8F2B, s0  }
0xcf: {  	[sflag:s0] =	ssyncadd.remote.s32 $0x1  }
0xd0: {  	_ =	sfence.sel $0xFFFF  }
0xd1: {  	[dreg:$0x0] =	wrdreg $0xFFFFFFFF;
	(pc) =	sbr.abs _section_cstart, $3  }
0xd2: {  	[dreg:$0x1] =	wrdreg $0xFFFFFFFF  }
0xd3: {  	_ =	task.clear_ibuf [dreg:s22], $0x2FFFF;
	_ =	strace $0x9FFFFFFF  }
0xd4: {  	(tm) =	ssettm $0x7FFFFFFF  }
0xd5: {  	_ =	shalt  }
tec
execute0_lowered:
.L_overlay_start_1:
0x0: {  	(tag) =	ssettag $0x1  }
0x1: {  	s1 =	rddreg [dreg:$0x0]  }
0x2: {  	s4 =	rddreg [dreg:$0x1]  }
0x3: {  	s0 =	rddreg [dreg:$0x2]  }
0x4: {  	s2 =	rddreg [dreg:$0x3]  }
0x5: {  	s3 =	simm.s32 $0x0;
	s5 =	srdreg.scid;
	s13 =	stileid.u32  }
0x6: {  	s28 =	simm.s32 $0xC00;
	s29 =	simm.s32 $0x500;
	s30 =	simm.s32 $0xC80  }
0x7: {  	s31 =	simm.s32 $0x580;
	[smem:$0x7FF] =	sst s3;
	s5 =	sand.u32 $0x1, s5  }
0x8: {  	s6 =	sadd.s32 $0xC600, s4;
	s4 =	sadd.s32 $0x2600, s4;
	s26 =	smul.u32 $0x4E000, s13  }
0x9: {  	s25 =	sshll.u32 s13, $0xC;
	s8 =	sshll.u32 s13, $0xE;
	s9 =	smul.u32 $0x13800, s13  }
0xa: {  	s19 =	sadd.s32 $0x138000, s2;
	_ =	strace $0x8000004A;
	[dreg:$0x5] =	wrdreg s6  }
0xb: {  	s7 =	ssub.s32 $0x2, s5;
	[dreg:$0x6] =	wrdreg s4;
	p0 =	seq.s32 s5, $0x0  }
0xc: {  	s10 =	sor.u32 $0x40000, s25;
	s6 =	simm.s32 $0x8;
	s5 =	smul.u32 $0x138800, s5  }
0xd: {  	[dreg:$0x1c] =	wrdreg s19;
	s19 =	simm.s32 $0xA00;
	s24 =	sshrl.u32 s7, $0x1  }
0xe: {  	s10 =	smov.u32 @p0 s8;
	s6 =	simm.s32 @!p0 $0x2;
	s8 =	sadd.s32 $0x4000, s9  }
0xf: {  	s15 =	sadd.s32 $0x8000, s9;
	s11 =	sadd.s32 $0xC000, s9;
	s12 =	sadd.s32 $0x10000, s9  }
0x10: {  	[dreg:$0xe] =	wrdreg s19;
	p0 =	sne.s32 s13, $0xF;
	s13 =	simm.s32 $0xD80  }
0x11: {  	s19 =	simm.s32 $0xF00;
	[dreg:$0x16] =	wrdreg s6;
	s14 =	sadd.s32 s8, s2  }
0x12: {  	s4 =	ssub.s32 s7, s24;
	s16 =	sadd.s32 s15, s2;
	[dreg:$0x18] =	wrdreg s14  }
0x13: {  	s7 =	sshrl.u32 s26, $0x2;
	s17 =	sadd.s32 s11, s2;
	[dreg:$0x19] =	wrdreg s16  }
0x14: {  	s18 =	sadd.s32 s12, s2;
	s9 =	sadd.s32 s9, s5;
	[dreg:$0x1a] =	wrdreg s17  }
0x15: {  	s23 =	sadd.s32 s5, s11;
	s26 =	simm.s32 $0x100;
	[dreg:$0x1b] =	wrdreg s18  }
0x16: {  	s11 =	sadd.s32 s5, s12;
	s12 =	simm.s32 $0x180;
	[dreg:$0x7] =	wrdreg s26  }
0x17: {  	s7 =	sadd.s32 s7, s2;
	s9 =	sshrl.u32 s9, $0x3;
	[dreg:$0x9] =	wrdreg s12  }
0x18: {  	s25 =	sshrl.u32 s23, $0x3;
	s14 =	simm.s32 $0x900;
	[dreg:$0x17] =	wrdreg s7  }
0x19: {  	s16 =	simm.s32 $0x200;
	s17 =	simm.s32 $0x980;
	[dreg:$0xa] =	wrdreg s14  }
0x1a: {  	s18 =	simm.s32 $0x280;
	s4 =	smax.u32 s4, $0x1;
	[dreg:$0xb] =	wrdreg s16  }
0x1b: {  	s23 =	simm.s32 $0xB00;
	s26 =	simm.s32 $0x480;
	[dreg:$0xc] =	wrdreg s17  }
0x1c: {  	s7 =	sadd.s32 s5, s8;
	s20 =	sadd.s32 s0, s9;
	[dreg:$0xd] =	wrdreg s18  }
0x1d: {  	s8 =	sadd.s32 s5, s15;
	s9 =	simm.s32 $0x880;
	[smem:$0x7FD] =	sst s4  }
0x1e: {  	s5 =	sshrl.u32 s5, $0x3;
	[dreg:$0x12] =	wrdreg s23;
	s23 =	simm.s32 $0x80  }
0x1f: {  	[dreg:$0x15] =	wrdreg s26;
	s26 =	simm.s32 $0x2;
	s4 =	simm.s32 $0x600  }
0x20: {  	s14 =	simm.s32 $0x680;
	s16 =	simm.s32 $0x700;
	s17 =	simm.s32 $0xE80  }
0x21: {  	s18 =	simm.s32 $0x780;
	[dreg:$0x1d] =	wrdreg s20;
	s7 =	sshrl.u32 s7, $0x3  }
0x22: {  	s22 =	sshrl.u32 s8, $0x3;
	[dreg:$0x8] =	wrdreg s9;
	s20 =	simm.s32 $0x300  }
0x23: {  	s8 =	sshrl.u32 s11, $0x3;
	s21 =	sadd.s32 s0, s7;
	[dreg:$0xf] =	wrdreg s20  }
0x24: {  	s24 =	sadd.s32 s0, s22;
	s7 =	sadd.s32 s0, s25;
	[dreg:$0x1e] =	wrdreg s21  }
0x25: {  	s15 =	sadd.s32 s0, s8;
	s0 =	sadd.s32 s0, s5;
	[dreg:$0x1f] =	wrdreg s24  }
0x26: {  	s20 =	simm.s32 $0x1000;
	s22 =	simm.s32 $0x380;
	[smem:$0x7FA] =	sst s7  }
0x27: {  	s25 =	simm.s32 $0xB80;
	s8 =	simm.s32 $0x0;
	[smem:$0x7FB] =	sst s15  }
0x28: {  	s0 =	sadd.s32 $0x27000, s0;
	s21 =	simm.s32 $0xA80;
	[dreg:$0x11] =	wrdreg s22  }
0x29: {  	s22 =	simm.s32 $0x800;
	s24 =	simm.s32 $0x400;
	[dreg:$0x14] =	wrdreg s25  }
0x2a: {  	s25 =	simm.s32 $0x1;
	s15 =	simm.s32 $0xE00;
	[smem:$0x7FC] =	sst s0  }
0x2b: {  	s7 =	simm.s32 $0xF80;
	[dreg:$0x10] =	wrdreg s21;
	s21 =	simm.s32 $0x3  }
0x2c: {  	v0 =	vimm.f32 $0.0e+00;
	[dreg:$0x13] =	wrdreg s24;
	s24 =	simm.s32 $0x5000;
	s0 =	simm.s32 $0xD00  }
.LBB2_1:
0x2d: {  	s5 =	simm.s32 $0x0;
	s9 =	simm.s32 $0x200  }
.LBB2_2:
0x2e: {  	p1 =	sne.s32 s9, $0xFE00;
	[tilespmem:s5+$0x1070] =	vst v0  }
0x2f: {  	[tilespmem:s5+$0x1000] =	vst v0  }
0x30: {  	[tilespmem:s5+$0x1010] =	vst v0  }
.Ltmp0:
0x31: {  	[tilespmem:s5+$0x1020] =	vst v0;
	(pc) =	sbr.rel @p1 .LBB2_2-.Ltmp0, $4  }
0x32: {  	[tilespmem:s5+$0x1030] =	vst v0  }
0x33: {  	[tilespmem:s5+$0x1040] =	vst v0  }
0x34: {  	[tilespmem:s5+$0x1050] =	vst v0  }
0x35: {  	[tilespmem:s5+$0x1060] =	vst v0;
	s5 =	sshra.s32 s9, $0x2;
	s9 =	sadd.s32 $0x200, s9  }
0x36: {  	[tilespmem:s5+$0x1070] =	vst v0  }
0x37: {  	[tilespmem:s5+$0x1000] =	vst v0  }
0x38: {  	[tilespmem:s5+$0x1010] =	vst v0  }
0x39: {  	[tilespmem:s5+$0x1020] =	vst v0  }
0x3a: {  	[tilespmem:s5+$0x1030] =	vst v0  }
0x3b: {  	[tilespmem:s5+$0x1040] =	vst v0  }
0x3c: {  	[tilespmem:s5+$0x1050] =	vst v0  }
0x3d: {  	[tilespmem:s5+$0x1060] =	vst v0;
	s11 =	rddreg [dreg:$0x17]  }
0x3e: {  	[spmem:s11] =	stream.linear.scatter [tilespmem:s20], [sflag:$0x3], $0x4000, $0x38;
	[tilespmem:$0x1C8C0] =	vst v63  }
0x3f: {  	_ =	swait.ge [sflag:s21], $0x4000  }
0x40: {  	[sflag:s21] =	ssyncset.done $0x0  }
0x41: {  	s12 =	rddreg [dreg:$0x18];
	[sflag:s21] =	ssyncadd.s32 $0xFFFFC000  }
0x42: {  	[spmem:s12] =	stream.linear.scatter [tilespmem:s20], [sflag:$0x3], $0x4000, $0x38;
	[tilespmem:$0x1C8C0] =	vst v63  }
0x43: {  	_ =	swait.ge [sflag:s21], $0x4000  }
0x44: {  	[sflag:s21] =	ssyncset.done $0x0  }
0x45: {  	s6 =	rddreg [dreg:$0x19];
	[sflag:s21] =	ssyncadd.s32 $0xFFFFC000  }
0x46: {  	[spmem:s6] =	stream.linear.scatter [tilespmem:s20], [sflag:$0x3], $0x4000, $0x38;
	[tilespmem:$0x1C8C0] =	vst v63  }
0x47: {  	_ =	swait.ge [sflag:s21], $0x4000  }
0x48: {  	[sflag:s21] =	ssyncset.done $0x0  }
0x49: {  	s9 =	rddreg [dreg:$0x1a];
	[sflag:s21] =	ssyncadd.s32 $0xFFFFC000  }
0x4a: {  	[spmem:s9] =	stream.linear.scatter [tilespmem:s20], [sflag:$0x3], $0x4000, $0x38;
	[tilespmem:$0x1C8C0] =	vst v63  }
0x4b: {  	_ =	swait.ge [sflag:s21], $0x4000  }
0x4c: {  	[sflag:s21] =	ssyncset.done $0x0  }
0x4d: {  	s11 =	rddreg [dreg:$0x1b];
	[sflag:s21] =	ssyncadd.s32 $0xFFFFC000  }
0x4e: {  	[spmem:s11] =	stream.linear.scatter [tilespmem:s20], [sflag:$0x3], $0x3800, $0x38;
	[tilespmem:$0x1C8C0] =	vst v63  }
0x4f: {  	_ =	swait.ge [sflag:s21], $0x3800  }
0x50: {  	s5 =	simm.s32 @!p0 $0x1000;
	[sflag:s21] =	ssyncset.done $0x0  }
0x51: {  	s9 =	simm.s32 @!p0 $0x3;
	s6 =	rddreg [dreg:$0x1c];
	[sflag:s21] =	ssyncadd.s32 $0xFFFFC800  }
0x52: {  	[spmem:s6] =	stream.linear.scatter @!p0 [tilespmem:s5], [sflag:$0x3], $0x800, $0x38;
	[tilespmem:$0x1C8C0] =	vst v63  }
0x53: {  	_ =	swait.ge @!p0 [sflag:s9], $0x800  }
0x54: {  	[sflag:s9] =	ssyncset.done @!p0 $0x0  }
0x55: {  	[sflag:s9] =	ssyncadd.s32 @!p0 $0xFFFFF800  }
0x56: {  	[bflag:$0x0] =	sbarrier.arrive $0xFFFF  }
0x57: {  	s12 =	rddreg [dreg:$0x16]  }
0x58: {  	p2 =	sne.s32 s12, $0x1  }
.Ltmp1:
0x59: {  	_ = 	snop;
	(pc) =	sbr.rel @!p2 .LBB2_4-.Ltmp1, $2  }
0x5a: {  	_ =	sdelay $0x2  }
0x5b: {  	p1 =	por $0x0, $0x0;
	s5 =	sadd.s32 $0xFFFFFFFF, s12;
	s12 =	rddreg [dreg:$0x5]  }
0x5c: {  	s11 =	sshrl.u32 s10, $0x3  }
0x5d: {  	s12 =	sadd.s32 s12, s11  }
0x5e: {  	[tilespmem:s3], [sflag:$0x3] =	stream.linear.gather [hbm4b:s12+s3], $0x800, $0x38;
	[tilespmem:$0x1C8C0] =	vst v63  }
0x5f: {  	_ =	swait.ge [sflag:s21], $0x800  }
0x60: {  	s6 =	rddreg [dreg:$0x6];
	[sflag:s21] =	ssyncset.done $0x0  }
0x61: {  	[sflag:s21] =	ssyncadd.s32 $0xFFFFF800;
	s11 =	sadd.s32 s6, s11  }
0x62: {  	[tilespmem:s22], [sflag:$0x3] =	stream.linear.gather [hbm4b:s11+s3], $0x800, $0x38;
	[tilespmem:$0x1C8C0] =	vst v63  }
0x63: {  	_ =	swait.ge [sflag:s21], $0x800  }
0x64: {  	[sflag:s21] =	ssyncset.done $0x0  }
0x65: {  	[sflag:s21] =	ssyncadd.s32 $0xFFFFF800  }
0x66: {  	[tilespmem:s20], [sflag:$0x1] =	stream.indirect.gather [hbm4b:s1+s23], $0x80, s3, s23, $0xb8;
	[tilespmem:$0x1C8C0] =	vst v63  }
0x67: {  	_ = 	snop  }
0x68: {  	[tilespmem:s24], [sflag:$0x2] =	stream.indirect.gather [hbm4b:s1+s23], $0x80, s23, s23, $0xb8;
	[tilespmem:$0x1C8C0] =	vst v63  }
0x69: {  	_ =	swait.ge [sflag:s25], $0x4000  }
0x6a: {  	[sflag:s25] =	ssyncset.done $0x0  }
0x6b: {  	[sflag:s25] =	ssyncadd.s32 $0xFFFFC000  }
0x6c: {  	[spmem:s2] =	stream.indirect.scatter.add.f32 [tilespmem:s20], [sflag:$0x3], $0x80, s22, s23, $0xb8;
	[tilespmem:$0x1C8C0] =	vst v63  }
0x6d: {  	_ =	swait.ge [sflag:s21], $0x4000  }
0x6e: {  	[sflag:s21] =	ssyncset.done $0x0  }
0x6f: {  	s12 =	rddreg [dreg:$0x7];
	[sflag:s21] =	ssyncadd.s32 $0xFFFFC000  }
0x70: {  	[tilespmem:s20], [sflag:$0x1] =	stream.indirect.gather [hbm4b:s1+s23], $0x80, s12, s23, $0xb8;
	[tilespmem:$0x1C8C0] =	vst v63  }
0x71: {  	_ =	swait.ge [sflag:s26], $0x4000  }
0x72: {  	[sflag:s26] =	ssyncset.done $0x0  }
0x73: {  	s6 =	rddreg [dreg:$0x8];
	[sflag:s26] =	ssyncadd.s32 $0xFFFFC000  }
0x74: {  	[spmem:s2] =	stream.indirect.scatter.add.f32 [tilespmem:s24], [sflag:$0x3], $0x80, s6, s23, $0xb8;
	[tilespmem:$0x1C8C0] =	vst v63  }
0x75: {  	_ =	swait.ge [sflag:s21], $0x4000  }
0x76: {  	[sflag:s21] =	ssyncset.done $0x0  }
0x77: {  	s12 =	rddreg [dreg:$0x9];
	[sflag:s21] =	ssyncadd.s32 $0xFFFFC000  }
0x78: {  	[tilespmem:s24], [sflag:$0x2] =	stream.indirect.gather [hbm4b:s1+s23], $0x80, s12, s23, $0xb8;
	[tilespmem:$0x1C8C0] =	vst v63  }
0x79: {  	_ =	swait.ge [sflag:s25], $0x4000  }
0x7a: {  	[sflag:s25] =	ssyncset.done $0x0  }
0x7b: {  	s6 =	rddreg [dreg:$0xa];
	[sflag:s25] =	ssyncadd.s32 $0xFFFFC000  }
0x7c: {  	[spmem:s2] =	stream.indirect.scatter.add.f32 [tilespmem:s20], [sflag:$0x3], $0x80, s6, s23, $0xb8;
	[tilespmem:$0x1C8C0] =	vst v63  }
0x7d: {  	_ =	swait.ge [sflag:s21], $0x4000  }
0x7e: {  	[sflag:s21] =	ssyncset.done $0x0  }
0x7f: {  	s12 =	rddreg [dreg:$0xb];
	[sflag:s21] =	ssyncadd.s32 $0xFFFFC000  }
0x80: {  	[tilespmem:s20], [sflag:$0x1] =	stream.indirect.gather [hbm4b:s1+s23], $0x80, s12, s23, $0xb8;
	[tilespmem:$0x1C8C0] =	vst v63  }
0x81: {  	_ =	swait.ge [sflag:s26], $0x4000  }
0x82: {  	[sflag:s26] =	ssyncset.done $0x0  }
0x83: {  	s6 =	rddreg [dreg:$0xc];
	[sflag:s26] =	ssyncadd.s32 $0xFFFFC000  }
0x84: {  	[spmem:s2] =	stream.indirect.scatter.add.f32 [tilespmem:s24], [sflag:$0x3], $0x80, s6, s23, $0xb8;
	[tilespmem:$0x1C8C0] =	vst v63  }
0x85: {  	_ =	swait.ge [sflag:s21], $0x4000  }
0x86: {  	[sflag:s21] =	ssyncset.done $0x0  }
0x87: {  	s12 =	rddreg [dreg:$0xd];
	[sflag:s21] =	ssyncadd.s32 $0xFFFFC000  }
0x88: {  	[tilespmem:s24], [sflag:$0x2] =	stream.indirect.gather [hbm4b:s1+s23], $0x80, s12, s23, $0xb8;
	[tilespmem:$0x1C8C0] =	vst v63  }
0x89: {  	_ =	swait.ge [sflag:s25], $0x4000  }
0x8a: {  	[sflag:s25] =	ssyncset.done $0x0  }
0x8b: {  	s6 =	rddreg [dreg:$0xe];
	[sflag:s25] =	ssyncadd.s32 $0xFFFFC000  }
0x8c: {  	[spmem:s2] =	stream.indirect.scatter.add.f32 [tilespmem:s20], [sflag:$0x3], $0x80, s6, s23, $0xb8;
	[tilespmem:$0x1C8C0] =	vst v63  }
0x8d: {  	_ =	swait.ge [sflag:s21], $0x4000  }
0x8e: {  	[sflag:s21] =	ssyncset.done $0x0  }
0x8f: {  	s12 =	rddreg [dreg:$0xf];
	[sflag:s21] =	ssyncadd.s32 $0xFFFFC000  }
0x90: {  	[tilespmem:s20], [sflag:$0x1] =	stream.indirect.gather [hbm4b:s1+s23], $0x80, s12, s23, $0xb8;
	[tilespmem:$0x1C8C0] =	vst v63  }
0x91: {  	_ =	swait.ge [sflag:s26], $0x4000  }
0x92: {  	[sflag:s26] =	ssyncset.done $0x0  }
0x93: {  	s6 =	rddreg [dreg:$0x10];
	[sflag:s26] =	ssyncadd.s32 $0xFFFFC000  }
0x94: {  	[spmem:s2] =	stream.indirect.scatter.add.f32 [tilespmem:s24], [sflag:$0x3], $0x80, s6, s23, $0xb8;
	[tilespmem:$0x1C8C0] =	vst v63  }
0x95: {  	_ =	swait.ge [sflag:s21], $0x4000  }
0x96: {  	[sflag:s21] =	ssyncset.done $0x0  }
0x97: {  	s12 =	rddreg [dreg:$0x11];
	[sflag:s21] =	ssyncadd.s32 $0xFFFFC000  }
0x98: {  	[tilespmem:s24], [sflag:$0x2] =	stream.indirect.gather [hbm4b:s1+s23], $0x80, s12, s23, $0xb8;
	[tilespmem:$0x1C8C0] =	vst v63  }
0x99: {  	_ =	swait.ge [sflag:s25], $0x4000  }
0x9a: {  	[sflag:s25] =	ssyncset.done $0x0  }
0x9b: {  	s6 =	rddreg [dreg:$0x12];
	[sflag:s25] =	ssyncadd.s32 $0xFFFFC000  }
0x9c: {  	[spmem:s2] =	stream.indirect.scatter.add.f32 [tilespmem:s20], [sflag:$0x3], $0x80, s6, s23, $0xb8;
	[tilespmem:$0x1C8C0] =	vst v63  }
0x9d: {  	_ =	swait.ge [sflag:s21], $0x4000  }
0x9e: {  	[sflag:s21] =	ssyncset.done $0x0  }
0x9f: {  	s12 =	rddreg [dreg:$0x13];
	[sflag:s21] =	ssyncadd.s32 $0xFFFFC000  }
0xa0: {  	[tilespmem:s20], [sflag:$0x1] =	stream.indirect.gather [hbm4b:s1+s23], $0x80, s12, s23, $0xb8;
	[tilespmem:$0x1C8C0] =	vst v63  }
0xa1: {  	_ =	swait.ge [sflag:s26], $0x4000  }
0xa2: {  	[sflag:s26] =	ssyncset.done $0x0  }
0xa3: {  	s6 =	rddreg [dreg:$0x14];
	[sflag:s26] =	ssyncadd.s32 $0xFFFFC000  }
0xa4: {  	[spmem:s2] =	stream.indirect.scatter.add.f32 [tilespmem:s24], [sflag:$0x3], $0x80, s6, s23, $0xb8;
	[tilespmem:$0x1C8C0] =	vst v63  }
0xa5: {  	_ =	swait.ge [sflag:s21], $0x4000  }
0xa6: {  	[sflag:s21] =	ssyncset.done $0x0  }
0xa7: {  	s12 =	rddreg [dreg:$0x15];
	[sflag:s21] =	ssyncadd.s32 $0xFFFFC000  }
0xa8: {  	[tilespmem:s24], [sflag:$0x2] =	stream.indirect.gather [hbm4b:s1+s23], $0x80, s12, s23, $0xb8;
	[tilespmem:$0x1C8C0] =	vst v63  }
0xa9: {  	_ =	swait.ge [sflag:s25], $0x4000  }
0xaa: {  	[sflag:s25] =	ssyncset.done $0x0  }
0xab: {  	[sflag:s25] =	ssyncadd.s32 $0xFFFFC000  }
0xac: {  	[spmem:s2] =	stream.indirect.scatter.add.f32 [tilespmem:s20], [sflag:$0x3], $0x80, s28, s23, $0xb8;
	[tilespmem:$0x1C8C0] =	vst v63  }
0xad: {  	_ =	swait.ge [sflag:s21], $0x4000  }
0xae: {  	[sflag:s21] =	ssyncset.done $0x0  }
0xaf: {  	[sflag:s21] =	ssyncadd.s32 $0xFFFFC000  }
0xb0: {  	[tilespmem:s20], [sflag:$0x1] =	stream.indirect.gather [hbm4b:s1+s23], $0x80, s29, s23, $0xb8;
	[tilespmem:$0x1C8C0] =	vst v63  }
0xb1: {  	_ =	swait.ge [sflag:s26], $0x4000  }
0xb2: {  	[sflag:s26] =	ssyncset.done $0x0  }
0xb3: {  	[sflag:s26] =	ssyncadd.s32 $0xFFFFC000  }
0xb4: {  	[spmem:s2] =	stream.indirect.scatter.add.f32 [tilespmem:s24], [sflag:$0x3], $0x80, s30, s23, $0xb8;
	[tilespmem:$0x1C8C0] =	vst v63  }
0xb5: {  	_ =	swait.ge [sflag:s21], $0x4000  }
0xb6: {  	[sflag:s21] =	ssyncset.done $0x0  }
0xb7: {  	[sflag:s21] =	ssyncadd.s32 $0xFFFFC000  }
0xb8: {  	[tilespmem:s24], [sflag:$0x2] =	stream.indirect.gather [hbm4b:s1+s23], $0x80, s31, s23, $0xb8;
	[tilespmem:$0x1C8C0] =	vst v63  }
0xb9: {  	_ =	swait.ge [sflag:s25], $0x4000  }
0xba: {  	[sflag:s25] =	ssyncset.done $0x0  }
0xbb: {  	[sflag:s25] =	ssyncadd.s32 $0xFFFFC000  }
0xbc: {  	[spmem:s2] =	stream.indirect.scatter.add.f32 [tilespmem:s20], [sflag:$0x3], $0x80, s0, s23, $0xb8;
	[tilespmem:$0x1C8C0] =	vst v63  }
0xbd: {  	_ =	swait.ge [sflag:s21], $0x4000  }
0xbe: {  	[sflag:s21] =	ssyncset.done $0x0  }
0xbf: {  	[sflag:s21] =	ssyncadd.s32 $0xFFFFC000  }
0xc0: {  	[tilespmem:s20], [sflag:$0x1] =	stream.indirect.gather [hbm4b:s1+s23], $0x80, s4, s23, $0xb8;
	[tilespmem:$0x1C8C0] =	vst v63  }
0xc1: {  	_ =	swait.ge [sflag:s26], $0x4000  }
0xc2: {  	[sflag:s26] =	ssyncset.done $0x0  }
0xc3: {  	[sflag:s26] =	ssyncadd.s32 $0xFFFFC000  }
0xc4: {  	[spmem:s2] =	stream.indirect.scatter.add.f32 [tilespmem:s24], [sflag:$0x3], $0x80, s13, s23, $0xb8;
	[tilespmem:$0x1C8C0] =	vst v63  }
0xc5: {  	_ =	swait.ge [sflag:s21], $0x4000  }
0xc6: {  	[sflag:s21] =	ssyncset.done $0x0  }
0xc7: {  	[sflag:s21] =	ssyncadd.s32 $0xFFFFC000  }
0xc8: {  	[tilespmem:s24], [sflag:$0x2] =	stream.indirect.gather [hbm4b:s1+s23], $0x80, s14, s23, $0xb8;
	[tilespmem:$0x1C8C0] =	vst v63  }
0xc9: {  	_ =	swait.ge [sflag:s25], $0x4000  }
0xca: {  	[sflag:s25] =	ssyncset.done $0x0  }
0xcb: {  	[sflag:s25] =	ssyncadd.s32 $0xFFFFC000  }
0xcc: {  	[spmem:s2] =	stream.indirect.scatter.add.f32 [tilespmem:s20], [sflag:$0x3], $0x80, s15, s23, $0xb8;
	[tilespmem:$0x1C8C0] =	vst v63  }
0xcd: {  	_ =	swait.ge [sflag:s21], $0x4000  }
0xce: {  	[sflag:s21] =	ssyncset.done $0x0  }
0xcf: {  	[sflag:s21] =	ssyncadd.s32 $0xFFFFC000  }
0xd0: {  	[tilespmem:s20], [sflag:$0x1] =	stream.indirect.gather [hbm4b:s1+s23], $0x80, s16, s23, $0xb8;
	[tilespmem:$0x1C8C0] =	vst v63  }
0xd1: {  	_ =	swait.ge [sflag:s26], $0x4000  }
0xd2: {  	[sflag:s26] =	ssyncset.done $0x0  }
0xd3: {  	[sflag:s26] =	ssyncadd.s32 $0xFFFFC000  }
0xd4: {  	[spmem:s2] =	stream.indirect.scatter.add.f32 [tilespmem:s24], [sflag:$0x3], $0x80, s17, s23, $0xb8;
	[tilespmem:$0x1C8C0] =	vst v63  }
0xd5: {  	_ =	swait.ge [sflag:s21], $0x4000  }
0xd6: {  	[sflag:s21] =	ssyncset.done $0x0  }
0xd7: {  	[sflag:s21] =	ssyncadd.s32 $0xFFFFC000  }
0xd8: {  	[tilespmem:s24], [sflag:$0x2] =	stream.indirect.gather [hbm4b:s1+s23], $0x80, s18, s23, $0xb8;
	[tilespmem:$0x1C8C0] =	vst v63  }
0xd9: {  	_ =	swait.ge [sflag:s25], $0x4000  }
0xda: {  	[sflag:s25] =	ssyncset.done $0x0  }
0xdb: {  	[sflag:s25] =	ssyncadd.s32 $0xFFFFC000  }
0xdc: {  	[spmem:s2] =	stream.indirect.scatter.add.f32 [tilespmem:s20], [sflag:$0x3], $0x80, s19, s23, $0xb8;
	[tilespmem:$0x1C8C0] =	vst v63  }
0xdd: {  	_ =	swait.ge [sflag:s21], $0x4000  }
0xde: {  	[sflag:s21] =	ssyncset.done $0x0  }
0xdf: {  	[sflag:s21] =	ssyncadd.s32 $0xFFFFC000  }
0xe0: {  	p2 =	sne.s32 s5, $0x1;
	_ =	swait.ge [sflag:s26], $0x4000  }
.Ltmp2:
0xe1: {  	[sflag:s26] =	ssyncset.done $0x0;
	(pc) =	sbr.rel @!p2 .LBB2_6-.Ltmp2, $4  }
0xe2: {  	[sflag:s26] =	ssyncadd.s32 $0xFFFFC000  }
0xe3: {  	[spmem:s2] =	stream.indirect.scatter.add.f32 [tilespmem:s24], [sflag:$0x3], $0x80, s7, s23, $0xb8;
	[tilespmem:$0x1C8C0] =	vst v63  }
0xe4: {  	p1 =	por $0x1, $0x1;
	s11 =	sadd.s32 $0xFFFFFFFF, s5;
	_ =	swait.ge [sflag:s21], $0x4000  }
0xe5: {  	s5 =	smov.u32 s10;
	s12 =	rddreg [dreg:$0x5];
	[sflag:s21] =	ssyncset.done $0x0  }
.LBB2_7:
0xe6: {  	s5 =	sadd.s32 $0x800, s5  }
0xe7: {  	s6 =	sshrl.u32 s5, $0x3  }
0xe8: {  	[sflag:s21] =	ssyncadd.s32 $0xFFFFC000;
	s12 =	sadd.s32 s12, s6  }
0xe9: {  	[tilespmem:s3], [sflag:$0x3] =	stream.linear.gather [hbm4b:s12+s3], $0x800, $0x38;
	[tilespmem:$0x1C8C0] =	vst v63  }
0xea: {  	_ =	swait.ge [sflag:s21], $0x800  }
0xeb: {  	s12 =	rddreg [dreg:$0x6];
	[sflag:s21] =	ssyncset.done $0x0  }
0xec: {  	[sflag:s21] =	ssyncadd.s32 $0xFFFFF800;
	s6 =	sadd.s32 s12, s6  }
0xed: {  	[tilespmem:s22], [sflag:$0x3] =	stream.linear.gather [hbm4b:s6+s3], $0x800, $0x38;
	[tilespmem:$0x1C8C0] =	vst v63  }
0xee: {  	_ =	swait.ge [sflag:s21], $0x800  }
0xef: {  	[sflag:s21] =	ssyncset.done $0x0  }
0xf0: {  	[sflag:s21] =	ssyncadd.s32 $0xFFFFF800  }
0xf1: {  	[tilespmem:s20], [sflag:$0x1] =	stream.indirect.gather [hbm4b:s1+s23], $0x80, s3, s23, $0xb8;
	[tilespmem:$0x1C8C0] =	vst v63  }
0xf2: {  	_ = 	snop  }
0xf3: {  	[tilespmem:s24], [sflag:$0x2] =	stream.indirect.gather [hbm4b:s1+s23], $0x80, s23, s23, $0xb8;
	[tilespmem:$0x1C8C0] =	vst v63  }
0xf4: {  	_ =	swait.ge [sflag:s25], $0x4000  }
0xf5: {  	[sflag:s25] =	ssyncset.done $0x0  }
0xf6: {  	[sflag:s25] =	ssyncadd.s32 $0xFFFFC000  }
0xf7: {  	[spmem:s2] =	stream.indirect.scatter.add.f32 [tilespmem:s20], [sflag:$0x3], $0x80, s22, s23, $0xb8;
	[tilespmem:$0x1C8C0] =	vst v63  }
0xf8: {  	_ =	swait.ge [sflag:s21], $0x4000  }
0xf9: {  	[sflag:s21] =	ssyncset.done $0x0  }
0xfa: {  	s12 =	rddreg [dreg:$0x7];
	[sflag:s21] =	ssyncadd.s32 $0xFFFFC000  }
0xfb: {  	[tilespmem:s20], [sflag:$0x1] =	stream.indirect.gather [hbm4b:s1+s23], $0x80, s12, s23, $0xb8;
	[tilespmem:$0x1C8C0] =	vst v63  }
0xfc: {  	_ =	swait.ge [sflag:s26], $0x4000  }
0xfd: {  	[sflag:s26] =	ssyncset.done $0x0  }
0xfe: {  	s12 =	rddreg [dreg:$0x8];
	[sflag:s26] =	ssyncadd.s32 $0xFFFFC000  }
0xff: {  	[spmem:s2] =	stream.indirect.scatter.add.f32 [tilespmem:s24], [sflag:$0x3], $0x80, s12, s23, $0xb8;
	[tilespmem:$0x1C8C0] =	vst v63  }
0x100: {  	_ =	swait.ge [sflag:s21], $0x4000  }
0x101: {  	[sflag:s21] =	ssyncset.done $0x0  }
0x102: {  	s12 =	rddreg [dreg:$0x9];
	[sflag:s21] =	ssyncadd.s32 $0xFFFFC000  }
0x103: {  	[tilespmem:s24], [sflag:$0x2] =	stream.indirect.gather [hbm4b:s1+s23], $0x80, s12, s23, $0xb8;
	[tilespmem:$0x1C8C0] =	vst v63  }
0x104: {  	_ =	swait.ge [sflag:s25], $0x4000  }
0x105: {  	[sflag:s25] =	ssyncset.done $0x0  }
0x106: {  	s12 =	rddreg [dreg:$0xa];
	[sflag:s25] =	ssyncadd.s32 $0xFFFFC000  }
0x107: {  	[spmem:s2] =	stream.indirect.scatter.add.f32 [tilespmem:s20], [sflag:$0x3], $0x80, s12, s23, $0xb8;
	[tilespmem:$0x1C8C0] =	vst v63  }
0x108: {  	_ =	swait.ge [sflag:s21], $0x4000  }
0x109: {  	[sflag:s21] =	ssyncset.done $0x0  }
0x10a: {  	s12 =	rddreg [dreg:$0xb];
	[sflag:s21] =	ssyncadd.s32 $0xFFFFC000  }
0x10b: {  	[tilespmem:s20], [sflag:$0x1] =	stream.indirect.gather [hbm4b:s1+s23], $0x80, s12, s23, $0xb8;
	[tilespmem:$0x1C8C0] =	vst v63  }
0x10c: {  	_ =	swait.ge [sflag:s26], $0x4000  }
0x10d: {  	[sflag:s26] =	ssyncset.done $0x0  }
0x10e: {  	s12 =	rddreg [dreg:$0xc];
	[sflag:s26] =	ssyncadd.s32 $0xFFFFC000  }
0x10f: {  	[spmem:s2] =	stream.indirect.scatter.add.f32 [tilespmem:s24], [sflag:$0x3], $0x80, s12, s23, $0xb8;
	[tilespmem:$0x1C8C0] =	vst v63  }
0x110: {  	_ =	swait.ge [sflag:s21], $0x4000  }
0x111: {  	[sflag:s21] =	ssyncset.done $0x0  }
0x112: {  	s12 =	rddreg [dreg:$0xd];
	[sflag:s21] =	ssyncadd.s32 $0xFFFFC000  }
0x113: {  	[tilespmem:s24], [sflag:$0x2] =	stream.indirect.gather [hbm4b:s1+s23], $0x80, s12, s23, $0xb8;
	[tilespmem:$0x1C8C0] =	vst v63  }
0x114: {  	_ =	swait.ge [sflag:s25], $0x4000  }
0x115: {  	[sflag:s25] =	ssyncset.done $0x0  }
0x116: {  	s12 =	rddreg [dreg:$0xe];
	[sflag:s25] =	ssyncadd.s32 $0xFFFFC000  }
0x117: {  	[spmem:s2] =	stream.indirect.scatter.add.f32 [tilespmem:s20], [sflag:$0x3], $0x80, s12, s23, $0xb8;
	[tilespmem:$0x1C8C0] =	vst v63  }
0x118: {  	_ =	swait.ge [sflag:s21], $0x4000  }
0x119: {  	[sflag:s21] =	ssyncset.done $0x0  }
0x11a: {  	s12 =	rddreg [dreg:$0xf];
	[sflag:s21] =	ssyncadd.s32 $0xFFFFC000  }
0x11b: {  	[tilespmem:s20], [sflag:$0x1] =	stream.indirect.gather [hbm4b:s1+s23], $0x80, s12, s23, $0xb8;
	[tilespmem:$0x1C8C0] =	vst v63  }
0x11c: {  	_ =	swait.ge [sflag:s26], $0x4000  }
0x11d: {  	[sflag:s26] =	ssyncset.done $0x0  }
0x11e: {  	s12 =	rddreg [dreg:$0x10];
	[sflag:s26] =	ssyncadd.s32 $0xFFFFC000  }
0x11f: {  	[spmem:s2] =	stream.indirect.scatter.add.f32 [tilespmem:s24], [sflag:$0x3], $0x80, s12, s23, $0xb8;
	[tilespmem:$0x1C8C0] =	vst v63  }
0x120: {  	_ =	swait.ge [sflag:s21], $0x4000  }
0x121: {  	[sflag:s21] =	ssyncset.done $0x0  }
0x122: {  	s12 =	rddreg [dreg:$0x11];
	[sflag:s21] =	ssyncadd.s32 $0xFFFFC000  }
0x123: {  	[tilespmem:s24], [sflag:$0x2] =	stream.indirect.gather [hbm4b:s1+s23], $0x80, s12, s23, $0xb8;
	[tilespmem:$0x1C8C0] =	vst v63  }
0x124: {  	_ =	swait.ge [sflag:s25], $0x4000  }
0x125: {  	[sflag:s25] =	ssyncset.done $0x0  }
0x126: {  	s12 =	rddreg [dreg:$0x12];
	[sflag:s25] =	ssyncadd.s32 $0xFFFFC000  }
0x127: {  	[spmem:s2] =	stream.indirect.scatter.add.f32 [tilespmem:s20], [sflag:$0x3], $0x80, s12, s23, $0xb8;
	[tilespmem:$0x1C8C0] =	vst v63  }
0x128: {  	_ =	swait.ge [sflag:s21], $0x4000  }
0x129: {  	[sflag:s21] =	ssyncset.done $0x0  }
0x12a: {  	s12 =	rddreg [dreg:$0x13];
	[sflag:s21] =	ssyncadd.s32 $0xFFFFC000  }
0x12b: {  	[tilespmem:s20], [sflag:$0x1] =	stream.indirect.gather [hbm4b:s1+s23], $0x80, s12, s23, $0xb8;
	[tilespmem:$0x1C8C0] =	vst v63  }
0x12c: {  	_ =	swait.ge [sflag:s26], $0x4000  }
0x12d: {  	[sflag:s26] =	ssyncset.done $0x0  }
0x12e: {  	s12 =	rddreg [dreg:$0x14];
	[sflag:s26] =	ssyncadd.s32 $0xFFFFC000  }
0x12f: {  	[spmem:s2] =	stream.indirect.scatter.add.f32 [tilespmem:s24], [sflag:$0x3], $0x80, s12, s23, $0xb8;
	[tilespmem:$0x1C8C0] =	vst v63  }
0x130: {  	_ =	swait.ge [sflag:s21], $0x4000  }
0x131: {  	[sflag:s21] =	ssyncset.done $0x0  }
0x132: {  	s12 =	rddreg [dreg:$0x15];
	[sflag:s21] =	ssyncadd.s32 $0xFFFFC000  }
0x133: {  	[tilespmem:s24], [sflag:$0x2] =	stream.indirect.gather [hbm4b:s1+s23], $0x80, s12, s23, $0xb8;
	[tilespmem:$0x1C8C0] =	vst v63  }
0x134: {  	_ =	swait.ge [sflag:s25], $0x4000  }
0x135: {  	[sflag:s25] =	ssyncset.done $0x0  }
0x136: {  	[sflag:s25] =	ssyncadd.s32 $0xFFFFC000  }
0x137: {  	[spmem:s2] =	stream.indirect.scatter.add.f32 [tilespmem:s20], [sflag:$0x3], $0x80, s28, s23, $0xb8;
	[tilespmem:$0x1C8C0] =	vst v63  }
0x138: {  	_ =	swait.ge [sflag:s21], $0x4000  }
0x139: {  	[sflag:s21] =	ssyncset.done $0x0  }
0x13a: {  	[sflag:s21] =	ssyncadd.s32 $0xFFFFC000  }
0x13b: {  	[tilespmem:s20], [sflag:$0x1] =	stream.indirect.gather [hbm4b:s1+s23], $0x80, s29, s23, $0xb8;
	[tilespmem:$0x1C8C0] =	vst v63  }
0x13c: {  	_ =	swait.ge [sflag:s26], $0x4000  }
0x13d: {  	[sflag:s26] =	ssyncset.done $0x0  }
0x13e: {  	[sflag:s26] =	ssyncadd.s32 $0xFFFFC000  }
0x13f: {  	[spmem:s2] =	stream.indirect.scatter.add.f32 [tilespmem:s24], [sflag:$0x3], $0x80, s30, s23, $0xb8;
	[tilespmem:$0x1C8C0] =	vst v63  }
0x140: {  	_ =	swait.ge [sflag:s21], $0x4000  }
0x141: {  	[sflag:s21] =	ssyncset.done $0x0  }
0x142: {  	[sflag:s21] =	ssyncadd.s32 $0xFFFFC000  }
0x143: {  	[tilespmem:s24], [sflag:$0x2] =	stream.indirect.gather [hbm4b:s1+s23], $0x80, s31, s23, $0xb8;
	[tilespmem:$0x1C8C0] =	vst v63  }
0x144: {  	_ =	swait.ge [sflag:s25], $0x4000  }
0x145: {  	[sflag:s25] =	ssyncset.done $0x0  }
0x146: {  	[sflag:s25] =	ssyncadd.s32 $0xFFFFC000  }
0x147: {  	[spmem:s2] =	stream.indirect.scatter.add.f32 [tilespmem:s20], [sflag:$0x3], $0x80, s0, s23, $0xb8;
	[tilespmem:$0x1C8C0] =	vst v63  }
0x148: {  	_ =	swait.ge [sflag:s21], $0x4000  }
0x149: {  	[sflag:s21] =	ssyncset.done $0x0  }
0x14a: {  	[sflag:s21] =	ssyncadd.s32 $0xFFFFC000  }
0x14b: {  	[tilespmem:s20], [sflag:$0x1] =	stream.indirect.gather [hbm4b:s1+s23], $0x80, s4, s23, $0xb8;
	[tilespmem:$0x1C8C0] =	vst v63  }
0x14c: {  	_ =	swait.ge [sflag:s26], $0x4000  }
0x14d: {  	[sflag:s26] =	ssyncset.done $0x0  }
0x14e: {  	[sflag:s26] =	ssyncadd.s32 $0xFFFFC000  }
0x14f: {  	[spmem:s2] =	stream.indirect.scatter.add.f32 [tilespmem:s24], [sflag:$0x3], $0x80, s13, s23, $0xb8;
	[tilespmem:$0x1C8C0] =	vst v63  }
0x150: {  	_ =	swait.ge [sflag:s21], $0x4000  }
0x151: {  	[sflag:s21] =	ssyncset.done $0x0  }
0x152: {  	[sflag:s21] =	ssyncadd.s32 $0xFFFFC000  }
0x153: {  	[tilespmem:s24], [sflag:$0x2] =	stream.indirect.gather [hbm4b:s1+s23], $0x80, s14, s23, $0xb8;
	[tilespmem:$0x1C8C0] =	vst v63  }
0x154: {  	_ =	swait.ge [sflag:s25], $0x4000  }
0x155: {  	[sflag:s25] =	ssyncset.done $0x0  }
0x156: {  	[sflag:s25] =	ssyncadd.s32 $0xFFFFC000  }
0x157: {  	[spmem:s2] =	stream.indirect.scatter.add.f32 [tilespmem:s20], [sflag:$0x3], $0x80, s15, s23, $0xb8;
	[tilespmem:$0x1C8C0] =	vst v63  }
0x158: {  	_ =	swait.ge [sflag:s21], $0x4000  }
0x159: {  	[sflag:s21] =	ssyncset.done $0x0  }
0x15a: {  	[sflag:s21] =	ssyncadd.s32 $0xFFFFC000  }
0x15b: {  	[tilespmem:s20], [sflag:$0x1] =	stream.indirect.gather [hbm4b:s1+s23], $0x80, s16, s23, $0xb8;
	[tilespmem:$0x1C8C0] =	vst v63  }
0x15c: {  	_ =	swait.ge [sflag:s26], $0x4000  }
0x15d: {  	[sflag:s26] =	ssyncset.done $0x0  }
0x15e: {  	[sflag:s26] =	ssyncadd.s32 $0xFFFFC000  }
0x15f: {  	[spmem:s2] =	stream.indirect.scatter.add.f32 [tilespmem:s24], [sflag:$0x3], $0x80, s17, s23, $0xb8;
	[tilespmem:$0x1C8C0] =	vst v63  }
0x160: {  	_ =	swait.ge [sflag:s21], $0x4000  }
0x161: {  	[sflag:s21] =	ssyncset.done $0x0  }
0x162: {  	[sflag:s21] =	ssyncadd.s32 $0xFFFFC000  }
0x163: {  	[tilespmem:s24], [sflag:$0x2] =	stream.indirect.gather [hbm4b:s1+s23], $0x80, s18, s23, $0xb8;
	[tilespmem:$0x1C8C0] =	vst v63  }
0x164: {  	_ =	swait.ge [sflag:s25], $0x4000  }
0x165: {  	[sflag:s25] =	ssyncset.done $0x0  }
0x166: {  	[sflag:s25] =	ssyncadd.s32 $0xFFFFC000  }
0x167: {  	[spmem:s2] =	stream.indirect.scatter.add.f32 [tilespmem:s20], [sflag:$0x3], $0x80, s19, s23, $0xb8;
	[tilespmem:$0x1C8C0] =	vst v63  }
0x168: {  	_ =	swait.ge [sflag:s21], $0x4000  }
0x169: {  	[sflag:s21] =	ssyncset.done $0x0  }
0x16a: {  	[sflag:s21] =	ssyncadd.s32 $0xFFFFC000  }
0x16b: {  	p2 =	sne.s32 s11, $0x1;
	_ =	swait.ge [sflag:s26], $0x4000  }
.Ltmp3:
0x16c: {  	[sflag:s26] =	ssyncset.done $0x0;
	(pc) =	sbr.rel @p2 .LBB2_7-.Ltmp3, $4  }
0x16d: {  	[sflag:s26] =	ssyncadd.s32 $0xFFFFC000  }
0x16e: {  	[spmem:s2] =	stream.indirect.scatter.add.f32 [tilespmem:s24], [sflag:$0x3], $0x80, s7, s23, $0xb8;
	[tilespmem:$0x1C8C0] =	vst v63  }
0x16f: {  	_ =	swait.ge [sflag:s21], $0x4000  }
0x170: {  	s11 =	sadd.s32 $0xFFFFFFFF, s11;
	s12 =	rddreg [dreg:$0x5];
	[sflag:s21] =	ssyncset.done $0x0  }
.LBB2_8:
0x171: {  	s5 =	sadd.s32 @p1 $0x800, s5;
	s6 =	smov.u32 s10  }
0x172: {  	s6 =	smov.u32 @p1 s5  }
0x173: {  	s5 =	sshrl.u32 s6, $0x3  }
0x174: {  	[sflag:s21] =	ssyncadd.s32 @p1 $0xFFFFC000;
	s6 =	sadd.s32 s12, s5  }
0x175: {  	[tilespmem:s3], [sflag:$0x3] =	stream.linear.gather [hbm4b:s6+s3], $0x800, $0x38;
	[tilespmem:$0x1C8C0] =	vst v63  }
0x176: {  	_ =	swait.ge [sflag:s21], $0x800  }
0x177: {  	s12 =	rddreg [dreg:$0x6];
	[sflag:s21] =	ssyncset.done $0x0  }
0x178: {  	[sflag:s21] =	ssyncadd.s32 $0xFFFFF800;
	s5 =	sadd.s32 s12, s5  }
0x179: {  	[tilespmem:s22], [sflag:$0x3] =	stream.linear.gather [hbm4b:s5+s3], $0x800, $0x38;
	[tilespmem:$0x1C8C0] =	vst v63  }
0x17a: {  	_ =	swait.ge [sflag:s21], $0x800  }
0x17b: {  	[sflag:s21] =	ssyncset.done $0x0  }
0x17c: {  	[sflag:s21] =	ssyncadd.s32 $0xFFFFF800  }
0x17d: {  	[tilespmem:s20], [sflag:$0x1] =	stream.indirect.gather [hbm4b:s1+s23], $0x80, s3, s23, $0xb8;
	[tilespmem:$0x1C8C0] =	vst v63  }
0x17e: {  	_ = 	snop  }
0x17f: {  	[tilespmem:s24], [sflag:$0x2] =	stream.indirect.gather [hbm4b:s1+s23], $0x80, s23, s23, $0xb8;
	[tilespmem:$0x1C8C0] =	vst v63  }
0x180: {  	_ =	swait.ge [sflag:s25], $0x4000  }
0x181: {  	[sflag:s25] =	ssyncset.done $0x0  }
0x182: {  	[sflag:s25] =	ssyncadd.s32 $0xFFFFC000  }
0x183: {  	[spmem:s2] =	stream.indirect.scatter.add.f32 [tilespmem:s20], [sflag:$0x3], $0x80, s22, s23, $0xb8;
	[tilespmem:$0x1C8C0] =	vst v63  }
0x184: {  	_ =	swait.ge [sflag:s21], $0x4000  }
0x185: {  	[sflag:s21] =	ssyncset.done $0x0  }
0x186: {  	s11 =	rddreg [dreg:$0x7];
	[sflag:s21] =	ssyncadd.s32 $0xFFFFC000  }
0x187: {  	[tilespmem:s20], [sflag:$0x1] =	stream.indirect.gather [hbm4b:s1+s23], $0x80, s11, s23, $0xb8;
	[tilespmem:$0x1C8C0] =	vst v63  }
0x188: {  	_ =	swait.ge [sflag:s26], $0x4000  }
0x189: {  	[sflag:s26] =	ssyncset.done $0x0  }
0x18a: {  	s12 =	rddreg [dreg:$0x8];
	[sflag:s26] =	ssyncadd.s32 $0xFFFFC000  }
0x18b: {  	[spmem:s2] =	stream.indirect.scatter.add.f32 [tilespmem:s24], [sflag:$0x3], $0x80, s12, s23, $0xb8;
	[tilespmem:$0x1C8C0] =	vst v63  }
0x18c: {  	_ =	swait.ge [sflag:s21], $0x4000  }
0x18d: {  	[sflag:s21] =	ssyncset.done $0x0  }
0x18e: {  	s6 =	rddreg [dreg:$0x9];
	[sflag:s21] =	ssyncadd.s32 $0xFFFFC000  }
0x18f: {  	[tilespmem:s24], [sflag:$0x2] =	stream.indirect.gather [hbm4b:s1+s23], $0x80, s6, s23, $0xb8;
	[tilespmem:$0x1C8C0] =	vst v63  }
0x190: {  	_ =	swait.ge [sflag:s25], $0x4000  }
0x191: {  	[sflag:s25] =	ssyncset.done $0x0  }
0x192: {  	s11 =	rddreg [dreg:$0xa];
	[sflag:s25] =	ssyncadd.s32 $0xFFFFC000  }
0x193: {  	[spmem:s2] =	stream.indirect.scatter.add.f32 [tilespmem:s20], [sflag:$0x3], $0x80, s11, s23, $0xb8;
	[tilespmem:$0x1C8C0] =	vst v63  }
0x194: {  	_ =	swait.ge [sflag:s21], $0x4000  }
0x195: {  	[sflag:s21] =	ssyncset.done $0x0  }
0x196: {  	s12 =	rddreg [dreg:$0xb];
	[sflag:s21] =	ssyncadd.s32 $0xFFFFC000  }
0x197: {  	[tilespmem:s20], [sflag:$0x1] =	stream.indirect.gather [hbm4b:s1+s23], $0x80, s12, s23, $0xb8;
	[tilespmem:$0x1C8C0] =	vst v63  }
0x198: {  	_ =	swait.ge [sflag:s26], $0x4000  }
0x199: {  	[sflag:s26] =	ssyncset.done $0x0  }
0x19a: {  	s6 =	rddreg [dreg:$0xc];
	[sflag:s26] =	ssyncadd.s32 $0xFFFFC000  }
0x19b: {  	[spmem:s2] =	stream.indirect.scatter.add.f32 [tilespmem:s24], [sflag:$0x3], $0x80, s6, s23, $0xb8;
	[tilespmem:$0x1C8C0] =	vst v63  }
0x19c: {  	_ =	swait.ge [sflag:s21], $0x4000  }
0x19d: {  	[sflag:s21] =	ssyncset.done $0x0  }
0x19e: {  	s11 =	rddreg [dreg:$0xd];
	[sflag:s21] =	ssyncadd.s32 $0xFFFFC000  }
0x19f: {  	[tilespmem:s24], [sflag:$0x2] =	stream.indirect.gather [hbm4b:s1+s23], $0x80, s11, s23, $0xb8;
	[tilespmem:$0x1C8C0] =	vst v63  }
0x1a0: {  	_ =	swait.ge [sflag:s25], $0x4000  }
0x1a1: {  	[sflag:s25] =	ssyncset.done $0x0  }
0x1a2: {  	s12 =	rddreg [dreg:$0xe];
	[sflag:s25] =	ssyncadd.s32 $0xFFFFC000  }
0x1a3: {  	[spmem:s2] =	stream.indirect.scatter.add.f32 [tilespmem:s20], [sflag:$0x3], $0x80, s12, s23, $0xb8;
	[tilespmem:$0x1C8C0] =	vst v63  }
0x1a4: {  	_ =	swait.ge [sflag:s21], $0x4000  }
0x1a5: {  	[sflag:s21] =	ssyncset.done $0x0  }
0x1a6: {  	s6 =	rddreg [dreg:$0xf];
	[sflag:s21] =	ssyncadd.s32 $0xFFFFC000  }
0x1a7: {  	[tilespmem:s20], [sflag:$0x1] =	stream.indirect.gather [hbm4b:s1+s23], $0x80, s6, s23, $0xb8;
	[tilespmem:$0x1C8C0] =	vst v63  }
0x1a8: {  	_ =	swait.ge [sflag:s26], $0x4000  }
0x1a9: {  	[sflag:s26] =	ssyncset.done $0x0  }
0x1aa: {  	s11 =	rddreg [dreg:$0x10];
	[sflag:s26] =	ssyncadd.s32 $0xFFFFC000  }
0x1ab: {  	[spmem:s2] =	stream.indirect.scatter.add.f32 [tilespmem:s24], [sflag:$0x3], $0x80, s11, s23, $0xb8;
	[tilespmem:$0x1C8C0] =	vst v63  }
0x1ac: {  	_ =	swait.ge [sflag:s21], $0x4000  }
0x1ad: {  	[sflag:s21] =	ssyncset.done $0x0  }
0x1ae: {  	s12 =	rddreg [dreg:$0x11];
	[sflag:s21] =	ssyncadd.s32 $0xFFFFC000  }
0x1af: {  	[tilespmem:s24], [sflag:$0x2] =	stream.indirect.gather [hbm4b:s1+s23], $0x80, s12, s23, $0xb8;
	[tilespmem:$0x1C8C0] =	vst v63  }
0x1b0: {  	_ =	swait.ge [sflag:s25], $0x4000  }
0x1b1: {  	[sflag:s25] =	ssyncset.done $0x0  }
0x1b2: {  	s6 =	rddreg [dreg:$0x12];
	[sflag:s25] =	ssyncadd.s32 $0xFFFFC000  }
0x1b3: {  	[spmem:s2] =	stream.indirect.scatter.add.f32 [tilespmem:s20], [sflag:$0x3], $0x80, s6, s23, $0xb8;
	[tilespmem:$0x1C8C0] =	vst v63  }
0x1b4: {  	_ =	swait.ge [sflag:s21], $0x4000  }
0x1b5: {  	[sflag:s21] =	ssyncset.done $0x0  }
0x1b6: {  	s11 =	rddreg [dreg:$0x13];
	[sflag:s21] =	ssyncadd.s32 $0xFFFFC000  }
0x1b7: {  	[tilespmem:s20], [sflag:$0x1] =	stream.indirect.gather [hbm4b:s1+s23], $0x80, s11, s23, $0xb8;
	[tilespmem:$0x1C8C0] =	vst v63  }
0x1b8: {  	_ =	swait.ge [sflag:s26], $0x4000  }
0x1b9: {  	[sflag:s26] =	ssyncset.done $0x0  }
0x1ba: {  	s12 =	rddreg [dreg:$0x14];
	[sflag:s26] =	ssyncadd.s32 $0xFFFFC000  }
0x1bb: {  	[spmem:s2] =	stream.indirect.scatter.add.f32 [tilespmem:s24], [sflag:$0x3], $0x80, s12, s23, $0xb8;
	[tilespmem:$0x1C8C0] =	vst v63  }
0x1bc: {  	_ =	swait.ge [sflag:s21], $0x4000  }
0x1bd: {  	[sflag:s21] =	ssyncset.done $0x0  }
0x1be: {  	s6 =	rddreg [dreg:$0x15];
	[sflag:s21] =	ssyncadd.s32 $0xFFFFC000  }
0x1bf: {  	[tilespmem:s24], [sflag:$0x2] =	stream.indirect.gather [hbm4b:s1+s23], $0x80, s6, s23, $0xb8;
	[tilespmem:$0x1C8C0] =	vst v63  }
0x1c0: {  	_ =	swait.ge [sflag:s25], $0x4000  }
0x1c1: {  	[sflag:s25] =	ssyncset.done $0x0  }
0x1c2: {  	[sflag:s25] =	ssyncadd.s32 $0xFFFFC000  }
0x1c3: {  	[spmem:s2] =	stream.indirect.scatter.add.f32 [tilespmem:s20], [sflag:$0x3], $0x80, s28, s23, $0xb8;
	[tilespmem:$0x1C8C0] =	vst v63  }
0x1c4: {  	_ =	swait.ge [sflag:s21], $0x4000  }
0x1c5: {  	[sflag:s21] =	ssyncset.done $0x0  }
0x1c6: {  	[sflag:s21] =	ssyncadd.s32 $0xFFFFC000  }
0x1c7: {  	[tilespmem:s20], [sflag:$0x1] =	stream.indirect.gather [hbm4b:s1+s23], $0x80, s29, s23, $0xb8;
	[tilespmem:$0x1C8C0] =	vst v63  }
0x1c8: {  	_ =	swait.ge [sflag:s26], $0x4000  }
0x1c9: {  	[sflag:s26] =	ssyncset.done $0x0  }
0x1ca: {  	[sflag:s26] =	ssyncadd.s32 $0xFFFFC000  }
0x1cb: {  	[spmem:s2] =	stream.indirect.scatter.add.f32 [tilespmem:s24], [sflag:$0x3], $0x80, s30, s23, $0xb8;
	[tilespmem:$0x1C8C0] =	vst v63  }
0x1cc: {  	_ =	swait.ge [sflag:s21], $0x4000  }
0x1cd: {  	[sflag:s21] =	ssyncset.done $0x0  }
0x1ce: {  	[sflag:s21] =	ssyncadd.s32 $0xFFFFC000  }
0x1cf: {  	[tilespmem:s24], [sflag:$0x2] =	stream.indirect.gather [hbm4b:s1+s23], $0x80, s31, s23, $0xb8;
	[tilespmem:$0x1C8C0] =	vst v63  }
0x1d0: {  	_ =	swait.ge [sflag:s25], $0x4000  }
0x1d1: {  	[sflag:s25] =	ssyncset.done $0x0  }
0x1d2: {  	[sflag:s25] =	ssyncadd.s32 $0xFFFFC000  }
0x1d3: {  	[spmem:s2] =	stream.indirect.scatter.add.f32 [tilespmem:s20], [sflag:$0x3], $0x80, s0, s23, $0xb8;
	[tilespmem:$0x1C8C0] =	vst v63  }
0x1d4: {  	_ =	swait.ge [sflag:s21], $0x4000  }
0x1d5: {  	[sflag:s21] =	ssyncset.done $0x0  }
0x1d6: {  	[sflag:s21] =	ssyncadd.s32 $0xFFFFC000  }
0x1d7: {  	[tilespmem:s20], [sflag:$0x1] =	stream.indirect.gather [hbm4b:s1+s23], $0x80, s4, s23, $0xb8;
	[tilespmem:$0x1C8C0] =	vst v63  }
0x1d8: {  	_ =	swait.ge [sflag:s26], $0x4000  }
0x1d9: {  	[sflag:s26] =	ssyncset.done $0x0  }
0x1da: {  	[sflag:s26] =	ssyncadd.s32 $0xFFFFC000  }
0x1db: {  	[spmem:s2] =	stream.indirect.scatter.add.f32 [tilespmem:s24], [sflag:$0x3], $0x80, s13, s23, $0xb8;
	[tilespmem:$0x1C8C0] =	vst v63  }
0x1dc: {  	_ =	swait.ge [sflag:s21], $0x4000  }
0x1dd: {  	[sflag:s21] =	ssyncset.done $0x0  }
0x1de: {  	[sflag:s21] =	ssyncadd.s32 $0xFFFFC000  }
0x1df: {  	[tilespmem:s24], [sflag:$0x2] =	stream.indirect.gather [hbm4b:s1+s23], $0x80, s14, s23, $0xb8;
	[tilespmem:$0x1C8C0] =	vst v63  }
0x1e0: {  	_ =	swait.ge [sflag:s25], $0x4000  }
0x1e1: {  	[sflag:s25] =	ssyncset.done $0x0  }
0x1e2: {  	[sflag:s25] =	ssyncadd.s32 $0xFFFFC000  }
0x1e3: {  	[spmem:s2] =	stream.indirect.scatter.add.f32 [tilespmem:s20], [sflag:$0x3], $0x80, s15, s23, $0xb8;
	[tilespmem:$0x1C8C0] =	vst v63  }
0x1e4: {  	_ =	swait.ge [sflag:s21], $0x4000  }
0x1e5: {  	[sflag:s21] =	ssyncset.done $0x0  }
0x1e6: {  	[sflag:s21] =	ssyncadd.s32 $0xFFFFC000  }
0x1e7: {  	[tilespmem:s20], [sflag:$0x1] =	stream.indirect.gather [hbm4b:s1+s23], $0x80, s16, s23, $0xb8;
	[tilespmem:$0x1C8C0] =	vst v63  }
0x1e8: {  	_ =	swait.ge [sflag:s26], $0x4000  }
0x1e9: {  	[sflag:s26] =	ssyncset.done $0x0  }
0x1ea: {  	[sflag:s26] =	ssyncadd.s32 $0xFFFFC000  }
0x1eb: {  	[spmem:s2] =	stream.indirect.scatter.add.f32 [tilespmem:s24], [sflag:$0x3], $0x80, s17, s23, $0xb8;
	[tilespmem:$0x1C8C0] =	vst v63  }
0x1ec: {  	_ =	swait.ge [sflag:s21], $0x4000  }
0x1ed: {  	[sflag:s21] =	ssyncset.done $0x0  }
0x1ee: {  	[sflag:s21] =	ssyncadd.s32 $0xFFFFC000  }
0x1ef: {  	[tilespmem:s24], [sflag:$0x2] =	stream.indirect.gather [hbm4b:s1+s23], $0x80, s18, s23, $0xb8;
	[tilespmem:$0x1C8C0] =	vst v63  }
0x1f0: {  	_ =	swait.ge [sflag:s25], $0x4000  }
0x1f1: {  	[sflag:s25] =	ssyncset.done $0x0  }
0x1f2: {  	[sflag:s25] =	ssyncadd.s32 $0xFFFFC000  }
0x1f3: {  	[spmem:s2] =	stream.indirect.scatter.add.f32 [tilespmem:s20], [sflag:$0x3], $0x80, s19, s23, $0xb8;
	[tilespmem:$0x1C8C0] =	vst v63  }
0x1f4: {  	_ =	swait.ge [sflag:s21], $0x4000  }
0x1f5: {  	[sflag:s21] =	ssyncset.done $0x0  }
0x1f6: {  	[sflag:s21] =	ssyncadd.s32 $0xFFFFC000  }
0x1f7: {  	_ =	swait.ge [sflag:s26], $0x4000  }
0x1f8: {  	[sflag:s26] =	ssyncset.done $0x0  }
0x1f9: {  	[sflag:s26] =	ssyncadd.s32 $0xFFFFC000  }
0x1fa: {  	[spmem:s2] =	stream.indirect.scatter.add.f32 [tilespmem:s24], [sflag:$0x3], $0x80, s7, s23, $0xb8;
	[tilespmem:$0x1C8C0] =	vst v63  }
0x1fb: {  	_ =	swait.ge [sflag:s21], $0x4000  }
0x1fc: {  	[sflag:s21] =	ssyncset.done $0x0  }
0x1fd: {  	[sflag:s21] =	ssyncadd.s32 $0xFFFFC000  }
0x1fe: {  	s11 =	stileid.u32;
	[bflag:$0x0] =	sbarrier.arrive $0xFFFF  }
0x1ff: {  	s5 =	sshll.u32 s11, $0x6;
	s12 =	rddreg [dreg:$0x17]  }
0x200: {  	s5 =	sor.u32 $0x1C03, s5;
	s11 =	rddreg [dreg:$0x1d];
	s6 =	sshrl.u32 s12, $0x3  }
0x201: {  	[hbm:s11], [sflag:s5] =	dma.local [spmem:s6], $0x800  }
0x202: {  	_ =	swait.ge [sflag:s21], $0x800  }
0x203: {  	[sflag:s21] =	ssyncset.done $0x0;
	s11 =	rddreg [dreg:$0x18]  }
0x204: {  	s12 =	rddreg [dreg:$0x1e];
	[sflag:s21] =	ssyncadd.s32 $0xFFFFF800;
	s6 =	sshrl.u32 s11, $0x3  }
0x205: {  	[hbm:s12], [sflag:s5] =	dma.local [spmem:s6], $0x800  }
0x206: {  	_ =	swait.ge [sflag:s21], $0x800  }
0x207: {  	[sflag:s21] =	ssyncset.done $0x0;
	s11 =	rddreg [dreg:$0x19]  }
0x208: {  	s12 =	rddreg [dreg:$0x1f];
	[sflag:s21] =	ssyncadd.s32 $0xFFFFF800;
	s6 =	sshrl.u32 s11, $0x3  }
0x209: {  	[hbm:s12], [sflag:s5] =	dma.local [spmem:s6], $0x800  }
0x20a: {  	_ =	swait.ge [sflag:s21], $0x800  }
0x20b: {  	s12 =	sld [smem:$0x7FA]  }
0x20c: {  	[sflag:s21] =	ssyncset.done $0x0;
	s11 =	rddreg [dreg:$0x1a]  }
0x20d: {  	[sflag:s21] =	ssyncadd.s32 $0xFFFFF800;
	s6 =	sshrl.u32 s11, $0x3  }
0x20e: {  	[hbm:s12], [sflag:s5] =	dma.local [spmem:s6], $0x800  }
0x20f: {  	_ =	swait.ge [sflag:s21], $0x800  }
0x210: {  	s12 =	sld [smem:$0x7FB]  }
0x211: {  	[sflag:s21] =	ssyncset.done $0x0;
	s11 =	rddreg [dreg:$0x1b]  }
0x212: {  	[sflag:s21] =	ssyncadd.s32 $0xFFFFF800;
	s6 =	sshrl.u32 s11, $0x3  }
0x213: {  	[hbm:s12], [sflag:s5] =	dma.local [spmem:s6], $0x700  }
0x214: {  	_ =	swait.ge [sflag:s21], $0x700  }
0x215: {  	s11 =	sld [smem:$0x7FC]  }
0x216: {  	[sflag:s21] =	ssyncset.done $0x0;
	s6 =	rddreg [dreg:$0x1c]  }
0x217: {  	[sflag:s21] =	ssyncadd.s32 $0xFFFFF900;
	s6 =	sshrl.u32 @!p0 s6, $0x3  }
0x218: {  	[hbm:s11], [sflag:s5] =	dma.local @!p0 [spmem:s6], $0x100  }
0x219: {  	_ =	swait.ge @!p0 [sflag:s9], $0x100  }
0x21a: {  	s12 =	sld [smem:$0x7FD];
	_ =	sdelay $0x1  }
0x21b: {  	s8 =	sadd.s32 $0x1, s8  }
0x21c: {  	p1 =	sne.s32 s8, s12  }
.Ltmp4:
0x21d: {  	_ = 	snop;
	(pc) =	sbr.rel @p1 .LBB2_1-.Ltmp4, $4  }
.Ltmp5:
0x21e: {  	_ = 	snop;
	(pc) =	sbr.rel @!p1 .LBB2_9-.Ltmp5, $4  }
0x21f: {  	_ = 	snop  }
0x220: {  	[sflag:s9] =	ssyncset.done @!p0 $0x0  }
0x221: {  	[sflag:s9] =	ssyncadd.s32 @!p0 $0xFFFFFF00  }
0x222: {  	_ = 	snop  }
.LBB2_4:
.Ltmp6:
0x223: {  	(pc) =	sbr.rel .LBB2_8-.Ltmp6, $2  }
0x224: {  	_ =	sdelay $0x2  }
0x225: {  	s5 =	smov.u32 s10  }
.LBB2_6:
.Ltmp7:
0x226: {  	(pc) =	sbr.rel .LBB2_8-.Ltmp7, $2  }
0x227: {  	_ =	sdelay $0x2  }
0x228: {  	s5 =	smov.u32 s10  }
.LBB2_9:
0x229: {  	_ =	sfence.sel $0x180000  }
0x22a: {  	[bflag:$0x0] =	sbarrier.arrive $0xFFFF  }
0x22b: {  	_ =	strace $0x9000004A  }
0x22c: {  	s0 =	stileid.u32;
	[bflag:$0x2] =	sbarrier.arrive $0xFFFF  }
0x22d: {  	p0 =	sne.s32 s0, $0x0;
	s0 =	rddreg [dreg:$0x4]  }
0x22e: {  	s0 =	sadd.s32 @!p0 $0x100000, s0  }
0x22f: {  	[sflag:s0] =	ssyncadd.tile.s32 @!p0 $0x1;
	_ =	shalt  }
.Lfunc_end2:
_tile_overlayer_lowered:
.L_overlay_start_2:
0x230: {  	(tag) =	ssettag $0x2  }
0x231: {  	s0 =	rddreg [dreg:$0x0];
	s2 =	stileid.u32  }
0x232: {  	s1 =	rddreg [dreg:$0x1];
	p0 =	sne.s32 s2, $0x0  }
0x233: {  	s3 =	rddreg [dreg:$0x2];
	[bflag:$0x3] =	sbarrier.arrive $0xFFFF;
	s2 =	simm.s32 @!p0 $0x1C03  }
0x234: {  	[timem:s3], [sflag:s2] =	dma.local @!p0 [hbm:s0], s1  }
0x235: {  	s0 =	simm.s32 @!p0 $0x3  }
0x236: {  	_ =	swait.ge @!p0 [sflag:s0], s1  }
0x237: {  	s1 =	ssub.s32 @!p0 $0x0, s1;
	[sflag:s0] =	ssyncset.done @!p0 $0x0  }
0x238: {  	[sflag:s0] =	ssyncadd.s32 @!p0 s1  }
0x239: {  	[bflag:$0x3] =	sbarrier.arrive $0xFFFF  }
0x23a: {  	_ =	shalt  }

// kernel: kernel.13.cloned.1.call-start
scs
__scs_entry_jumppad:
0x0: {  	(pc) =	sbr.rel $0x88, $3  }
0x1: {  	(tag) =	ssettag $0x0;
	lr =	simm.s32 $0x1  }
0x2: {  	[smem:$0x3F99] =	sst lr;
	_ =	strace $0xD0000000  }
0x3: {  	_ = 	snop  }
0x4: {  	_ = 	snop  }
0x5: {  	_ = 	snop  }
0x6: {  	_ = 	snop  }
0x7: {  	_ = 	snop  }
__scs_overlays_trampoline_lowered:
0x8: {  	[smem:$0x3FA8] =	sst s0  }
0x9: {  	[smem:$0x3FA9] =	sst s1  }
0xa: {  	[smem:$0x3FAA] =	sst s2  }
0xb: {  	[smem:$0x3FAB] =	sst s3  }
0xc: {  	[smem:$0x3FAC] =	sst s4  }
0xd: {  	[smem:$0x3FAD] =	sst s5  }
0xe: {  	[smem:$0x3FAE] =	sst s6  }
0xf: {  	[smem:$0x3FAF] =	sst s7  }
0x10: {  	[smem:$0x3FB0] =	sst s8  }
0x11: {  	[smem:$0x3FB1] =	sst s9;
	s0 =	simm.s32 @!p0 $0x0  }
0x12: {  	s1 =	sld [smem:$0x3F97];
	s0 =	simm.s32 @p0 $0x1  }
0x13: {  	[smem:$0x3FB2] =	sst s0;
	s0 =	simm.s32 @!p1 $0x0  }
0x14: {  	s2 =	sld [smem:$0x3F96];
	s0 =	simm.s32 @p1 $0x1  }
0x15: {  	[smem:$0x3FB3] =	sst s0;
	s0 =	simm.s32 @!p2 $0x0  }
0x16: {  	s3 =	sld [smem:$0x3FDB];
	s0 =	simm.s32 @p2 $0x1  }
0x17: {  	s4 =	simm.s32 $0x1BF5;
	[smem:$0x3FB5] =	sst s0  }
0x18: {  	s0 =	sld [smem:$0x3F98];
	_ =	swait.ge [sflag:s4], $0x0  }
0x19: {  	s7 =	sld [smem:$0x3F99]  }
0x1a: {  	s8 =	sadd.s32 $0xFFFFE003, lr  }
0x1b: {  	s9 =	sadd.s32 $0xFFFFFEF7, lr;
	s5 =	simm.s32 $0xFFFFFFFF;
	p2 =	slt.u32 s8, $0xFFFFF086  }
0x1c: {  	p1 =	slt.u32 s9, $0xF7A;
	s5 =	simm.s32 @!p2 $0x0  }
0x1d: {  	s5 =	simm.s32 @p1 $0x1;
	p0 =	seq.s32 s7, s2  }
0x1e: {  	s7 =	smul.u32 @!p0 $0xF7A, s2;
	p2 =	seq.s32 @!p0 s5, $0x0  }
0x1f: {  	s9 =	smul.u32 $0xF7A, s1;
	s8 =	simm.s32 @!p0 $0x1BF5;
	p2 =	por !p2, p0  }
0x20: {  	[sflag:s8] =	ssyncset.s32 @!p0 $0xFFFFF086;
	s6 =	sadd.s32 @!p0 s3, s7;
	s7 =	simm.s32 @!p0 $0x108  }
0x21: {  	s3 =	sadd.s32 s3, s9;
	s6 =	sadd.s32 @!p0 $0x88, s6;
	s7 =	simm.s32 @p2 $0x1082  }
0x22: {  	[simem:s7], [sflag:s8] =	dma.local @!p0 [hbm:s6], $0xF7A  }
0x23: {  	s9 =	sor.u32 $0xD0000000, s2;
	s6 =	simm.s32 $0x108;
	_ =	swait.ge @!p0 [sflag:s8], $0x0  }
0x24: {  	s3 =	sadd.s32 $0x88, s3;
	s6 =	simm.s32 @!p1 $0x1082;
	[sflag:s4] =	ssyncset.s32 $0xFFFFF086  }
0x25: {  	[simem:s6], [sflag:s4] =	dma.local [hbm:s3], $0xF7A  }
0x26: {  	[smem:$0x3F99] =	sst s1;
	(tag) =	ssettag s2;
	_ =	strace s9  }
0x27: {  	s1 =	sld [smem:$0x3FA9]  }
0x28: {  	s2 =	sld [smem:$0x3FAA]  }
0x29: {  	s4 =	sld [smem:$0x3FAC]  }
0x2a: {  	p0 =	seq.s32 s5, $0x0;
	s5 =	sld [smem:$0x3FAD]  }
0x2b: {  	s6 =	sld [smem:$0x3FAE]  }
0x2c: {  	s7 =	sld [smem:$0x3FAF]  }
0x2d: {  	s3 =	simm.s32 $0x108;
	s8 =	sld [smem:$0x3FB0]  }
0x2e: {  	s3 =	simm.s32 @!p0 $0x1082;
	s9 =	sld [smem:$0x3FB1]  }
0x2f: {  	lr =	sadd.s32 s0, s3;
	s0 =	sld [smem:$0x3FA8]  }
0x30: {  	s3 =	sld [smem:$0x3FAB]  }
0x31: {  	[smem:$0x3FB4] =	sst s10  }
0x32: {  	s10 =	sld [smem:$0x3FB2];
	_ =	sdelay $0x3  }
0x33: {  	p0 =	seq.s32 s10, $0x1;
	s10 =	sld [smem:$0x3FB4];
	_ =	sdelay $0x3  }
0x34: {  	[smem:$0x3FB4] =	sst s10  }
0x35: {  	s10 =	sld [smem:$0x3FB3];
	_ =	sdelay $0x3  }
0x36: {  	p1 =	seq.s32 s10, $0x1;
	s10 =	sld [smem:$0x3FB4];
	_ =	sdelay $0x3  }
0x37: {  	[smem:$0x3FB4] =	sst s10  }
0x38: {  	s10 =	sld [smem:$0x3FB5]  }
0x39: {  	_ = 	snop;
	(pc) =	sbr.ind lr, $3  }
0x3a: {  	_ = 	snop  }
0x3b: {  	_ = 	snop  }
0x3c: {  	p2 =	seq.s32 s10, $0x1;
	s10 =	sld [smem:$0x3FB4]  }
0x3d: {  	_ =	shalt  }
0x3e: {  	_ =	shalt  }
0x3f: {  	_ =	shalt  }
0x40: {  	_ =	shalt  }
0x41: {  	_ =	shalt  }
0x42: {  	_ =	shalt  }
0x43: {  	_ =	shalt  }
0x44: {  	_ =	shalt  }
0x45: {  	_ =	shalt  }
0x46: {  	_ =	shalt  }
0x47: {  	_ =	shalt  }
0x48: {  	_ =	shalt  }
0x49: {  	_ =	shalt  }
0x4a: {  	_ =	shalt  }
0x4b: {  	_ =	shalt  }
0x4c: {  	_ =	shalt  }
0x4d: {  	_ =	shalt  }
0x4e: {  	_ =	shalt  }
0x4f: {  	_ =	shalt  }
0x50: {  	_ =	shalt  }
0x51: {  	_ =	shalt  }
0x52: {  	_ =	shalt  }
0x53: {  	_ =	shalt  }
0x54: {  	_ =	shalt  }
0x55: {  	_ =	shalt  }
0x56: {  	_ =	shalt  }
0x57: {  	_ =	shalt  }
0x58: {  	_ =	shalt  }
0x59: {  	_ =	shalt  }
0x5a: {  	_ =	shalt  }
0x5b: {  	_ =	shalt  }
0x5c: {  	_ =	shalt  }
0x5d: {  	_ =	shalt  }
0x5e: {  	_ =	shalt  }
0x5f: {  	_ =	shalt  }
0x60: {  	_ =	shalt  }
0x61: {  	_ =	shalt  }
0x62: {  	_ =	shalt  }
0x63: {  	_ =	shalt  }
0x64: {  	_ =	shalt  }
0x65: {  	_ =	shalt  }
0x66: {  	_ =	shalt  }
0x67: {  	_ =	shalt  }
0x68: {  	_ =	shalt  }
0x69: {  	_ =	shalt  }
0x6a: {  	_ =	shalt  }
0x6b: {  	_ =	shalt  }
0x6c: {  	_ =	shalt  }
0x6d: {  	_ =	shalt  }
0x6e: {  	_ =	shalt  }
0x6f: {  	_ =	shalt  }
0x70: {  	_ =	shalt  }
0x71: {  	_ =	shalt  }
0x72: {  	_ =	shalt  }
0x73: {  	_ =	shalt  }
0x74: {  	_ =	shalt  }
0x75: {  	_ =	shalt  }
0x76: {  	_ =	shalt  }
0x77: {  	_ =	shalt  }
0x78: {  	_ =	shalt  }
0x79: {  	_ =	shalt  }
0x7a: {  	_ =	shalt  }
0x7b: {  	_ =	shalt  }
0x7c: {  	_ =	shalt  }
0x7d: {  	_ =	shalt  }
0x7e: {  	_ =	shalt  }
0x7f: {  	_ =	shalt  }
0x80: {  	_ =	shalt  }
0x81: {  	_ =	shalt  }
0x82: {  	_ =	shalt  }
0x83: {  	_ =	shalt  }
0x84: {  	_ =	shalt  }
0x85: {  	_ =	shalt  }
0x86: {  	_ =	shalt  }
0x87: {  	_ =	shalt  }
.Lfunc_end0:
.L_simem_size_0:
called_computation.2_lowered:
.L_overlay_start_0:
0x88: {  	s2 =	sld [smem:$0x3FD9]  }
0x89: {  	s3 =	sld [smem:$0x3FFE];
	_ =	sdelay $0x1  }
0x8a: {  	s1 =	srdreg.scid  }
0x8b: {  	s0 =	sand.u32 $0x1, s1  }
0x8c: {  	s17 =	sshll.u32 s0, $0xA;
	s2 =	sadd.s32 s3, s2  }
0x8d: {  	s2 =	sadd.s32 s2, s17  }
0x8e: {  	[smem:$0x3FC0] =	sst s2  }
0x8f: {  	_ = 	snop  }
0x90: {  	s2 =	sld [smem:$0x3FD0];
	(tm) =	ssettm $0x1  }
0x91: {  	s18 =	sld [smem:$0x3FFB];
	_ =	sdelay $0x3  }
0x92: {  	_ =	strace s18  }
0x93: {  	s3 =	sld [smem:$0x3FFC];
	_ =	sdelay $0x3  }
0x94: {  	_ =	strace s3  }
0x95: {  	s3 =	sld [smem:$0x3FFD];
	_ =	sdelay $0x3  }
0x96: {  	_ =	strace s3  }
0x97: {  	_ =	strace $0x8FFFFFFF  }
0x98: {  	s19 =	sld [smem:$0x3FDB];
	_ =	sdelay $0x1  }
0x99: {  	s4 =	simm.s32 $_scs_section_size  }
0x9a: {  	s5 =	simm.s32 $_size__tile_overlayer_lowered;
	s6 =	simm.s32 $_tile_overlayer_lowered  }
0x9b: {  	s22 =	simm.s32 $0x1BFF;
	s21 =	sshll.u32 s6, $0x1;
	s3 =	sadd.s32 s4, s19  }
0x9c: {  	s7 =	simm.s32 $0x0;
	s20 =	sshll.u32 s5, $0x1;
	s5 =	sadd.s32 s21, s3  }
0x9d: {  	[timem:s7], [sflag:s22] =	dma.local [hbm:s5], s20  }
0x9e: {  	_ =	swait.ge [sflag:s22], s20  }
0x9f: {  	s4 =	ssub.s32 $0x0, s20;
	[sflag:s22] =	ssyncset.done $0x0  }
0xa0: {  	[sflag:s22] =	ssyncadd.s32 s4;
	_ =	sdelay $0x1  }
0xa1: {  	s23 =	simm.s32 $0x1B8B  }
0xa2: {  	_ =	swait.ge [sflag:s23], $0x1  }
0xa3: {  	[sflag:s23] =	ssyncset.done $0x0  }
0xa4: {  	s25 =	simm.s32 $0x1B8E;
	s24 =	sld [smem:$0x3FFE];
	[sflag:s23] =	ssyncadd.s32 $0xFFFFFFFF  }
0xa5: {  	s26 =	simm.s32 $execute0_lowered;
	[smem:$0x3FD2] =	sst s25  }
0xa6: {  	s5 =	sshll.u32 s26, $0x1;
	_ =	strace $0x8000004C;
	[dreg:$0x1] =	wrdreg $0xFFFFFFFF  }
0xa7: {  	s28 =	simm.s32 $_size_execute0_lowered;
	s3 =	sadd.s32 s3, s5;
	[dreg:$0x0] =	wrdreg $0x0  }
0xa8: {  	s5 =	sshll.u32 s28, $0x1;
	[dreg:$0x2] =	wrdreg s3  }
0xa9: {  	[dreg:$0x3] =	wrdreg s5  }
0xaa: {  	[dreg:$0x4] =	wrdreg $0xC0  }
0xab: {  	_ =	task [dreg:s7], $0x5FFFF  }
0xac: {  	[dreg:$0x1] =	wrdreg $0xFFFFFFFF  }
0xad: {  	[dreg:$0x0] =	wrdreg $0x60  }
0xae: {  	[dreg:$0x2] =	wrdreg s24  }
0xaf: {  	[dreg:$0x3] =	wrdreg s2  }
0xb0: {  	[dreg:$0x4] =	wrdreg $0x90000  }
0xb1: {  	[dreg:$0x5] =	wrdreg $0x9  }
0xb2: {  	_ =	task.clear_ibuf [dreg:s7], $0x6FFFF;
	_ =	strace $0x9000004C  }
0xb3: {  	s29 =	simm.s32 $0x9;
	_ =	strace $0x8000004E  }
0xb4: {  	_ =	swait.ge [sflag:s29], $0x1  }
0xb5: {  	[sflag:s29] =	ssyncadd.s32 $0xFFFFFFFF  }
0xb6: {  	_ =	strace $0x9000004E  }
0xb7: {  	_ =	sfence  }
0xb8: {  	s30 =	sld [smem:$0x0];
	_ =	sdelay $0x2  }
0xb9: {  	s31 =	sshll.u32 s1, $0xD;
	s1 =	sshrl.u32 s1, $0x2  }
0xba: {  	s3 =	sand.u32 $0x4000, s31;
	s1 =	sadd.s32 s1, s30  }
0xbb: {  	s0 =	sor.u32 s3, s0;
	s1 =	sshll.u32 s1, $0x11  }
0xbc: {  	s0 =	sor.u32 s1, s0  }
0xbd: {  	s0 =	sadd.s32 $0x8F2B, s0  }
0xbe: {  	[sflag:s0] =	ssyncadd.remote.s32 $0x1  }
0xbf: {  	_ =	sfence.sel $0xFFFF  }
0xc0: {  	[dreg:$0x0] =	wrdreg $0xFFFFFFFF;
	(pc) =	sbr.abs _section_cstart, $3  }
0xc1: {  	[dreg:$0x1] =	wrdreg $0xFFFFFFFF  }
0xc2: {  	_ =	task.clear_ibuf [dreg:s7], $0x2FFFF;
	_ =	strace $0x9FFFFFFF  }
0xc3: {  	(tm) =	ssettm $0x7FFFFFFF  }
tec
execute0_lowered:
.L_overlay_start_1:
0x0: {  	(tag) =	ssettag $0x1  }
0x1: {  	s4 =	rddreg [dreg:$0x0]  }
0x2: {  	s0 =	rddreg [dreg:$0x1]  }
0x3: {  	s1 =	rddreg [dreg:$0x2];
	s2 =	simm.s32 $0x0  }
0x4: {  	s3 =	srdreg.scid;
	s13 =	stileid.u32;
	s28 =	simm.s32 $0xC00  }
0x5: {  	s29 =	simm.s32 $0x500;
	s30 =	simm.s32 $0xC80;
	s31 =	simm.s32 $0x580  }
0x6: {  	[smem:$0x7FF] =	sst s2;
	s5 =	sand.u32 $0x1, s3;
	s3 =	sadd.s32 $0x16600, s4  }
0x7: {  	s6 =	sadd.s32 $0xC600, s4;
	s4 =	sadd.s32 $0x2600, s4;
	s26 =	smul.u32 $0x4E000, s13  }
0x8: {  	s25 =	sshll.u32 s13, $0xC;
	s8 =	sshll.u32 s13, $0xE;
	s9 =	smul.u32 $0x13800, s13  }
0x9: {  	s19 =	sadd.s32 $0x138000, s1;
	_ =	strace $0x8000004D;
	[dreg:$0x4] =	wrdreg s6  }
0xa: {  	s7 =	ssub.s32 $0x2, s5;
	[dreg:$0x5] =	wrdreg s4;
	p0 =	seq.s32 s5, $0x0  }
0xb: {  	s10 =	sor.u32 $0x40000, s25;
	s6 =	simm.s32 $0x8;
	s5 =	smul.u32 $0x138800, s5  }
0xc: {  	[dreg:$0x1b] =	wrdreg s19;
	s19 =	simm.s32 $0xA00;
	s24 =	sshrl.u32 s7, $0x1  }
0xd: {  	s10 =	smov.u32 @p0 s8;
	s6 =	simm.s32 @!p0 $0x2;
	s8 =	sadd.s32 $0x4000, s9  }
0xe: {  	s15 =	sadd.s32 $0x8000, s9;
	s11 =	sadd.s32 $0xC000, s9;
	s12 =	sadd.s32 $0x10000, s9  }
0xf: {  	[dreg:$0xd] =	wrdreg s19;
	p0 =	sne.s32 s13, $0xF;
	s13 =	simm.s32 $0xD80  }
0x10: {  	s19 =	simm.s32 $0xF00;
	[dreg:$0x15] =	wrdreg s6;
	s14 =	sadd.s32 s8, s1  }
0x11: {  	s4 =	ssub.s32 s7, s24;
	s16 =	sadd.s32 s15, s1;
	[dreg:$0x17] =	wrdreg s14  }
0x12: {  	s7 =	sshrl.u32 s26, $0x2;
	s17 =	sadd.s32 s11, s1;
	[dreg:$0x18] =	wrdreg s16  }
0x13: {  	s18 =	sadd.s32 s12, s1;
	s9 =	sadd.s32 s9, s5;
	[dreg:$0x19] =	wrdreg s17  }
0x14: {  	s23 =	sadd.s32 s5, s11;
	s26 =	simm.s32 $0x100;
	[dreg:$0x1a] =	wrdreg s18  }
0x15: {  	s11 =	sadd.s32 s5, s12;
	s12 =	simm.s32 $0x180;
	[dreg:$0x6] =	wrdreg s26  }
0x16: {  	s7 =	sadd.s32 s7, s1;
	s9 =	sshrl.u32 s9, $0x3;
	[dreg:$0x8] =	wrdreg s12  }
0x17: {  	s25 =	sshrl.u32 s23, $0x3;
	s14 =	simm.s32 $0x900;
	[dreg:$0x16] =	wrdreg s7  }
0x18: {  	s16 =	simm.s32 $0x200;
	s17 =	simm.s32 $0x980;
	[dreg:$0x9] =	wrdreg s14  }
0x19: {  	s18 =	simm.s32 $0x280;
	s4 =	smax.u32 s4, $0x1;
	[dreg:$0xa] =	wrdreg s16  }
0x1a: {  	s23 =	simm.s32 $0xB00;
	s26 =	simm.s32 $0x480;
	[dreg:$0xb] =	wrdreg s17  }
0x1b: {  	s7 =	sadd.s32 s5, s8;
	s20 =	sadd.s32 s0, s9;
	[dreg:$0xc] =	wrdreg s18  }
0x1c: {  	s8 =	sadd.s32 s5, s15;
	s9 =	simm.s32 $0x880;
	[smem:$0x7FD] =	sst s4  }
0x1d: {  	s5 =	sshrl.u32 s5, $0x3;
	[dreg:$0x11] =	wrdreg s23;
	s23 =	simm.s32 $0x80  }
0x1e: {  	[dreg:$0x14] =	wrdreg s26;
	s26 =	simm.s32 $0x2;
	s4 =	simm.s32 $0x600  }
0x1f: {  	s14 =	simm.s32 $0x680;
	s16 =	simm.s32 $0x700;
	s17 =	simm.s32 $0xE80  }
0x20: {  	s18 =	simm.s32 $0x780;
	[dreg:$0x1c] =	wrdreg s20;
	s7 =	sshrl.u32 s7, $0x3  }
0x21: {  	s22 =	sshrl.u32 s8, $0x3;
	[dreg:$0x7] =	wrdreg s9;
	s20 =	simm.s32 $0x300  }
0x22: {  	s8 =	sshrl.u32 s11, $0x3;
	s21 =	sadd.s32 s0, s7;
	[dreg:$0xe] =	wrdreg s20  }
0x23: {  	s24 =	sadd.s32 s0, s22;
	s7 =	sadd.s32 s0, s25;
	[dreg:$0x1d] =	wrdreg s21  }
0x24: {  	s15 =	sadd.s32 s0, s8;
	s0 =	sadd.s32 s0, s5;
	[dreg:$0x1e] =	wrdreg s24  }
0x25: {  	s20 =	simm.s32 $0x1000;
	s22 =	simm.s32 $0x380;
	[dreg:$0x1f] =	wrdreg s7  }
0x26: {  	s25 =	simm.s32 $0xB80;
	s8 =	simm.s32 $0x0;
	[smem:$0x7FB] =	sst s15  }
0x27: {  	s0 =	sadd.s32 $0x27000, s0;
	s21 =	simm.s32 $0xA80;
	[dreg:$0x10] =	wrdreg s22  }
0x28: {  	s22 =	simm.s32 $0x800;
	s24 =	simm.s32 $0x400;
	[dreg:$0x13] =	wrdreg s25  }
0x29: {  	s25 =	simm.s32 $0x1;
	s15 =	simm.s32 $0xE00;
	[smem:$0x7FC] =	sst s0  }
0x2a: {  	s7 =	simm.s32 $0xF80;
	[dreg:$0xf] =	wrdreg s21;
	s21 =	simm.s32 $0x3  }
0x2b: {  	v0 =	vimm.f32 $0.0e+00;
	[dreg:$0x12] =	wrdreg s24;
	s24 =	simm.s32 $0x5000;
	s0 =	simm.s32 $0xD00  }
.LBB2_1:
0x2c: {  	s5 =	simm.s32 $0x0;
	s9 =	simm.s32 $0x200  }
.LBB2_2:
0x2d: {  	p1 =	sne.s32 s9, $0xFE00;
	[tilespmem:s5+$0x1070] =	vst v0  }
0x2e: {  	[tilespmem:s5+$0x1000] =	vst v0  }
0x2f: {  	[tilespmem:s5+$0x1010] =	vst v0  }
.Ltmp0:
0x30: {  	[tilespmem:s5+$0x1020] =	vst v0;
	(pc) =	sbr.rel @p1 .LBB2_2-.Ltmp0, $4  }
0x31: {  	[tilespmem:s5+$0x1030] =	vst v0  }
0x32: {  	[tilespmem:s5+$0x1040] =	vst v0  }
0x33: {  	[tilespmem:s5+$0x1050] =	vst v0  }
0x34: {  	[tilespmem:s5+$0x1060] =	vst v0;
	s5 =	sshra.s32 s9, $0x2;
	s9 =	sadd.s32 $0x200, s9  }
0x35: {  	[tilespmem:s5+$0x1070] =	vst v0  }
0x36: {  	[tilespmem:s5+$0x1000] =	vst v0  }
0x37: {  	[tilespmem:s5+$0x1010] =	vst v0  }
0x38: {  	[tilespmem:s5+$0x1020] =	vst v0  }
0x39: {  	[tilespmem:s5+$0x1030] =	vst v0  }
0x3a: {  	[tilespmem:s5+$0x1040] =	vst v0  }
0x3b: {  	[tilespmem:s5+$0x1050] =	vst v0  }
0x3c: {  	[tilespmem:s5+$0x1060] =	vst v0;
	s11 =	rddreg [dreg:$0x16]  }
0x3d: {  	[spmem:s11] =	stream.linear.scatter [tilespmem:s20], [sflag:$0x3], $0x4000, $0x38;
	[tilespmem:$0x1C8C0] =	vst v63  }
0x3e: {  	_ =	swait.ge [sflag:s21], $0x4000  }
0x3f: {  	[sflag:s21] =	ssyncset.done $0x0  }
0x40: {  	s12 =	rddreg [dreg:$0x17];
	[sflag:s21] =	ssyncadd.s32 $0xFFFFC000  }
0x41: {  	[spmem:s12] =	stream.linear.scatter [tilespmem:s20], [sflag:$0x3], $0x4000, $0x38;
	[tilespmem:$0x1C8C0] =	vst v63  }
0x42: {  	_ =	swait.ge [sflag:s21], $0x4000  }
0x43: {  	[sflag:s21] =	ssyncset.done $0x0  }
0x44: {  	s6 =	rddreg [dreg:$0x18];
	[sflag:s21] =	ssyncadd.s32 $0xFFFFC000  }
0x45: {  	[spmem:s6] =	stream.linear.scatter [tilespmem:s20], [sflag:$0x3], $0x4000, $0x38;
	[tilespmem:$0x1C8C0] =	vst v63  }
0x46: {  	_ =	swait.ge [sflag:s21], $0x4000  }
0x47: {  	[sflag:s21] =	ssyncset.done $0x0  }
0x48: {  	s9 =	rddreg [dreg:$0x19];
	[sflag:s21] =	ssyncadd.s32 $0xFFFFC000  }
0x49: {  	[spmem:s9] =	stream.linear.scatter [tilespmem:s20], [sflag:$0x3], $0x4000, $0x38;
	[tilespmem:$0x1C8C0] =	vst v63  }
0x4a: {  	_ =	swait.ge [sflag:s21], $0x4000  }
0x4b: {  	[sflag:s21] =	ssyncset.done $0x0  }
0x4c: {  	s11 =	rddreg [dreg:$0x1a];
	[sflag:s21] =	ssyncadd.s32 $0xFFFFC000  }
0x4d: {  	[spmem:s11] =	stream.linear.scatter [tilespmem:s20], [sflag:$0x3], $0x3800, $0x38;
	[tilespmem:$0x1C8C0] =	vst v63  }
0x4e: {  	_ =	swait.ge [sflag:s21], $0x3800  }
0x4f: {  	s5 =	simm.s32 @!p0 $0x1000;
	[sflag:s21] =	ssyncset.done $0x0  }
0x50: {  	s9 =	simm.s32 @!p0 $0x3;
	s6 =	rddreg [dreg:$0x1b];
	[sflag:s21] =	ssyncadd.s32 $0xFFFFC800  }
0x51: {  	[spmem:s6] =	stream.linear.scatter @!p0 [tilespmem:s5], [sflag:$0x3], $0x800, $0x38;
	[tilespmem:$0x1C8C0] =	vst v63  }
0x52: {  	_ =	swait.ge @!p0 [sflag:s9], $0x800  }
0x53: {  	[sflag:s9] =	ssyncset.done @!p0 $0x0  }
0x54: {  	[sflag:s9] =	ssyncadd.s32 @!p0 $0xFFFFF800  }
0x55: {  	[bflag:$0x0] =	sbarrier.arrive $0xFFFF  }
0x56: {  	s12 =	rddreg [dreg:$0x15]  }
0x57: {  	p2 =	sne.s32 s12, $0x1  }
.Ltmp1:
0x58: {  	_ = 	snop;
	(pc) =	sbr.rel @!p2 .LBB2_4-.Ltmp1, $2  }
0x59: {  	_ =	sdelay $0x2  }
0x5a: {  	p1 =	por $0x0, $0x0;
	s5 =	sadd.s32 $0xFFFFFFFF, s12;
	s12 =	rddreg [dreg:$0x4]  }
0x5b: {  	s11 =	sshrl.u32 s10, $0x3  }
0x5c: {  	s12 =	sadd.s32 s12, s11  }
0x5d: {  	[tilespmem:s2], [sflag:$0x3] =	stream.linear.gather [hbm4b:s12+s2], $0x800, $0x38;
	[tilespmem:$0x1C8C0] =	vst v63  }
0x5e: {  	_ =	swait.ge [sflag:s21], $0x800  }
0x5f: {  	s6 =	rddreg [dreg:$0x5];
	[sflag:s21] =	ssyncset.done $0x0  }
0x60: {  	[sflag:s21] =	ssyncadd.s32 $0xFFFFF800;
	s11 =	sadd.s32 s6, s11  }
0x61: {  	[tilespmem:s22], [sflag:$0x3] =	stream.linear.gather [hbm4b:s11+s2], $0x800, $0x38;
	[tilespmem:$0x1C8C0] =	vst v63  }
0x62: {  	_ =	swait.ge [sflag:s21], $0x800  }
0x63: {  	[sflag:s21] =	ssyncset.done $0x0  }
0x64: {  	[sflag:s21] =	ssyncadd.s32 $0xFFFFF800  }
0x65: {  	[tilespmem:s20], [sflag:$0x1] =	stream.indirect.gather [hbm4b:s3+s23], $0x80, s2, s23, $0xb8;
	[tilespmem:$0x1C8C0] =	vst v63  }
0x66: {  	_ = 	snop  }
0x67: {  	[tilespmem:s24], [sflag:$0x2] =	stream.indirect.gather [hbm4b:s3+s23], $0x80, s23, s23, $0xb8;
	[tilespmem:$0x1C8C0] =	vst v63  }
0x68: {  	_ =	swait.ge [sflag:s25], $0x4000  }
0x69: {  	[sflag:s25] =	ssyncset.done $0x0  }
0x6a: {  	[sflag:s25] =	ssyncadd.s32 $0xFFFFC000  }
0x6b: {  	[spmem:s1] =	stream.indirect.scatter.add.f32 [tilespmem:s20], [sflag:$0x3], $0x80, s22, s23, $0xb8;
	[tilespmem:$0x1C8C0] =	vst v63  }
0x6c: {  	_ =	swait.ge [sflag:s21], $0x4000  }
0x6d: {  	[sflag:s21] =	ssyncset.done $0x0  }
0x6e: {  	s12 =	rddreg [dreg:$0x6];
	[sflag:s21] =	ssyncadd.s32 $0xFFFFC000  }
0x6f: {  	[tilespmem:s20], [sflag:$0x1] =	stream.indirect.gather [hbm4b:s3+s23], $0x80, s12, s23, $0xb8;
	[tilespmem:$0x1C8C0] =	vst v63  }
0x70: {  	_ =	swait.ge [sflag:s26], $0x4000  }
0x71: {  	[sflag:s26] =	ssyncset.done $0x0  }
0x72: {  	s6 =	rddreg [dreg:$0x7];
	[sflag:s26] =	ssyncadd.s32 $0xFFFFC000  }
0x73: {  	[spmem:s1] =	stream.indirect.scatter.add.f32 [tilespmem:s24], [sflag:$0x3], $0x80, s6, s23, $0xb8;
	[tilespmem:$0x1C8C0] =	vst v63  }
0x74: {  	_ =	swait.ge [sflag:s21], $0x4000  }
0x75: {  	[sflag:s21] =	ssyncset.done $0x0  }
0x76: {  	s12 =	rddreg [dreg:$0x8];
	[sflag:s21] =	ssyncadd.s32 $0xFFFFC000  }
0x77: {  	[tilespmem:s24], [sflag:$0x2] =	stream.indirect.gather [hbm4b:s3+s23], $0x80, s12, s23, $0xb8;
	[tilespmem:$0x1C8C0] =	vst v63  }
0x78: {  	_ =	swait.ge [sflag:s25], $0x4000  }
0x79: {  	[sflag:s25] =	ssyncset.done $0x0  }
0x7a: {  	s6 =	rddreg [dreg:$0x9];
	[sflag:s25] =	ssyncadd.s32 $0xFFFFC000  }
0x7b: {  	[spmem:s1] =	stream.indirect.scatter.add.f32 [tilespmem:s20], [sflag:$0x3], $0x80, s6, s23, $0xb8;
	[tilespmem:$0x1C8C0] =	vst v63  }
0x7c: {  	_ =	swait.ge [sflag:s21], $0x4000  }
0x7d: {  	[sflag:s21] =	ssyncset.done $0x0  }
0x7e: {  	s12 =	rddreg [dreg:$0xa];
	[sflag:s21] =	ssyncadd.s32 $0xFFFFC000  }
0x7f: {  	[tilespmem:s20], [sflag:$0x1] =	stream.indirect.gather [hbm4b:s3+s23], $0x80, s12, s23, $0xb8;
	[tilespmem:$0x1C8C0] =	vst v63  }
0x80: {  	_ =	swait.ge [sflag:s26], $0x4000  }
0x81: {  	[sflag:s26] =	ssyncset.done $0x0  }
0x82: {  	s6 =	rddreg [dreg:$0xb];
	[sflag:s26] =	ssyncadd.s32 $0xFFFFC000  }
0x83: {  	[spmem:s1] =	stream.indirect.scatter.add.f32 [tilespmem:s24], [sflag:$0x3], $0x80, s6, s23, $0xb8;
	[tilespmem:$0x1C8C0] =	vst v63  }
0x84: {  	_ =	swait.ge [sflag:s21], $0x4000  }
0x85: {  	[sflag:s21] =	ssyncset.done $0x0  }
0x86: {  	s12 =	rddreg [dreg:$0xc];
	[sflag:s21] =	ssyncadd.s32 $0xFFFFC000  }
0x87: {  	[tilespmem:s24], [sflag:$0x2] =	stream.indirect.gather [hbm4b:s3+s23], $0x80, s12, s23, $0xb8;
	[tilespmem:$0x1C8C0] =	vst v63  }
0x88: {  	_ =	swait.ge [sflag:s25], $0x4000  }
0x89: {  	[sflag:s25] =	ssyncset.done $0x0  }
0x8a: {  	s6 =	rddreg [dreg:$0xd];
	[sflag:s25] =	ssyncadd.s32 $0xFFFFC000  }
0x8b: {  	[spmem:s1] =	stream.indirect.scatter.add.f32 [tilespmem:s20], [sflag:$0x3], $0x80, s6, s23, $0xb8;
	[tilespmem:$0x1C8C0] =	vst v63  }
0x8c: {  	_ =	swait.ge [sflag:s21], $0x4000  }
0x8d: {  	[sflag:s21] =	ssyncset.done $0x0  }
0x8e: {  	s12 =	rddreg [dreg:$0xe];
	[sflag:s21] =	ssyncadd.s32 $0xFFFFC000  }
0x8f: {  	[tilespmem:s20], [sflag:$0x1] =	stream.indirect.gather [hbm4b:s3+s23], $0x80, s12, s23, $0xb8;
	[tilespmem:$0x1C8C0] =	vst v63  }
0x90: {  	_ =	swait.ge [sflag:s26], $0x4000  }
0x91: {  	[sflag:s26] =	ssyncset.done $0x0  }
0x92: {  	s6 =	rddreg [dreg:$0xf];
	[sflag:s26] =	ssyncadd.s32 $0xFFFFC000  }
0x93: {  	[spmem:s1] =	stream.indirect.scatter.add.f32 [tilespmem:s24], [sflag:$0x3], $0x80, s6, s23, $0xb8;
	[tilespmem:$0x1C8C0] =	vst v63  }
0x94: {  	_ =	swait.ge [sflag:s21], $0x4000  }
0x95: {  	[sflag:s21] =	ssyncset.done $0x0  }
0x96: {  	s12 =	rddreg [dreg:$0x10];
	[sflag:s21] =	ssyncadd.s32 $0xFFFFC000  }
0x97: {  	[tilespmem:s24], [sflag:$0x2] =	stream.indirect.gather [hbm4b:s3+s23], $0x80, s12, s23, $0xb8;
	[tilespmem:$0x1C8C0] =	vst v63  }
0x98: {  	_ =	swait.ge [sflag:s25], $0x4000  }
0x99: {  	[sflag:s25] =	ssyncset.done $0x0  }
0x9a: {  	s6 =	rddreg [dreg:$0x11];
	[sflag:s25] =	ssyncadd.s32 $0xFFFFC000  }
0x9b: {  	[spmem:s1] =	stream.indirect.scatter.add.f32 [tilespmem:s20], [sflag:$0x3], $0x80, s6, s23, $0xb8;
	[tilespmem:$0x1C8C0] =	vst v63  }
0x9c: {  	_ =	swait.ge [sflag:s21], $0x4000  }
0x9d: {  	[sflag:s21] =	ssyncset.done $0x0  }
0x9e: {  	s12 =	rddreg [dreg:$0x12];
	[sflag:s21] =	ssyncadd.s32 $0xFFFFC000  }
0x9f: {  	[tilespmem:s20], [sflag:$0x1] =	stream.indirect.gather [hbm4b:s3+s23], $0x80, s12, s23, $0xb8;
	[tilespmem:$0x1C8C0] =	vst v63  }
0xa0: {  	_ =	swait.ge [sflag:s26], $0x4000  }
0xa1: {  	[sflag:s26] =	ssyncset.done $0x0  }
0xa2: {  	s6 =	rddreg [dreg:$0x13];
	[sflag:s26] =	ssyncadd.s32 $0xFFFFC000  }
0xa3: {  	[spmem:s1] =	stream.indirect.scatter.add.f32 [tilespmem:s24], [sflag:$0x3], $0x80, s6, s23, $0xb8;
	[tilespmem:$0x1C8C0] =	vst v63  }
0xa4: {  	_ =	swait.ge [sflag:s21], $0x4000  }
0xa5: {  	[sflag:s21] =	ssyncset.done $0x0  }
0xa6: {  	s12 =	rddreg [dreg:$0x14];
	[sflag:s21] =	ssyncadd.s32 $0xFFFFC000  }
0xa7: {  	[tilespmem:s24], [sflag:$0x2] =	stream.indirect.gather [hbm4b:s3+s23], $0x80, s12, s23, $0xb8;
	[tilespmem:$0x1C8C0] =	vst v63  }
0xa8: {  	_ =	swait.ge [sflag:s25], $0x4000  }
0xa9: {  	[sflag:s25] =	ssyncset.done $0x0  }
0xaa: {  	[sflag:s25] =	ssyncadd.s32 $0xFFFFC000  }
0xab: {  	[spmem:s1] =	stream.indirect.scatter.add.f32 [tilespmem:s20], [sflag:$0x3], $0x80, s28, s23, $0xb8;
	[tilespmem:$0x1C8C0] =	vst v63  }
0xac: {  	_ =	swait.ge [sflag:s21], $0x4000  }
0xad: {  	[sflag:s21] =	ssyncset.done $0x0  }
0xae: {  	[sflag:s21] =	ssyncadd.s32 $0xFFFFC000  }
0xaf: {  	[tilespmem:s20], [sflag:$0x1] =	stream.indirect.gather [hbm4b:s3+s23], $0x80, s29, s23, $0xb8;
	[tilespmem:$0x1C8C0] =	vst v63  }
0xb0: {  	_ =	swait.ge [sflag:s26], $0x4000  }
0xb1: {  	[sflag:s26] =	ssyncset.done $0x0  }
0xb2: {  	[sflag:s26] =	ssyncadd.s32 $0xFFFFC000  }
0xb3: {  	[spmem:s1] =	stream.indirect.scatter.add.f32 [tilespmem:s24], [sflag:$0x3], $0x80, s30, s23, $0xb8;
	[tilespmem:$0x1C8C0] =	vst v63  }
0xb4: {  	_ =	swait.ge [sflag:s21], $0x4000  }
0xb5: {  	[sflag:s21] =	ssyncset.done $0x0  }
0xb6: {  	[sflag:s21] =	ssyncadd.s32 $0xFFFFC000  }
0xb7: {  	[tilespmem:s24], [sflag:$0x2] =	stream.indirect.gather [hbm4b:s3+s23], $0x80, s31, s23, $0xb8;
	[tilespmem:$0x1C8C0] =	vst v63  }
0xb8: {  	_ =	swait.ge [sflag:s25], $0x4000  }
0xb9: {  	[sflag:s25] =	ssyncset.done $0x0  }
0xba: {  	[sflag:s25] =	ssyncadd.s32 $0xFFFFC000  }
0xbb: {  	[spmem:s1] =	stream.indirect.scatter.add.f32 [tilespmem:s20], [sflag:$0x3], $0x80, s0, s23, $0xb8;
	[tilespmem:$0x1C8C0] =	vst v63  }
0xbc: {  	_ =	swait.ge [sflag:s21], $0x4000  }
0xbd: {  	[sflag:s21] =	ssyncset.done $0x0  }
0xbe: {  	[sflag:s21] =	ssyncadd.s32 $0xFFFFC000  }
0xbf: {  	[tilespmem:s20], [sflag:$0x1] =	stream.indirect.gather [hbm4b:s3+s23], $0x80, s4, s23, $0xb8;
	[tilespmem:$0x1C8C0] =	vst v63  }
0xc0: {  	_ =	swait.ge [sflag:s26], $0x4000  }
0xc1: {  	[sflag:s26] =	ssyncset.done $0x0  }
0xc2: {  	[sflag:s26] =	ssyncadd.s32 $0xFFFFC000  }
0xc3: {  	[spmem:s1] =	stream.indirect.scatter.add.f32 [tilespmem:s24], [sflag:$0x3], $0x80, s13, s23, $0xb8;
	[tilespmem:$0x1C8C0] =	vst v63  }
0xc4: {  	_ =	swait.ge [sflag:s21], $0x4000  }
0xc5: {  	[sflag:s21] =	ssyncset.done $0x0  }
0xc6: {  	[sflag:s21] =	ssyncadd.s32 $0xFFFFC000  }
0xc7: {  	[tilespmem:s24], [sflag:$0x2] =	stream.indirect.gather [hbm4b:s3+s23], $0x80, s14, s23, $0xb8;
	[tilespmem:$0x1C8C0] =	vst v63  }
0xc8: {  	_ =	swait.ge [sflag:s25], $0x4000  }
0xc9: {  	[sflag:s25] =	ssyncset.done $0x0  }
0xca: {  	[sflag:s25] =	ssyncadd.s32 $0xFFFFC000  }
0xcb: {  	[spmem:s1] =	stream.indirect.scatter.add.f32 [tilespmem:s20], [sflag:$0x3], $0x80, s15, s23, $0xb8;
	[tilespmem:$0x1C8C0] =	vst v63  }
0xcc: {  	_ =	swait.ge [sflag:s21], $0x4000  }
0xcd: {  	[sflag:s21] =	ssyncset.done $0x0  }
0xce: {  	[sflag:s21] =	ssyncadd.s32 $0xFFFFC000  }
0xcf: {  	[tilespmem:s20], [sflag:$0x1] =	stream.indirect.gather [hbm4b:s3+s23], $0x80, s16, s23, $0xb8;
	[tilespmem:$0x1C8C0] =	vst v63  }
0xd0: {  	_ =	swait.ge [sflag:s26], $0x4000  }
0xd1: {  	[sflag:s26] =	ssyncset.done $0x0  }
0xd2: {  	[sflag:s26] =	ssyncadd.s32 $0xFFFFC000  }
0xd3: {  	[spmem:s1] =	stream.indirect.scatter.add.f32 [tilespmem:s24], [sflag:$0x3], $0x80, s17, s23, $0xb8;
	[tilespmem:$0x1C8C0] =	vst v63  }
0xd4: {  	_ =	swait.ge [sflag:s21], $0x4000  }
0xd5: {  	[sflag:s21] =	ssyncset.done $0x0  }
0xd6: {  	[sflag:s21] =	ssyncadd.s32 $0xFFFFC000  }
0xd7: {  	[tilespmem:s24], [sflag:$0x2] =	stream.indirect.gather [hbm4b:s3+s23], $0x80, s18, s23, $0xb8;
	[tilespmem:$0x1C8C0] =	vst v63  }
0xd8: {  	_ =	swait.ge [sflag:s25], $0x4000  }
0xd9: {  	[sflag:s25] =	ssyncset.done $0x0  }
0xda: {  	[sflag:s25] =	ssyncadd.s32 $0xFFFFC000  }
0xdb: {  	[spmem:s1] =	stream.indirect.scatter.add.f32 [tilespmem:s20], [sflag:$0x3], $0x80, s19, s23, $0xb8;
	[tilespmem:$0x1C8C0] =	vst v63  }
0xdc: {  	_ =	swait.ge [sflag:s21], $0x4000  }
0xdd: {  	[sflag:s21] =	ssyncset.done $0x0  }
0xde: {  	[sflag:s21] =	ssyncadd.s32 $0xFFFFC000  }
0xdf: {  	p2 =	sne.s32 s5, $0x1;
	_ =	swait.ge [sflag:s26], $0x4000  }
.Ltmp2:
0xe0: {  	[sflag:s26] =	ssyncset.done $0x0;
	(pc) =	sbr.rel @!p2 .LBB2_6-.Ltmp2, $4  }
0xe1: {  	[sflag:s26] =	ssyncadd.s32 $0xFFFFC000  }
0xe2: {  	[spmem:s1] =	stream.indirect.scatter.add.f32 [tilespmem:s24], [sflag:$0x3], $0x80, s7, s23, $0xb8;
	[tilespmem:$0x1C8C0] =	vst v63  }
0xe3: {  	p1 =	por $0x1, $0x1;
	s11 =	sadd.s32 $0xFFFFFFFF, s5;
	_ =	swait.ge [sflag:s21], $0x4000  }
0xe4: {  	s5 =	smov.u32 s10;
	s12 =	rddreg [dreg:$0x4];
	[sflag:s21] =	ssyncset.done $0x0  }
.LBB2_7:
0xe5: {  	s5 =	sadd.s32 $0x800, s5  }
0xe6: {  	s6 =	sshrl.u32 s5, $0x3  }
0xe7: {  	[sflag:s21] =	ssyncadd.s32 $0xFFFFC000;
	s12 =	sadd.s32 s12, s6  }
0xe8: {  	[tilespmem:s2], [sflag:$0x3] =	stream.linear.gather [hbm4b:s12+s2], $0x800, $0x38;
	[tilespmem:$0x1C8C0] =	vst v63  }
0xe9: {  	_ =	swait.ge [sflag:s21], $0x800  }
0xea: {  	s12 =	rddreg [dreg:$0x5];
	[sflag:s21] =	ssyncset.done $0x0  }
0xeb: {  	[sflag:s21] =	ssyncadd.s32 $0xFFFFF800;
	s6 =	sadd.s32 s12, s6  }
0xec: {  	[tilespmem:s22], [sflag:$0x3] =	stream.linear.gather [hbm4b:s6+s2], $0x800, $0x38;
	[tilespmem:$0x1C8C0] =	vst v63  }
0xed: {  	_ =	swait.ge [sflag:s21], $0x800  }
0xee: {  	[sflag:s21] =	ssyncset.done $0x0  }
0xef: {  	[sflag:s21] =	ssyncadd.s32 $0xFFFFF800  }
0xf0: {  	[tilespmem:s20], [sflag:$0x1] =	stream.indirect.gather [hbm4b:s3+s23], $0x80, s2, s23, $0xb8;
	[tilespmem:$0x1C8C0] =	vst v63  }
0xf1: {  	_ = 	snop  }
0xf2: {  	[tilespmem:s24], [sflag:$0x2] =	stream.indirect.gather [hbm4b:s3+s23], $0x80, s23, s23, $0xb8;
	[tilespmem:$0x1C8C0] =	vst v63  }
0xf3: {  	_ =	swait.ge [sflag:s25], $0x4000  }
0xf4: {  	[sflag:s25] =	ssyncset.done $0x0  }
0xf5: {  	[sflag:s25] =	ssyncadd.s32 $0xFFFFC000  }
0xf6: {  	[spmem:s1] =	stream.indirect.scatter.add.f32 [tilespmem:s20], [sflag:$0x3], $0x80, s22, s23, $0xb8;
	[tilespmem:$0x1C8C0] =	vst v63  }
0xf7: {  	_ =	swait.ge [sflag:s21], $0x4000  }
0xf8: {  	[sflag:s21] =	ssyncset.done $0x0  }
0xf9: {  	s12 =	rddreg [dreg:$0x6];
	[sflag:s21] =	ssyncadd.s32 $0xFFFFC000  }
0xfa: {  	[tilespmem:s20], [sflag:$0x1] =	stream.indirect.gather [hbm4b:s3+s23], $0x80, s12, s23, $0xb8;
	[tilespmem:$0x1C8C0] =	vst v63  }
0xfb: {  	_ =	swait.ge [sflag:s26], $0x4000  }
0xfc: {  	[sflag:s26] =	ssyncset.done $0x0  }
0xfd: {  	s12 =	rddreg [dreg:$0x7];
	[sflag:s26] =	ssyncadd.s32 $0xFFFFC000  }
0xfe: {  	[spmem:s1] =	stream.indirect.scatter.add.f32 [tilespmem:s24], [sflag:$0x3], $0x80, s12, s23, $0xb8;
	[tilespmem:$0x1C8C0] =	vst v63  }
0xff: {  	_ =	swait.ge [sflag:s21], $0x4000  }
0x100: {  	[sflag:s21] =	ssyncset.done $0x0  }
0x101: {  	s12 =	rddreg [dreg:$0x8];
	[sflag:s21] =	ssyncadd.s32 $0xFFFFC000  }
0x102: {  	[tilespmem:s24], [sflag:$0x2] =	stream.indirect.gather [hbm4b:s3+s23], $0x80, s12, s23, $0xb8;
	[tilespmem:$0x1C8C0] =	vst v63  }
0x103: {  	_ =	swait.ge [sflag:s25], $0x4000  }
0x104: {  	[sflag:s25] =	ssyncset.done $0x0  }
0x105: {  	s12 =	rddreg [dreg:$0x9];
	[sflag:s25] =	ssyncadd.s32 $0xFFFFC000  }
0x106: {  	[spmem:s1] =	stream.indirect.scatter.add.f32 [tilespmem:s20], [sflag:$0x3], $0x80, s12, s23, $0xb8;
	[tilespmem:$0x1C8C0] =	vst v63  }
0x107: {  	_ =	swait.ge [sflag:s21], $0x4000  }
0x108: {  	[sflag:s21] =	ssyncset.done $0x0  }
0x109: {  	s12 =	rddreg [dreg:$0xa];
	[sflag:s21] =	ssyncadd.s32 $0xFFFFC000  }
0x10a: {  	[tilespmem:s20], [sflag:$0x1] =	stream.indirect.gather [hbm4b:s3+s23], $0x80, s12, s23, $0xb8;
	[tilespmem:$0x1C8C0] =	vst v63  }
0x10b: {  	_ =	swait.ge [sflag:s26], $0x4000  }
0x10c: {  	[sflag:s26] =	ssyncset.done $0x0  }
0x10d: {  	s12 =	rddreg [dreg:$0xb];
	[sflag:s26] =	ssyncadd.s32 $0xFFFFC000  }
0x10e: {  	[spmem:s1] =	stream.indirect.scatter.add.f32 [tilespmem:s24], [sflag:$0x3], $0x80, s12, s23, $0xb8;
	[tilespmem:$0x1C8C0] =	vst v63  }
0x10f: {  	_ =	swait.ge [sflag:s21], $0x4000  }
0x110: {  	[sflag:s21] =	ssyncset.done $0x0  }
0x111: {  	s12 =	rddreg [dreg:$0xc];
	[sflag:s21] =	ssyncadd.s32 $0xFFFFC000  }
0x112: {  	[tilespmem:s24], [sflag:$0x2] =	stream.indirect.gather [hbm4b:s3+s23], $0x80, s12, s23, $0xb8;
	[tilespmem:$0x1C8C0] =	vst v63  }
0x113: {  	_ =	swait.ge [sflag:s25], $0x4000  }
0x114: {  	[sflag:s25] =	ssyncset.done $0x0  }
0x115: {  	s12 =	rddreg [dreg:$0xd];
	[sflag:s25] =	ssyncadd.s32 $0xFFFFC000  }
0x116: {  	[spmem:s1] =	stream.indirect.scatter.add.f32 [tilespmem:s20], [sflag:$0x3], $0x80, s12, s23, $0xb8;
	[tilespmem:$0x1C8C0] =	vst v63  }
0x117: {  	_ =	swait.ge [sflag:s21], $0x4000  }
0x118: {  	[sflag:s21] =	ssyncset.done $0x0  }
0x119: {  	s12 =	rddreg [dreg:$0xe];
	[sflag:s21] =	ssyncadd.s32 $0xFFFFC000  }
0x11a: {  	[tilespmem:s20], [sflag:$0x1] =	stream.indirect.gather [hbm4b:s3+s23], $0x80, s12, s23, $0xb8;
	[tilespmem:$0x1C8C0] =	vst v63  }
0x11b: {  	_ =	swait.ge [sflag:s26], $0x4000  }
0x11c: {  	[sflag:s26] =	ssyncset.done $0x0  }
0x11d: {  	s12 =	rddreg [dreg:$0xf];
	[sflag:s26] =	ssyncadd.s32 $0xFFFFC000  }
0x11e: {  	[spmem:s1] =	stream.indirect.scatter.add.f32 [tilespmem:s24], [sflag:$0x3], $0x80, s12, s23, $0xb8;
	[tilespmem:$0x1C8C0] =	vst v63  }
0x11f: {  	_ =	swait.ge [sflag:s21], $0x4000  }
0x120: {  	[sflag:s21] =	ssyncset.done $0x0  }
0x121: {  	s12 =	rddreg [dreg:$0x10];
	[sflag:s21] =	ssyncadd.s32 $0xFFFFC000  }
0x122: {  	[tilespmem:s24], [sflag:$0x2] =	stream.indirect.gather [hbm4b:s3+s23], $0x80, s12, s23, $0xb8;
	[tilespmem:$0x1C8C0] =	vst v63  }
0x123: {  	_ =	swait.ge [sflag:s25], $0x4000  }
0x124: {  	[sflag:s25] =	ssyncset.done $0x0  }
0x125: {  	s12 =	rddreg [dreg:$0x11];
	[sflag:s25] =	ssyncadd.s32 $0xFFFFC000  }
0x126: {  	[spmem:s1] =	stream.indirect.scatter.add.f32 [tilespmem:s20], [sflag:$0x3], $0x80, s12, s23, $0xb8;
	[tilespmem:$0x1C8C0] =	vst v63  }
0x127: {  	_ =	swait.ge [sflag:s21], $0x4000  }
0x128: {  	[sflag:s21] =	ssyncset.done $0x0  }
0x129: {  	s12 =	rddreg [dreg:$0x12];
	[sflag:s21] =	ssyncadd.s32 $0xFFFFC000  }
0x12a: {  	[tilespmem:s20], [sflag:$0x1] =	stream.indirect.gather [hbm4b:s3+s23], $0x80, s12, s23, $0xb8;
	[tilespmem:$0x1C8C0] =	vst v63  }
0x12b: {  	_ =	swait.ge [sflag:s26], $0x4000  }
0x12c: {  	[sflag:s26] =	ssyncset.done $0x0  }
0x12d: {  	s12 =	rddreg [dreg:$0x13];
	[sflag:s26] =	ssyncadd.s32 $0xFFFFC000  }
0x12e: {  	[spmem:s1] =	stream.indirect.scatter.add.f32 [tilespmem:s24], [sflag:$0x3], $0x80, s12, s23, $0xb8;
	[tilespmem:$0x1C8C0] =	vst v63  }
0x12f: {  	_ =	swait.ge [sflag:s21], $0x4000  }
0x130: {  	[sflag:s21] =	ssyncset.done $0x0  }
0x131: {  	s12 =	rddreg [dreg:$0x14];
	[sflag:s21] =	ssyncadd.s32 $0xFFFFC000  }
0x132: {  	[tilespmem:s24], [sflag:$0x2] =	stream.indirect.gather [hbm4b:s3+s23], $0x80, s12, s23, $0xb8;
	[tilespmem:$0x1C8C0] =	vst v63  }
0x133: {  	_ =	swait.ge [sflag:s25], $0x4000  }
0x134: {  	[sflag:s25] =	ssyncset.done $0x0  }
0x135: {  	[sflag:s25] =	ssyncadd.s32 $0xFFFFC000  }
0x136: {  	[spmem:s1] =	stream.indirect.scatter.add.f32 [tilespmem:s20], [sflag:$0x3], $0x80, s28, s23, $0xb8;
	[tilespmem:$0x1C8C0] =	vst v63  }
0x137: {  	_ =	swait.ge [sflag:s21], $0x4000  }
0x138: {  	[sflag:s21] =	ssyncset.done $0x0  }
0x139: {  	[sflag:s21] =	ssyncadd.s32 $0xFFFFC000  }
0x13a: {  	[tilespmem:s20], [sflag:$0x1] =	stream.indirect.gather [hbm4b:s3+s23], $0x80, s29, s23, $0xb8;
	[tilespmem:$0x1C8C0] =	vst v63  }
0x13b: {  	_ =	swait.ge [sflag:s26], $0x4000  }
0x13c: {  	[sflag:s26] =	ssyncset.done $0x0  }
0x13d: {  	[sflag:s26] =	ssyncadd.s32 $0xFFFFC000  }
0x13e: {  	[spmem:s1] =	stream.indirect.scatter.add.f32 [tilespmem:s24], [sflag:$0x3], $0x80, s30, s23, $0xb8;
	[tilespmem:$0x1C8C0] =	vst v63  }
0x13f: {  	_ =	swait.ge [sflag:s21], $0x4000  }
0x140: {  	[sflag:s21] =	ssyncset.done $0x0  }
0x141: {  	[sflag:s21] =	ssyncadd.s32 $0xFFFFC000  }
0x142: {  	[tilespmem:s24], [sflag:$0x2] =	stream.indirect.gather [hbm4b:s3+s23], $0x80, s31, s23, $0xb8;
	[tilespmem:$0x1C8C0] =	vst v63  }
0x143: {  	_ =	swait.ge [sflag:s25], $0x4000  }
0x144: {  	[sflag:s25] =	ssyncset.done $0x0  }
0x145: {  	[sflag:s25] =	ssyncadd.s32 $0xFFFFC000  }
0x146: {  	[spmem:s1] =	stream.indirect.scatter.add.f32 [tilespmem:s20], [sflag:$0x3], $0x80, s0, s23, $0xb8;
	[tilespmem:$0x1C8C0] =	vst v63  }
0x147: {  	_ =	swait.ge [sflag:s21], $0x4000  }
0x148: {  	[sflag:s21] =	ssyncset.done $0x0  }
0x149: {  	[sflag:s21] =	ssyncadd.s32 $0xFFFFC000  }
0x14a: {  	[tilespmem:s20], [sflag:$0x1] =	stream.indirect.gather [hbm4b:s3+s23], $0x80, s4, s23, $0xb8;
	[tilespmem:$0x1C8C0] =	vst v63  }
0x14b: {  	_ =	swait.ge [sflag:s26], $0x4000  }
0x14c: {  	[sflag:s26] =	ssyncset.done $0x0  }
0x14d: {  	[sflag:s26] =	ssyncadd.s32 $0xFFFFC000  }
0x14e: {  	[spmem:s1] =	stream.indirect.scatter.add.f32 [tilespmem:s24], [sflag:$0x3], $0x80, s13, s23, $0xb8;
	[tilespmem:$0x1C8C0] =	vst v63  }
0x14f: {  	_ =	swait.ge [sflag:s21], $0x4000  }
0x150: {  	[sflag:s21] =	ssyncset.done $0x0  }
0x151: {  	[sflag:s21] =	ssyncadd.s32 $0xFFFFC000  }
0x152: {  	[tilespmem:s24], [sflag:$0x2] =	stream.indirect.gather [hbm4b:s3+s23], $0x80, s14, s23, $0xb8;
	[tilespmem:$0x1C8C0] =	vst v63  }
0x153: {  	_ =	swait.ge [sflag:s25], $0x4000  }
0x154: {  	[sflag:s25] =	ssyncset.done $0x0  }
0x155: {  	[sflag:s25] =	ssyncadd.s32 $0xFFFFC000  }
0x156: {  	[spmem:s1] =	stream.indirect.scatter.add.f32 [tilespmem:s20], [sflag:$0x3], $0x80, s15, s23, $0xb8;
	[tilespmem:$0x1C8C0] =	vst v63  }
0x157: {  	_ =	swait.ge [sflag:s21], $0x4000  }
0x158: {  	[sflag:s21] =	ssyncset.done $0x0  }
0x159: {  	[sflag:s21] =	ssyncadd.s32 $0xFFFFC000  }
0x15a: {  	[tilespmem:s20], [sflag:$0x1] =	stream.indirect.gather [hbm4b:s3+s23], $0x80, s16, s23, $0xb8;
	[tilespmem:$0x1C8C0] =	vst v63  }
0x15b: {  	_ =	swait.ge [sflag:s26], $0x4000  }
0x15c: {  	[sflag:s26] =	ssyncset.done $0x0  }
0x15d: {  	[sflag:s26] =	ssyncadd.s32 $0xFFFFC000  }
0x15e: {  	[spmem:s1] =	stream.indirect.scatter.add.f32 [tilespmem:s24], [sflag:$0x3], $0x80, s17, s23, $0xb8;
	[tilespmem:$0x1C8C0] =	vst v63  }
0x15f: {  	_ =	swait.ge [sflag:s21], $0x4000  }
0x160: {  	[sflag:s21] =	ssyncset.done $0x0  }
0x161: {  	[sflag:s21] =	ssyncadd.s32 $0xFFFFC000  }
0x162: {  	[tilespmem:s24], [sflag:$0x2] =	stream.indirect.gather [hbm4b:s3+s23], $0x80, s18, s23, $0xb8;
	[tilespmem:$0x1C8C0] =	vst v63  }
0x163: {  	_ =	swait.ge [sflag:s25], $0x4000  }
0x164: {  	[sflag:s25] =	ssyncset.done $0x0  }
0x165: {  	[sflag:s25] =	ssyncadd.s32 $0xFFFFC000  }
0x166: {  	[spmem:s1] =	stream.indirect.scatter.add.f32 [tilespmem:s20], [sflag:$0x3], $0x80, s19, s23, $0xb8;
	[tilespmem:$0x1C8C0] =	vst v63  }
0x167: {  	_ =	swait.ge [sflag:s21], $0x4000  }
0x168: {  	[sflag:s21] =	ssyncset.done $0x0  }
0x169: {  	[sflag:s21] =	ssyncadd.s32 $0xFFFFC000  }
0x16a: {  	p2 =	sne.s32 s11, $0x1;
	_ =	swait.ge [sflag:s26], $0x4000  }
.Ltmp3:
0x16b: {  	[sflag:s26] =	ssyncset.done $0x0;
	(pc) =	sbr.rel @p2 .LBB2_7-.Ltmp3, $4  }
0x16c: {  	[sflag:s26] =	ssyncadd.s32 $0xFFFFC000  }
0x16d: {  	[spmem:s1] =	stream.indirect.scatter.add.f32 [tilespmem:s24], [sflag:$0x3], $0x80, s7, s23, $0xb8;
	[tilespmem:$0x1C8C0] =	vst v63  }
0x16e: {  	_ =	swait.ge [sflag:s21], $0x4000  }
0x16f: {  	s11 =	sadd.s32 $0xFFFFFFFF, s11;
	s12 =	rddreg [dreg:$0x4];
	[sflag:s21] =	ssyncset.done $0x0  }
.LBB2_8:
0x170: {  	s5 =	sadd.s32 @p1 $0x800, s5;
	s6 =	smov.u32 s10  }
0x171: {  	s6 =	smov.u32 @p1 s5  }
0x172: {  	s5 =	sshrl.u32 s6, $0x3  }
0x173: {  	[sflag:s21] =	ssyncadd.s32 @p1 $0xFFFFC000;
	s6 =	sadd.s32 s12, s5  }
0x174: {  	[tilespmem:s2], [sflag:$0x3] =	stream.linear.gather [hbm4b:s6+s2], $0x800, $0x38;
	[tilespmem:$0x1C8C0] =	vst v63  }
0x175: {  	_ =	swait.ge [sflag:s21], $0x800  }
0x176: {  	s12 =	rddreg [dreg:$0x5];
	[sflag:s21] =	ssyncset.done $0x0  }
0x177: {  	[sflag:s21] =	ssyncadd.s32 $0xFFFFF800;
	s5 =	sadd.s32 s12, s5  }
0x178: {  	[tilespmem:s22], [sflag:$0x3] =	stream.linear.gather [hbm4b:s5+s2], $0x800, $0x38;
	[tilespmem:$0x1C8C0] =	vst v63  }
0x179: {  	_ =	swait.ge [sflag:s21], $0x800  }
0x17a: {  	[sflag:s21] =	ssyncset.done $0x0  }
0x17b: {  	[sflag:s21] =	ssyncadd.s32 $0xFFFFF800  }
0x17c: {  	[tilespmem:s20], [sflag:$0x1] =	stream.indirect.gather [hbm4b:s3+s23], $0x80, s2, s23, $0xb8;
	[tilespmem:$0x1C8C0] =	vst v63  }
0x17d: {  	_ = 	snop  }
0x17e: {  	[tilespmem:s24], [sflag:$0x2] =	stream.indirect.gather [hbm4b:s3+s23], $0x80, s23, s23, $0xb8;
	[tilespmem:$0x1C8C0] =	vst v63  }
0x17f: {  	_ =	swait.ge [sflag:s25], $0x4000  }
0x180: {  	[sflag:s25] =	ssyncset.done $0x0  }
0x181: {  	[sflag:s25] =	ssyncadd.s32 $0xFFFFC000  }
0x182: {  	[spmem:s1] =	stream.indirect.scatter.add.f32 [tilespmem:s20], [sflag:$0x3], $0x80, s22, s23, $0xb8;
	[tilespmem:$0x1C8C0] =	vst v63  }
0x183: {  	_ =	swait.ge [sflag:s21], $0x4000  }
0x184: {  	[sflag:s21] =	ssyncset.done $0x0  }
0x185: {  	s11 =	rddreg [dreg:$0x6];
	[sflag:s21] =	ssyncadd.s32 $0xFFFFC000  }
0x186: {  	[tilespmem:s20], [sflag:$0x1] =	stream.indirect.gather [hbm4b:s3+s23], $0x80, s11, s23, $0xb8;
	[tilespmem:$0x1C8C0] =	vst v63  }
0x187: {  	_ =	swait.ge [sflag:s26], $0x4000  }
0x188: {  	[sflag:s26] =	ssyncset.done $0x0  }
0x189: {  	s12 =	rddreg [dreg:$0x7];
	[sflag:s26] =	ssyncadd.s32 $0xFFFFC000  }
0x18a: {  	[spmem:s1] =	stream.indirect.scatter.add.f32 [tilespmem:s24], [sflag:$0x3], $0x80, s12, s23, $0xb8;
	[tilespmem:$0x1C8C0] =	vst v63  }
0x18b: {  	_ =	swait.ge [sflag:s21], $0x4000  }
0x18c: {  	[sflag:s21] =	ssyncset.done $0x0  }
0x18d: {  	s6 =	rddreg [dreg:$0x8];
	[sflag:s21] =	ssyncadd.s32 $0xFFFFC000  }
0x18e: {  	[tilespmem:s24], [sflag:$0x2] =	stream.indirect.gather [hbm4b:s3+s23], $0x80, s6, s23, $0xb8;
	[tilespmem:$0x1C8C0] =	vst v63  }
0x18f: {  	_ =	swait.ge [sflag:s25], $0x4000  }
0x190: {  	[sflag:s25] =	ssyncset.done $0x0  }
0x191: {  	s11 =	rddreg [dreg:$0x9];
	[sflag:s25] =	ssyncadd.s32 $0xFFFFC000  }
0x192: {  	[spmem:s1] =	stream.indirect.scatter.add.f32 [tilespmem:s20], [sflag:$0x3], $0x80, s11, s23, $0xb8;
	[tilespmem:$0x1C8C0] =	vst v63  }
0x193: {  	_ =	swait.ge [sflag:s21], $0x4000  }
0x194: {  	[sflag:s21] =	ssyncset.done $0x0  }
0x195: {  	s12 =	rddreg [dreg:$0xa];
	[sflag:s21] =	ssyncadd.s32 $0xFFFFC000  }
0x196: {  	[tilespmem:s20], [sflag:$0x1] =	stream.indirect.gather [hbm4b:s3+s23], $0x80, s12, s23, $0xb8;
	[tilespmem:$0x1C8C0] =	vst v63  }
0x197: {  	_ =	swait.ge [sflag:s26], $0x4000  }
0x198: {  	[sflag:s26] =	ssyncset.done $0x0  }
0x199: {  	s6 =	rddreg [dreg:$0xb];
	[sflag:s26] =	ssyncadd.s32 $0xFFFFC000  }
0x19a: {  	[spmem:s1] =	stream.indirect.scatter.add.f32 [tilespmem:s24], [sflag:$0x3], $0x80, s6, s23, $0xb8;
	[tilespmem:$0x1C8C0] =	vst v63  }
0x19b: {  	_ =	swait.ge [sflag:s21], $0x4000  }
0x19c: {  	[sflag:s21] =	ssyncset.done $0x0  }
0x19d: {  	s11 =	rddreg [dreg:$0xc];
	[sflag:s21] =	ssyncadd.s32 $0xFFFFC000  }
0x19e: {  	[tilespmem:s24], [sflag:$0x2] =	stream.indirect.gather [hbm4b:s3+s23], $0x80, s11, s23, $0xb8;
	[tilespmem:$0x1C8C0] =	vst v63  }
0x19f: {  	_ =	swait.ge [sflag:s25], $0x4000  }
0x1a0: {  	[sflag:s25] =	ssyncset.done $0x0  }
0x1a1: {  	s12 =	rddreg [dreg:$0xd];
	[sflag:s25] =	ssyncadd.s32 $0xFFFFC000  }
0x1a2: {  	[spmem:s1] =	stream.indirect.scatter.add.f32 [tilespmem:s20], [sflag:$0x3], $0x80, s12, s23, $0xb8;
	[tilespmem:$0x1C8C0] =	vst v63  }
0x1a3: {  	_ =	swait.ge [sflag:s21], $0x4000  }
0x1a4: {  	[sflag:s21] =	ssyncset.done $0x0  }
0x1a5: {  	s6 =	rddreg [dreg:$0xe];
	[sflag:s21] =	ssyncadd.s32 $0xFFFFC000  }
0x1a6: {  	[tilespmem:s20], [sflag:$0x1] =	stream.indirect.gather [hbm4b:s3+s23], $0x80, s6, s23, $0xb8;
	[tilespmem:$0x1C8C0] =	vst v63  }
0x1a7: {  	_ =	swait.ge [sflag:s26], $0x4000  }
0x1a8: {  	[sflag:s26] =	ssyncset.done $0x0  }
0x1a9: {  	s11 =	rddreg [dreg:$0xf];
	[sflag:s26] =	ssyncadd.s32 $0xFFFFC000  }
0x1aa: {  	[spmem:s1] =	stream.indirect.scatter.add.f32 [tilespmem:s24], [sflag:$0x3], $0x80, s11, s23, $0xb8;
	[tilespmem:$0x1C8C0] =	vst v63  }
0x1ab: {  	_ =	swait.ge [sflag:s21], $0x4000  }
0x1ac: {  	[sflag:s21] =	ssyncset.done $0x0  }
0x1ad: {  	s12 =	rddreg [dreg:$0x10];
	[sflag:s21] =	ssyncadd.s32 $0xFFFFC000  }
0x1ae: {  	[tilespmem:s24], [sflag:$0x2] =	stream.indirect.gather [hbm4b:s3+s23], $0x80, s12, s23, $0xb8;
	[tilespmem:$0x1C8C0] =	vst v63  }
0x1af: {  	_ =	swait.ge [sflag:s25], $0x4000  }
0x1b0: {  	[sflag:s25] =	ssyncset.done $0x0  }
0x1b1: {  	s6 =	rddreg [dreg:$0x11];
	[sflag:s25] =	ssyncadd.s32 $0xFFFFC000  }
0x1b2: {  	[spmem:s1] =	stream.indirect.scatter.add.f32 [tilespmem:s20], [sflag:$0x3], $0x80, s6, s23, $0xb8;
	[tilespmem:$0x1C8C0] =	vst v63  }
0x1b3: {  	_ =	swait.ge [sflag:s21], $0x4000  }
0x1b4: {  	[sflag:s21] =	ssyncset.done $0x0  }
0x1b5: {  	s11 =	rddreg [dreg:$0x12];
	[sflag:s21] =	ssyncadd.s32 $0xFFFFC000  }
0x1b6: {  	[tilespmem:s20], [sflag:$0x1] =	stream.indirect.gather [hbm4b:s3+s23], $0x80, s11, s23, $0xb8;
	[tilespmem:$0x1C8C0] =	vst v63  }
0x1b7: {  	_ =	swait.ge [sflag:s26], $0x4000  }
0x1b8: {  	[sflag:s26] =	ssyncset.done $0x0  }
0x1b9: {  	s12 =	rddreg [dreg:$0x13];
	[sflag:s26] =	ssyncadd.s32 $0xFFFFC000  }
0x1ba: {  	[spmem:s1] =	stream.indirect.scatter.add.f32 [tilespmem:s24], [sflag:$0x3], $0x80, s12, s23, $0xb8;
	[tilespmem:$0x1C8C0] =	vst v63  }
0x1bb: {  	_ =	swait.ge [sflag:s21], $0x4000  }
0x1bc: {  	[sflag:s21] =	ssyncset.done $0x0  }
0x1bd: {  	s6 =	rddreg [dreg:$0x14];
	[sflag:s21] =	ssyncadd.s32 $0xFFFFC000  }
0x1be: {  	[tilespmem:s24], [sflag:$0x2] =	stream.indirect.gather [hbm4b:s3+s23], $0x80, s6, s23, $0xb8;
	[tilespmem:$0x1C8C0] =	vst v63  }
0x1bf: {  	_ =	swait.ge [sflag:s25], $0x4000  }
0x1c0: {  	[sflag:s25] =	ssyncset.done $0x0  }
0x1c1: {  	[sflag:s25] =	ssyncadd.s32 $0xFFFFC000  }
0x1c2: {  	[spmem:s1] =	stream.indirect.scatter.add.f32 [tilespmem:s20], [sflag:$0x3], $0x80, s28, s23, $0xb8;
	[tilespmem:$0x1C8C0] =	vst v63  }
0x1c3: {  	_ =	swait.ge [sflag:s21], $0x4000  }
0x1c4: {  	[sflag:s21] =	ssyncset.done $0x0  }
0x1c5: {  	[sflag:s21] =	ssyncadd.s32 $0xFFFFC000  }
0x1c6: {  	[tilespmem:s20], [sflag:$0x1] =	stream.indirect.gather [hbm4b:s3+s23], $0x80, s29, s23, $0xb8;
	[tilespmem:$0x1C8C0] =	vst v63  }
0x1c7: {  	_ =	swait.ge [sflag:s26], $0x4000  }
0x1c8: {  	[sflag:s26] =	ssyncset.done $0x0  }
0x1c9: {  	[sflag:s26] =	ssyncadd.s32 $0xFFFFC000  }
0x1ca: {  	[spmem:s1] =	stream.indirect.scatter.add.f32 [tilespmem:s24], [sflag:$0x3], $0x80, s30, s23, $0xb8;
	[tilespmem:$0x1C8C0] =	vst v63  }
0x1cb: {  	_ =	swait.ge [sflag:s21], $0x4000  }
0x1cc: {  	[sflag:s21] =	ssyncset.done $0x0  }
0x1cd: {  	[sflag:s21] =	ssyncadd.s32 $0xFFFFC000  }
0x1ce: {  	[tilespmem:s24], [sflag:$0x2] =	stream.indirect.gather [hbm4b:s3+s23], $0x80, s31, s23, $0xb8;
	[tilespmem:$0x1C8C0] =	vst v63  }
0x1cf: {  	_ =	swait.ge [sflag:s25], $0x4000  }
0x1d0: {  	[sflag:s25] =	ssyncset.done $0x0  }
0x1d1: {  	[sflag:s25] =	ssyncadd.s32 $0xFFFFC000  }
0x1d2: {  	[spmem:s1] =	stream.indirect.scatter.add.f32 [tilespmem:s20], [sflag:$0x3], $0x80, s0, s23, $0xb8;
	[tilespmem:$0x1C8C0] =	vst v63  }
0x1d3: {  	_ =	swait.ge [sflag:s21], $0x4000  }
0x1d4: {  	[sflag:s21] =	ssyncset.done $0x0  }
0x1d5: {  	[sflag:s21] =	ssyncadd.s32 $0xFFFFC000  }
0x1d6: {  	[tilespmem:s20], [sflag:$0x1] =	stream.indirect.gather [hbm4b:s3+s23], $0x80, s4, s23, $0xb8;
	[tilespmem:$0x1C8C0] =	vst v63  }
0x1d7: {  	_ =	swait.ge [sflag:s26], $0x4000  }
0x1d8: {  	[sflag:s26] =	ssyncset.done $0x0  }
0x1d9: {  	[sflag:s26] =	ssyncadd.s32 $0xFFFFC000  }
0x1da: {  	[spmem:s1] =	stream.indirect.scatter.add.f32 [tilespmem:s24], [sflag:$0x3], $0x80, s13, s23, $0xb8;
	[tilespmem:$0x1C8C0] =	vst v63  }
0x1db: {  	_ =	swait.ge [sflag:s21], $0x4000  }
0x1dc: {  	[sflag:s21] =	ssyncset.done $0x0  }
0x1dd: {  	[sflag:s21] =	ssyncadd.s32 $0xFFFFC000  }
0x1de: {  	[tilespmem:s24], [sflag:$0x2] =	stream.indirect.gather [hbm4b:s3+s23], $0x80, s14, s23, $0xb8;
	[tilespmem:$0x1C8C0] =	vst v63  }
0x1df: {  	_ =	swait.ge [sflag:s25], $0x4000  }
0x1e0: {  	[sflag:s25] =	ssyncset.done $0x0  }
0x1e1: {  	[sflag:s25] =	ssyncadd.s32 $0xFFFFC000  }
0x1e2: {  	[spmem:s1] =	stream.indirect.scatter.add.f32 [tilespmem:s20], [sflag:$0x3], $0x80, s15, s23, $0xb8;
	[tilespmem:$0x1C8C0] =	vst v63  }
0x1e3: {  	_ =	swait.ge [sflag:s21], $0x4000  }
0x1e4: {  	[sflag:s21] =	ssyncset.done $0x0  }
0x1e5: {  	[sflag:s21] =	ssyncadd.s32 $0xFFFFC000  }
0x1e6: {  	[tilespmem:s20], [sflag:$0x1] =	stream.indirect.gather [hbm4b:s3+s23], $0x80, s16, s23, $0xb8;
	[tilespmem:$0x1C8C0] =	vst v63  }
0x1e7: {  	_ =	swait.ge [sflag:s26], $0x4000  }
0x1e8: {  	[sflag:s26] =	ssyncset.done $0x0  }
0x1e9: {  	[sflag:s26] =	ssyncadd.s32 $0xFFFFC000  }
0x1ea: {  	[spmem:s1] =	stream.indirect.scatter.add.f32 [tilespmem:s24], [sflag:$0x3], $0x80, s17, s23, $0xb8;
	[tilespmem:$0x1C8C0] =	vst v63  }
0x1eb: {  	_ =	swait.ge [sflag:s21], $0x4000  }
0x1ec: {  	[sflag:s21] =	ssyncset.done $0x0  }
0x1ed: {  	[sflag:s21] =	ssyncadd.s32 $0xFFFFC000  }
0x1ee: {  	[tilespmem:s24], [sflag:$0x2] =	stream.indirect.gather [hbm4b:s3+s23], $0x80, s18, s23, $0xb8;
	[tilespmem:$0x1C8C0] =	vst v63  }
0x1ef: {  	_ =	swait.ge [sflag:s25], $0x4000  }
0x1f0: {  	[sflag:s25] =	ssyncset.done $0x0  }
0x1f1: {  	[sflag:s25] =	ssyncadd.s32 $0xFFFFC000  }
0x1f2: {  	[spmem:s1] =	stream.indirect.scatter.add.f32 [tilespmem:s20], [sflag:$0x3], $0x80, s19, s23, $0xb8;
	[tilespmem:$0x1C8C0] =	vst v63  }
0x1f3: {  	_ =	swait.ge [sflag:s21], $0x4000  }
0x1f4: {  	[sflag:s21] =	ssyncset.done $0x0  }
0x1f5: {  	[sflag:s21] =	ssyncadd.s32 $0xFFFFC000  }
0x1f6: {  	_ =	swait.ge [sflag:s26], $0x4000  }
0x1f7: {  	[sflag:s26] =	ssyncset.done $0x0  }
0x1f8: {  	[sflag:s26] =	ssyncadd.s32 $0xFFFFC000  }
0x1f9: {  	[spmem:s1] =	stream.indirect.scatter.add.f32 [tilespmem:s24], [sflag:$0x3], $0x80, s7, s23, $0xb8;
	[tilespmem:$0x1C8C0] =	vst v63  }
0x1fa: {  	_ =	swait.ge [sflag:s21], $0x4000  }
0x1fb: {  	[sflag:s21] =	ssyncset.done $0x0  }
0x1fc: {  	[sflag:s21] =	ssyncadd.s32 $0xFFFFC000  }
0x1fd: {  	s11 =	stileid.u32;
	[bflag:$0x0] =	sbarrier.arrive $0xFFFF  }
0x1fe: {  	s5 =	sshll.u32 s11, $0x6;
	s12 =	rddreg [dreg:$0x16]  }
0x1ff: {  	s5 =	sor.u32 $0x1C03, s5;
	s11 =	rddreg [dreg:$0x1c];
	s6 =	sshrl.u32 s12, $0x3  }
0x200: {  	[hbm:s11], [sflag:s5] =	dma.local [spmem:s6], $0x800  }
0x201: {  	_ =	swait.ge [sflag:s21], $0x800  }
0x202: {  	[sflag:s21] =	ssyncset.done $0x0;
	s11 =	rddreg [dreg:$0x17]  }
0x203: {  	s12 =	rddreg [dreg:$0x1d];
	[sflag:s21] =	ssyncadd.s32 $0xFFFFF800;
	s6 =	sshrl.u32 s11, $0x3  }
0x204: {  	[hbm:s12], [sflag:s5] =	dma.local [spmem:s6], $0x800  }
0x205: {  	_ =	swait.ge [sflag:s21], $0x800  }
0x206: {  	[sflag:s21] =	ssyncset.done $0x0;
	s11 =	rddreg [dreg:$0x18]  }
0x207: {  	s12 =	rddreg [dreg:$0x1e];
	[sflag:s21] =	ssyncadd.s32 $0xFFFFF800;
	s6 =	sshrl.u32 s11, $0x3  }
0x208: {  	[hbm:s12], [sflag:s5] =	dma.local [spmem:s6], $0x800  }
0x209: {  	_ =	swait.ge [sflag:s21], $0x800  }
0x20a: {  	[sflag:s21] =	ssyncset.done $0x0;
	s11 =	rddreg [dreg:$0x19]  }
0x20b: {  	s12 =	rddreg [dreg:$0x1f];
	[sflag:s21] =	ssyncadd.s32 $0xFFFFF800;
	s6 =	sshrl.u32 s11, $0x3  }
0x20c: {  	[hbm:s12], [sflag:s5] =	dma.local [spmem:s6], $0x800  }
0x20d: {  	_ =	swait.ge [sflag:s21], $0x800  }
0x20e: {  	s12 =	sld [smem:$0x7FB]  }
0x20f: {  	[sflag:s21] =	ssyncset.done $0x0;
	s11 =	rddreg [dreg:$0x1a]  }
0x210: {  	[sflag:s21] =	ssyncadd.s32 $0xFFFFF800;
	s6 =	sshrl.u32 s11, $0x3  }
0x211: {  	[hbm:s12], [sflag:s5] =	dma.local [spmem:s6], $0x700  }
0x212: {  	_ =	swait.ge [sflag:s21], $0x700  }
0x213: {  	s11 =	sld [smem:$0x7FC]  }
0x214: {  	[sflag:s21] =	ssyncset.done $0x0;
	s6 =	rddreg [dreg:$0x1b]  }
0x215: {  	[sflag:s21] =	ssyncadd.s32 $0xFFFFF900;
	s6 =	sshrl.u32 @!p0 s6, $0x3  }
0x216: {  	[hbm:s11], [sflag:s5] =	dma.local @!p0 [spmem:s6], $0x100  }
0x217: {  	_ =	swait.ge @!p0 [sflag:s9], $0x100  }
0x218: {  	s12 =	sld [smem:$0x7FD];
	_ =	sdelay $0x1  }
0x219: {  	s8 =	sadd.s32 $0x1, s8  }
0x21a: {  	p1 =	sne.s32 s8, s12  }
.Ltmp4:
0x21b: {  	_ = 	snop;
	(pc) =	sbr.rel @p1 .LBB2_1-.Ltmp4, $4  }
.Ltmp5:
0x21c: {  	_ = 	snop;
	(pc) =	sbr.rel @!p1 .LBB2_9-.Ltmp5, $4  }
0x21d: {  	_ = 	snop  }
0x21e: {  	[sflag:s9] =	ssyncset.done @!p0 $0x0  }
0x21f: {  	[sflag:s9] =	ssyncadd.s32 @!p0 $0xFFFFFF00  }
0x220: {  	_ = 	snop  }
.LBB2_4:
.Ltmp6:
0x221: {  	(pc) =	sbr.rel .LBB2_8-.Ltmp6, $2  }
0x222: {  	_ =	sdelay $0x2  }
0x223: {  	s5 =	smov.u32 s10  }
.LBB2_6:
.Ltmp7:
0x224: {  	(pc) =	sbr.rel .LBB2_8-.Ltmp7, $2  }
0x225: {  	_ =	sdelay $0x2  }
0x226: {  	s5 =	smov.u32 s10  }
.LBB2_9:
0x227: {  	_ =	sfence.sel $0x180000  }
0x228: {  	[bflag:$0x0] =	sbarrier.arrive $0xFFFF  }
0x229: {  	_ =	strace $0x9000004D  }
0x22a: {  	s0 =	stileid.u32;
	[bflag:$0x2] =	sbarrier.arrive $0xFFFF  }
0x22b: {  	p0 =	sne.s32 s0, $0x0;
	s0 =	rddreg [dreg:$0x3]  }
0x22c: {  	s0 =	sadd.s32 @!p0 $0x100000, s0  }
0x22d: {  	[sflag:s0] =	ssyncadd.tile.s32 @!p0 $0x1;
	_ =	shalt  }
.Lfunc_end2:
_tile_overlayer_lowered:
.L_overlay_start_2:
0x22e: {  	(tag) =	ssettag $0x2  }
0x22f: {  	s0 =	rddreg [dreg:$0x0];
	s2 =	stileid.u32  }
0x230: {  	s1 =	rddreg [dreg:$0x1];
	p0 =	sne.s32 s2, $0x0  }
0x231: {  	s3 =	rddreg [dreg:$0x2];
	[bflag:$0x3] =	sbarrier.arrive $0xFFFF;
	s2 =	simm.s32 @!p0 $0x1C03  }
0x232: {  	[timem:s3], [sflag:s2] =	dma.local @!p0 [hbm:s0], s1  }
0x233: {  	s0 =	simm.s32 @!p0 $0x3  }
0x234: {  	_ =	swait.ge @!p0 [sflag:s0], s1  }
0x235: {  	s1 =	ssub.s32 @!p0 $0x0, s1;
	[sflag:s0] =	ssyncset.done @!p0 $0x0  }
0x236: {  	[sflag:s0] =	ssyncadd.s32 @!p0 s1  }
0x237: {  	[bflag:$0x3] =	sbarrier.arrive $0xFFFF  }
0x238: {  	_ =	shalt  }

// kernel: kernel.7.cloned.1.call-start
scs
__scs_entry_jumppad:
0x0: {  	(pc) =	sbr.rel $0x88, $3  }
0x1: {  	(tag) =	ssettag $0x0;
	lr =	simm.s32 $0x1  }
0x2: {  	[smem:$0x3F99] =	sst lr;
	_ =	strace $0xD0000000  }
0x3: {  	_ = 	snop  }
0x4: {  	_ = 	snop  }
0x5: {  	_ = 	snop  }
0x6: {  	_ = 	snop  }
0x7: {  	_ = 	snop  }
__scs_overlays_trampoline_lowered:
0x8: {  	[smem:$0x3FA8] =	sst s0  }
0x9: {  	[smem:$0x3FA9] =	sst s1  }
0xa: {  	[smem:$0x3FAA] =	sst s2  }
0xb: {  	[smem:$0x3FAB] =	sst s3  }
0xc: {  	[smem:$0x3FAC] =	sst s4  }
0xd: {  	[smem:$0x3FAD] =	sst s5  }
0xe: {  	[smem:$0x3FAE] =	sst s6  }
0xf: {  	[smem:$0x3FAF] =	sst s7  }
0x10: {  	[smem:$0x3FB0] =	sst s8  }
0x11: {  	[smem:$0x3FB1] =	sst s9;
	s0 =	simm.s32 @!p0 $0x0  }
0x12: {  	s1 =	sld [smem:$0x3F97];
	s0 =	simm.s32 @p0 $0x1  }
0x13: {  	[smem:$0x3FB2] =	sst s0;
	s0 =	simm.s32 @!p1 $0x0  }
0x14: {  	s2 =	sld [smem:$0x3F96];
	s0 =	simm.s32 @p1 $0x1  }
0x15: {  	[smem:$0x3FB3] =	sst s0;
	s0 =	simm.s32 @!p2 $0x0  }
0x16: {  	s3 =	sld [smem:$0x3FDB];
	s0 =	simm.s32 @p2 $0x1  }
0x17: {  	s4 =	simm.s32 $0x1BF5;
	[smem:$0x3FB5] =	sst s0  }
0x18: {  	s0 =	sld [smem:$0x3F98];
	_ =	swait.ge [sflag:s4], $0x0  }
0x19: {  	s7 =	sld [smem:$0x3F99]  }
0x1a: {  	s8 =	sadd.s32 $0xFFFFE003, lr  }
0x1b: {  	s9 =	sadd.s32 $0xFFFFFEF7, lr;
	s5 =	simm.s32 $0xFFFFFFFF;
	p2 =	slt.u32 s8, $0xFFFFF086  }
0x1c: {  	p1 =	slt.u32 s9, $0xF7A;
	s5 =	simm.s32 @!p2 $0x0  }
0x1d: {  	s5 =	simm.s32 @p1 $0x1;
	p0 =	seq.s32 s7, s2  }
0x1e: {  	s7 =	smul.u32 @!p0 $0xF7A, s2;
	p2 =	seq.s32 @!p0 s5, $0x0  }
0x1f: {  	s9 =	smul.u32 $0xF7A, s1;
	s8 =	simm.s32 @!p0 $0x1BF5;
	p2 =	por !p2, p0  }
0x20: {  	[sflag:s8] =	ssyncset.s32 @!p0 $0xFFFFF086;
	s6 =	sadd.s32 @!p0 s3, s7;
	s7 =	simm.s32 @!p0 $0x108  }
0x21: {  	s3 =	sadd.s32 s3, s9;
	s6 =	sadd.s32 @!p0 $0x88, s6;
	s7 =	simm.s32 @p2 $0x1082  }
0x22: {  	[simem:s7], [sflag:s8] =	dma.local @!p0 [hbm:s6], $0xF7A  }
0x23: {  	s9 =	sor.u32 $0xD0000000, s2;
	s6 =	simm.s32 $0x108;
	_ =	swait.ge @!p0 [sflag:s8], $0x0  }
0x24: {  	s3 =	sadd.s32 $0x88, s3;
	s6 =	simm.s32 @!p1 $0x1082;
	[sflag:s4] =	ssyncset.s32 $0xFFFFF086  }
0x25: {  	[simem:s6], [sflag:s4] =	dma.local [hbm:s3], $0xF7A  }
0x26: {  	[smem:$0x3F99] =	sst s1;
	(tag) =	ssettag s2;
	_ =	strace s9  }
0x27: {  	s1 =	sld [smem:$0x3FA9]  }
0x28: {  	s2 =	sld [smem:$0x3FAA]  }
0x29: {  	s4 =	sld [smem:$0x3FAC]  }
0x2a: {  	p0 =	seq.s32 s5, $0x0;
	s5 =	sld [smem:$0x3FAD]  }
0x2b: {  	s6 =	sld [smem:$0x3FAE]  }
0x2c: {  	s7 =	sld [smem:$0x3FAF]  }
0x2d: {  	s3 =	simm.s32 $0x108;
	s8 =	sld [smem:$0x3FB0]  }
0x2e: {  	s3 =	simm.s32 @!p0 $0x1082;
	s9 =	sld [smem:$0x3FB1]  }
0x2f: {  	lr =	sadd.s32 s0, s3;
	s0 =	sld [smem:$0x3FA8]  }
0x30: {  	s3 =	sld [smem:$0x3FAB]  }
0x31: {  	[smem:$0x3FB4] =	sst s10  }
0x32: {  	s10 =	sld [smem:$0x3FB2];
	_ =	sdelay $0x3  }
0x33: {  	p0 =	seq.s32 s10, $0x1;
	s10 =	sld [smem:$0x3FB4];
	_ =	sdelay $0x3  }
0x34: {  	[smem:$0x3FB4] =	sst s10  }
0x35: {  	s10 =	sld [smem:$0x3FB3];
	_ =	sdelay $0x3  }
0x36: {  	p1 =	seq.s32 s10, $0x1;
	s10 =	sld [smem:$0x3FB4];
	_ =	sdelay $0x3  }
0x37: {  	[smem:$0x3FB4] =	sst s10  }
0x38: {  	s10 =	sld [smem:$0x3FB5]  }
0x39: {  	_ = 	snop;
	(pc) =	sbr.ind lr, $3  }
0x3a: {  	_ = 	snop  }
0x3b: {  	_ = 	snop  }
0x3c: {  	p2 =	seq.s32 s10, $0x1;
	s10 =	sld [smem:$0x3FB4]  }
0x3d: {  	_ =	shalt  }
0x3e: {  	_ =	shalt  }
0x3f: {  	_ =	shalt  }
0x40: {  	_ =	shalt  }
0x41: {  	_ =	shalt  }
0x42: {  	_ =	shalt  }
0x43: {  	_ =	shalt  }
0x44: {  	_ =	shalt  }
0x45: {  	_ =	shalt  }
0x46: {  	_ =	shalt  }
0x47: {  	_ =	shalt  }
0x48: {  	_ =	shalt  }
0x49: {  	_ =	shalt  }
0x4a: {  	_ =	shalt  }
0x4b: {  	_ =	shalt  }
0x4c: {  	_ =	shalt  }
0x4d: {  	_ =	shalt  }
0x4e: {  	_ =	shalt  }
0x4f: {  	_ =	shalt  }
0x50: {  	_ =	shalt  }
0x51: {  	_ =	shalt  }
0x52: {  	_ =	shalt  }
0x53: {  	_ =	shalt  }
0x54: {  	_ =	shalt  }
0x55: {  	_ =	shalt  }
0x56: {  	_ =	shalt  }
0x57: {  	_ =	shalt  }
0x58: {  	_ =	shalt  }
0x59: {  	_ =	shalt  }
0x5a: {  	_ =	shalt  }
0x5b: {  	_ =	shalt  }
0x5c: {  	_ =	shalt  }
0x5d: {  	_ =	shalt  }
0x5e: {  	_ =	shalt  }
0x5f: {  	_ =	shalt  }
0x60: {  	_ =	shalt  }
0x61: {  	_ =	shalt  }
0x62: {  	_ =	shalt  }
0x63: {  	_ =	shalt  }
0x64: {  	_ =	shalt  }
0x65: {  	_ =	shalt  }
0x66: {  	_ =	shalt  }
0x67: {  	_ =	shalt  }
0x68: {  	_ =	shalt  }
0x69: {  	_ =	shalt  }
0x6a: {  	_ =	shalt  }
0x6b: {  	_ =	shalt  }
0x6c: {  	_ =	shalt  }
0x6d: {  	_ =	shalt  }
0x6e: {  	_ =	shalt  }
0x6f: {  	_ =	shalt  }
0x70: {  	_ =	shalt  }
0x71: {  	_ =	shalt  }
0x72: {  	_ =	shalt  }
0x73: {  	_ =	shalt  }
0x74: {  	_ =	shalt  }
0x75: {  	_ =	shalt  }
0x76: {  	_ =	shalt  }
0x77: {  	_ =	shalt  }
0x78: {  	_ =	shalt  }
0x79: {  	_ =	shalt  }
0x7a: {  	_ =	shalt  }
0x7b: {  	_ =	shalt  }
0x7c: {  	_ =	shalt  }
0x7d: {  	_ =	shalt  }
0x7e: {  	_ =	shalt  }
0x7f: {  	_ =	shalt  }
0x80: {  	_ =	shalt  }
0x81: {  	_ =	shalt  }
0x82: {  	_ =	shalt  }
0x83: {  	_ =	shalt  }
0x84: {  	_ =	shalt  }
0x85: {  	_ =	shalt  }
0x86: {  	_ =	shalt  }
0x87: {  	_ =	shalt  }
.Lfunc_end0:
.L_simem_size_0:
called_computation_lowered:
.L_overlay_start_0:
0x88: {  	s2 =	sld [smem:$0x3FD9]  }
0x89: {  	s3 =	sld [smem:$0x3FFE];
	_ =	sdelay $0x1  }
0x8a: {  	s1 =	srdreg.scid  }
0x8b: {  	s0 =	sand.u32 $0x1, s1  }
0x8c: {  	s16 =	sshll.u32 s0, $0xA;
	s2 =	sadd.s32 s3, s2  }
0x8d: {  	s2 =	sadd.s32 s2, s16  }
0x8e: {  	[smem:$0x3FC0] =	sst s2  }
0x8f: {  	_ = 	snop  }
0x90: {  	(tm) =	ssettm $0x1  }
0x91: {  	s17 =	sld [smem:$0x3FFB];
	_ =	sdelay $0x3  }
0x92: {  	_ =	strace s17  }
0x93: {  	s2 =	sld [smem:$0x3FFC];
	_ =	sdelay $0x3  }
0x94: {  	_ =	strace s2  }
0x95: {  	s2 =	sld [smem:$0x3FFD];
	_ =	sdelay $0x3  }
0x96: {  	_ =	strace s2  }
0x97: {  	_ =	strace $0x8FFFFFFF  }
0x98: {  	s18 =	sld [smem:$0x3FDB];
	_ =	sdelay $0x1  }
0x99: {  	s19 =	simm.s32 $_scs_section_size  }
0x9a: {  	s4 =	simm.s32 $_size__tile_overlayer_lowered;
	s5 =	simm.s32 $_tile_overlayer_lowered  }
0x9b: {  	s22 =	simm.s32 $0x1BFF;
	s21 =	sshll.u32 s5, $0x1;
	s2 =	sadd.s32 s19, s18  }
0x9c: {  	s6 =	simm.s32 $0x0;
	s20 =	sshll.u32 s4, $0x1;
	s4 =	sadd.s32 s21, s2  }
0x9d: {  	[timem:s6], [sflag:s22] =	dma.local [hbm:s4], s20  }
0x9e: {  	_ =	swait.ge [sflag:s22], s20  }
0x9f: {  	s3 =	ssub.s32 $0x0, s20;
	[sflag:s22] =	ssyncset.done $0x0  }
0xa0: {  	[sflag:s22] =	ssyncadd.s32 s3;
	_ =	sdelay $0x1  }
0xa1: {  	s23 =	simm.s32 $0x1B8B  }
0xa2: {  	_ =	swait.ge [sflag:s23], $0x1  }
0xa3: {  	[sflag:s23] =	ssyncset.done $0x0  }
0xa4: {  	s25 =	simm.s32 $0x1B8E;
	s24 =	sld [smem:$0x3FFE];
	[sflag:s23] =	ssyncadd.s32 $0xFFFFFFFF  }
0xa5: {  	s26 =	simm.s32 $execute0_lowered;
	[smem:$0x3FD2] =	sst s25  }
0xa6: {  	s4 =	sshll.u32 s26, $0x1;
	_ =	strace $0x80000046;
	[dreg:$0x1] =	wrdreg $0xFFFFFFFF  }
0xa7: {  	s28 =	simm.s32 $_size_execute0_lowered;
	s2 =	sadd.s32 s2, s4;
	[dreg:$0x0] =	wrdreg $0x0  }
0xa8: {  	s4 =	sshll.u32 s28, $0x1;
	[dreg:$0x2] =	wrdreg s2  }
0xa9: {  	[dreg:$0x3] =	wrdreg s4  }
0xaa: {  	[dreg:$0x4] =	wrdreg $0xC0  }
0xab: {  	_ =	task [dreg:s6], $0x5FFFF  }
0xac: {  	[dreg:$0x1] =	wrdreg $0xFFFFFFFF  }
0xad: {  	[dreg:$0x0] =	wrdreg $0x60  }
0xae: {  	[dreg:$0x2] =	wrdreg s24  }
0xaf: {  	[dreg:$0x3] =	wrdreg $0x9  }
0xb0: {  	_ =	task.clear_ibuf [dreg:s6], $0x4FFFF;
	_ =	strace $0x90000046  }
0xb1: {  	s29 =	simm.s32 $0x9;
	_ =	strace $0x80000048  }
0xb2: {  	_ =	swait.ge [sflag:s29], $0x1  }
0xb3: {  	[sflag:s29] =	ssyncadd.s32 $0xFFFFFFFF  }
0xb4: {  	_ =	strace $0x90000048  }
0xb5: {  	_ =	sfence  }
0xb6: {  	s30 =	sld [smem:$0x0];
	_ =	sdelay $0x2  }
0xb7: {  	s31 =	sshll.u32 s1, $0xD;
	s1 =	sshrl.u32 s1, $0x2  }
0xb8: {  	s3 =	sand.u32 $0x4000, s31;
	s1 =	sadd.s32 s1, s30  }
0xb9: {  	s0 =	sor.u32 s3, s0;
	s1 =	sshll.u32 s1, $0x11  }
0xba: {  	s0 =	sor.u32 s1, s0  }
0xbb: {  	s0 =	sadd.s32 $0x8F2B, s0  }
0xbc: {  	[sflag:s0] =	ssyncadd.remote.s32 $0x1  }
0xbd: {  	_ =	sfence.sel $0xFFFF  }
0xbe: {  	[dreg:$0x0] =	wrdreg $0xFFFFFFFF;
	(pc) =	sbr.abs _section_cstart, $3  }
0xbf: {  	[dreg:$0x1] =	wrdreg $0xFFFFFFFF  }
0xc0: {  	_ =	task.clear_ibuf [dreg:s6], $0x2FFFF;
	_ =	strace $0x9FFFFFFF  }
0xc1: {  	(tm) =	ssettm $0x7FFFFFFF  }
tec
execute0_lowered:
.L_overlay_start_1:
0x0: {  	(tag) =	ssettag $0x1  }
0x1: {  	s1 =	srdreg.scid  }
0x2: {  	s0 =	stileid.u32;
	s4 =	rddreg [dreg:$0x0];
	s2 =	simm.s32 $0x0  }
0x3: {  	s9 =	simm.s32 $0x0;
	s3 =	sand.u32 $0x1, s1;
	s5 =	sshll.u32 s0, $0x1  }
0x4: {  	s1 =	rddreg [dreg:$0x1];
	s5 =	sor.u32 s3, s5;
	s7 =	ssub.s32 $0x2, s3  }
0x5: {  	[smem:$0x7FF] =	sst s2;
	s6 =	smul.u32 $0x4E4, s5;
	s8 =	sshrl.u32 s7, $0x1  }
0x6: {  	_ =	strace $0x80000047;
	s3 =	sadd.s32 $0x2600, s4;
	s7 =	ssub.s32 s7, s8  }
0x7: {  	s8 =	simm.s32 $0x800;
	s6 =	sadd.s32 s6, s4;
	s4 =	smul.u32 $0x2800, s5  }
0x8: {  	v0 =	vimm.f32 $0.0e+00;
	v1 =	vimm.f32 $1.000000000e+00;
	s5 =	sadd.s32 $0x16600, s6;
	s6 =	smax.u32 s7, $0x1;
	s7 =	simm.s32 $0x1  }
.LBB2_1:
0x9: {  	s10 =	simm.s32 $0x40;
	s11 =	simm.s32 $0x0  }
.LBB2_2:
0xa: {  	p0 =	sne.s32 s10, $0x9C40;
	[tilespmem:s11+$0x800] =	vst v0;
	s11 =	smov.u32 s10;
	s10 =	sadd.s32 $0x40, s10  }
.Ltmp0:
0xb: {  	(pc) =	sbr.rel @p0 .LBB2_2-.Ltmp0, $2  }
0xc: {  	_ =	sdelay $0x2  }
0xd: {  	s11 =	sshra.s32 s11, $0x2  }
0xe: {  	[tilespmem:s11+$0x800] =	vst v0;
	s10 =	simm.s32 $0x0;
	s11 =	simm.s32 $0x0  }
.LBB2_4:
0xf: {  	s12 =	sshll.u32 s11, $0xB  }
0x10: {  	s12 =	sadd.s32 s4, s12  }
0x11: {  	s12 =	sshrl.u32 s12, $0x3  }
0x12: {  	s12 =	sadd.s32 s3, s12  }
0x13: {  	[tilespmem:s10], [sflag:$0x1] =	stream.linear.gather [hbm4b:s12+s10], $0x800, $0x38;
	[tilespmem:$0x2F80] =	vst v63  }
0x14: {  	_ =	swait.ge [sflag:s7], $0x800  }
0x15: {  	[sflag:s7] =	ssyncset.done $0x0  }
0x16: {  	s12 =	simm.s32 $0x0;
	[sflag:s7] =	ssyncadd.s32 $0xFFFFF800  }
.LBB2_5:
0x17: {  	s13 =	sshra.s32 s12, $0x2  }
0x18: {  	v2 =	vld [tilespmem:s13+$0x0];
	_ =	sdelay $0x7  }
0x19: {  	[tilespmem:v2+s8+$0x0] =	vst.idx.add.f32.msk $0xffff, v1  }
0x1a: {  	v2 =	vld [tilespmem:s13+$0x10];
	_ =	sdelay $0x7  }
0x1b: {  	[tilespmem:v2+s8+$0x0] =	vst.idx.add.f32.msk $0xffff, v1  }
0x1c: {  	v2 =	vld [tilespmem:s13+$0x20];
	_ =	sdelay $0x7  }
0x1d: {  	[tilespmem:v2+s8+$0x0] =	vst.idx.add.f32.msk $0xffff, v1  }
0x1e: {  	v2 =	vld [tilespmem:s13+$0x30];
	_ =	sdelay $0x7  }
0x1f: {  	[tilespmem:v2+s8+$0x0] =	vst.idx.add.f32.msk $0xffff, v1  }
0x20: {  	v2 =	vld [tilespmem:s13+$0x40];
	_ =	sdelay $0x7  }
0x21: {  	[tilespmem:v2+s8+$0x0] =	vst.idx.add.f32.msk $0xffff, v1  }
0x22: {  	v2 =	vld [tilespmem:s13+$0x50];
	_ =	sdelay $0x7  }
0x23: {  	[tilespmem:v2+s8+$0x0] =	vst.idx.add.f32.msk $0xffff, v1  }
0x24: {  	v2 =	vld [tilespmem:s13+$0x60];
	_ =	sdelay $0x7  }
0x25: {  	[tilespmem:v2+s8+$0x0] =	vst.idx.add.f32.msk $0xffff, v1  }
0x26: {  	v2 =	vld [tilespmem:s13+$0x70];
	_ =	sdelay $0x2  }
0x27: {  	p0 =	sne.s32 s12, $0x1E00  }
.Ltmp1:
0x28: {  	_ = 	snop;
	(pc) =	sbr.rel @p0 .LBB2_5-.Ltmp1, $2  }
0x29: {  	_ =	sdelay $0x2  }
0x2a: {  	s12 =	sadd.s32 $0x200, s12;
	[tilespmem:v2+s8+$0x0] =	vst.idx.add.f32.msk $0xffff, v1  }
0x2b: {  	s11 =	sadd.s32 $0x1, s11  }
0x2c: {  	p0 =	sne.s32 s11, $0x5  }
.Ltmp2:
0x2d: {  	_ = 	snop;
	(pc) =	sbr.rel @p0 .LBB2_4-.Ltmp2, $1  }
0x2e: {  	_ =	sdelay $0x3  }
0x2f: {  	s9 =	sadd.s32 $0x1, s9  }
0x30: {  	p0 =	sne.s32 s9, s6  }
.Ltmp3:
0x31: {  	_ = 	snop;
	(pc) =	sbr.rel @p0 .LBB2_1-.Ltmp3, $4  }
0x32: {  	[hbm4b:s5+s2] =	stream.linear.scatter [tilespmem:s8], [sflag:$0x1], $0x2720, $0x38;
	[tilespmem:$0x2F80] =	vst v63  }
0x33: {  	_ =	swait.ge [sflag:s7], $0x2720  }
0x34: {  	[sflag:s7] =	ssyncset.done $0x0  }
0x35: {  	[sflag:s7] =	ssyncadd.s32 $0xFFFFD8E0  }
0x36: {  	_ =	sfence.sel $0x180000  }
0x37: {  	[bflag:$0x0] =	sbarrier.arrive $0xFFFF  }
0x38: {  	p0 =	sne.s32 s0, $0x0;
	_ =	strace $0x90000047  }
0x39: {  	s0 =	sadd.s32 @!p0 $0x100000, s1;
	[bflag:$0x2] =	sbarrier.arrive $0xFFFF  }
0x3a: {  	[sflag:s0] =	ssyncadd.tile.s32 @!p0 $0x1;
	_ =	shalt  }
.Lfunc_end2:
_tile_overlayer_lowered:
.L_overlay_start_2:
0x3b: {  	(tag) =	ssettag $0x2  }
0x3c: {  	s0 =	rddreg [dreg:$0x0];
	s2 =	stileid.u32  }
0x3d: {  	s1 =	rddreg [dreg:$0x1];
	p0 =	sne.s32 s2, $0x0  }
0x3e: {  	s3 =	rddreg [dreg:$0x2];
	[bflag:$0x3] =	sbarrier.arrive $0xFFFF;
	s2 =	simm.s32 @!p0 $0x1C01  }
0x3f: {  	[timem:s3], [sflag:s2] =	dma.local @!p0 [hbm:s0], s1  }
0x40: {  	s0 =	simm.s32 @!p0 $0x1  }
0x41: {  	_ =	swait.ge @!p0 [sflag:s0], s1  }
0x42: {  	s1 =	ssub.s32 @!p0 $0x0, s1;
	[sflag:s0] =	ssyncset.done @!p0 $0x0  }
0x43: {  	[sflag:s0] =	ssyncadd.s32 @!p0 s1  }
0x44: {  	[bflag:$0x3] =	sbarrier.arrive $0xFFFF  }
0x45: {  	_ =	shalt  }

</sc_bundles>
